<compile_context>
chip_gen: v7x
topology: tpu7x:2x2x1
jax: 0.10.2.dev20260603
libtpu: 0.0.44.dev20260713+nightly
codegen_flags: <defaults>
</compile_context>

<pallas_src>
import functools

import jax
import jax.numpy as jnp
from jax import lax
from jax.experimental import pallas as pl
from jax.experimental.pallas import tpu as pltpu
from jax.experimental.pallas import tpu_sc as plsc

_NCORES = 2
_NSUB = 16
_NW = _NCORES * _NSUB
_CSZ = 128
_K = 10


def _tc_pack_table(table_t):
    d, v = table_t.shape
    wpr = d // 2
    sec = 128 // wpr
    lblk = 2048
    nblk = -(-v // (sec * lblk))

    def body(*refs):
        o_ref = refs[-1]
        xs = jnp.concatenate(
            [refs[u][...][:wpr] for u in range(sec)]
            + [refs[u][...][wpr:] for u in range(sec)],
            axis=0,
        )
        t = jnp.transpose(xs)
        zlo = lax.bitcast_convert_type(t[:, :128], jnp.int32)
        zhi = lax.bitcast_convert_type(t[:, 128:], jnp.int32)
        rlo = ((zlo + 0x7FFF + ((zlo >> 16) & 1)) >> 16) & 0xFFFF
        rhi = ((zhi + 0x7FFF + ((zhi >> 16) & 1)) >> 16) & 0xFFFF
        o_ref[...] = rlo | (rhi << 16)

    maxblk = (v - 1) // lblk

    return pl.pallas_call(
        body,
        grid=(nblk,),
        in_specs=[
            pl.BlockSpec(
                (d, lblk),
                functools.partial(
                    lambda u, i: (0, jnp.minimum(i * sec + u, maxblk)), u
                ),
            )
            for u in range(sec)
        ],
        out_specs=pl.BlockSpec((lblk, 128), lambda i: (i, 0)),
        out_shape=jax.ShapeDtypeStruct((nblk * lblk, 128), jnp.int32),
    )(*([table_t] * sec))


def _sc_gather(idx, table):
    nw, chunks, csz = idx.shape
    _, d = table.shape
    per_w = chunks * csz
    n = nw * per_w
    groups = chunks // _K
    half = groups // 2
    mesh = plsc.VectorSubcoreMesh(core_axis_name="c", subcore_axis_name="s")

    @functools.partial(
        pl.kernel,
        out_type=jax.ShapeDtypeStruct((n, d), table.dtype),
        mesh=mesh,
        compiler_params=pltpu.CompilerParams(use_tc_tiling_on_sc=False, skip_device_barrier=True),
        scratch_types=[
            pltpu.VMEM((chunks, csz), jnp.int32),
            pltpu.VMEM((2 * _K, csz, d), table.dtype),
            pltpu.SemaphoreType.DMA,
            pltpu.SemaphoreType.DMA,
        ],
    )
    def gather_kernel(idx_hbm, table_hbm, out_hbm, idx_v, rows_v, gsem, wsem):
        wid = lax.axis_index("s") * _NCORES + lax.axis_index("c")
        base = wid * per_w
        pltpu.sync_copy(idx_hbm.at[wid], idx_v)

        def issue_gathers(g, setoff):
            for b in range(_K):
                pltpu.async_copy(
                    table_hbm.at[idx_v.at[g * _K + b]],
                    rows_v.at[setoff + b],
                    gsem,
                )

        def drain_g(setoff):
            for b in range(_K):
                pltpu.make_async_copy(
                    table_hbm.at[pl.ds(0, csz)], rows_v.at[setoff + b], gsem
                ).wait()

        def issue_wb(g, setoff):
            for b in range(_K):
                pltpu.async_copy(
                    rows_v.at[setoff + b],
                    out_hbm.at[pl.ds(base + (g * _K + b) * csz, csz)],
                    wsem,
                )

        def drain_wb(setoff):
            for b in range(_K):
                pltpu.make_async_copy(
                    rows_v.at[setoff + b], out_hbm.at[pl.ds(0, csz)], wsem
                ).wait()

        issue_gathers(0, 0)

        def body(h, carry):
            ge = 2 * h
            go = 2 * h + 1
            drain_g(0)
            issue_wb(ge, 0)

            @pl.when(h >= 1)
            def _():
                drain_wb(_K)

            issue_gathers(go, _K)
            drain_wb(0)
            @pl.when(h + 1 < half)
            def _():
                issue_gathers(ge + 2, 0)

            drain_g(_K)
            issue_wb(go, _K)
            return carry

        lax.fori_loop(0, half, body, 0)
        drain_wb(_K)

    return gather_kernel(idx, table)


def _tc_head(x128, wlo, whi, b, bsz, nt):
    nc = wlo.shape[2]
    bb = 2048
    nb = bsz // bb

    def body(x_ref, wlo_ref, whi_ref, b_ref, o_ref):
        t = pl.program_id(1)
        w = x_ref[...]
        flo = lax.bitcast_convert_type(w << 16, jnp.float32)
        fhi = lax.bitcast_convert_type(w & jnp.int32(-65536), jnp.float32)
        p = jnp.dot(jax.nn.gelu(flo), wlo_ref[0], preferred_element_type=jnp.float32)
        p += jnp.dot(jax.nn.gelu(fhi), whi_ref[0], preferred_element_type=jnp.float32)

        @pl.when(t == 0)
        def _():
            o_ref[...] = p + b_ref[...]

        @pl.when(t > 0)
        def _():
            o_ref[...] += p

    return pl.pallas_call(
        body,
        grid=(nb, nt),
        in_specs=[
            pl.BlockSpec((bb, 128), lambda i, t: (t * nb + i, 0)),
            pl.BlockSpec((1, 128, nc), lambda i, t: (t, 0, 0)),
            pl.BlockSpec((1, 128, nc), lambda i, t: (t, 0, 0)),
            pl.BlockSpec((1, nc), lambda i, t: (0, 0)),
        ],
        out_specs=pl.BlockSpec((bb, nc), lambda i, t: (i, 0)),
        out_shape=jax.ShapeDtypeStruct((bsz, nc), jnp.float32),
    )(x128, wlo, whi, b)


def kernel(x, table, W_proj, b_proj):
    bsz, s = x.shape
    v, d = table.shape
    nc = W_proj.shape[1]
    n = bsz * s
    wpr = d // 2
    sec = 128 // wpr
    lblk = 2048
    grp = sec * lblk
    upack = 128 // wpr
    nt = s // upack
    chunks = n // (_NW * _CSZ)

    table_pack = _tc_pack_table(table.T)
    vpad = table_pack.shape[0] * sec
    table_lin = table_pack.reshape(vpad, wpr)
    xt = x.astype(jnp.int32)
    xq0 = (xt // grp) * grp + (xt % lblk) * sec + (xt // lblk) % sec
    xq = xq0.reshape(bsz, nt, upack).transpose(1, 0, 2)
    idx = xq.reshape(_NW, chunks, _CSZ)
    xe = _sc_gather(idx, table_lin)
    x128 = xe.reshape(n * wpr // 128, 128)
    w4 = W_proj.reshape(nt, upack, 2, wpr, nc)
    wlo = w4[:, :, 0].reshape(nt, 128, nc)
    whi = w4[:, :, 1].reshape(nt, 128, nc)
    return _tc_head(x128, wlo, whi, b_proj.reshape(1, nc), bsz, nt)

# --- scband reference (transcript-rebuilt; emitter-appended) ---
"""Pipeline reference for scband-times-net-classifier-wrapper-37821482008978 (READ-ONLY COPY).

The authoritative reference and input builder live on the scoring server;
editing this copy changes nothing except your own understanding.
"""

import jax, jax.numpy as jnp
import numpy as np

B, S, V, D, NC = 4096, 200, 1000000, 32, 10

def setup_inputs(seed: int = 0) -> dict:
    key = jax.random.key(seed)
    k1, k2, k3 = jax.random.split(key, 3)
    x = jax.random.randint(k1, (B, S), 0, V)
    table = jax.random.normal(k2, (V, D), dtype=jnp.float32) * 0.02
    W_proj = jax.random.normal(k3, (S * D, NC), dtype=jnp.float32) * 0.02
    b_proj = jnp.zeros((NC,), dtype=jnp.float32)
    return {"x": x, "table": table, "W_proj": W_proj, "b_proj": b_proj}

def reference(x, table, W_proj, b_proj):
    # embedding lookup: nn.Embedding(num_embeddings, enc_in)(x)
    x_embed = jnp.take(table, x, axis=0)          # [B, S, D]
    # x_mark_enc = torch.ones_like(x, dtype=float32)
    x_mark_enc = jnp.ones(x.shape, dtype=jnp.float32)  # [B, S]
    # base_model.classification(x_embed, x_mark_enc):
    #   nonlinearity, zero-out padded timesteps via mask, flatten, project
    out = jax.nn.gelu(x_embed)                    # activation
    out = out * x_mark_enc[..., None]             # mask multiply (all ones here)
    flat = out.reshape(out.shape[0], -1)          # [B, S*D]
    logits = flat @ W_proj + b_proj               # [B, num_class]
    return logits

if __name__ == "__main__":
    import jax
    _d = setup_inputs()
    print(jax.jit(kernel)(*tuple(_d.values())))

</pallas_src>

<mosaic_0001>
#map = affine_map<(d0, d1) -> (0, 0, 0)>
#map1 = affine_map<(d0, d1) -> (0, 0)>
module attributes {stable_mosaic.version = 14 : i64} {
  func.func @gather_kernel(%arg0: i32, %arg1: i32, %arg2: memref<32x200x128xi32, #tpu.memory_space<hbm>>, %arg3: memref<1015808x16xi32, #tpu.memory_space<hbm>>, %arg4: memref<819200x16xi32, #tpu.memory_space<hbm>>, %arg5: memref<200x128xi32, #tpu.memory_space<vmem>>, %arg6: memref<20x128x16xi32, #tpu.memory_space<vmem>>, %arg7: memref<!tpu.dma_semaphore, #tpu.memory_space<semaphore_mem>>, %arg8: memref<!tpu.dma_semaphore, #tpu.memory_space<semaphore_mem>>) attributes {dimension_semantics = [#tpu.dimension_semantics<core_parallel>, #tpu.dimension_semantics<subcore_parallel>], iteration_bounds = array<i64: 2, 16>, scalar_prefetch = 0 : i64, scratch_operands = 4 : i64, tpu.core_type = #tpu.core_type<sc_vector_subcore>, window_params = [{transform_indices = #map}, {transform_indices = #map1}, {transform_indices = #map1}]} {
    %mul3A = arith.constant 2 : i32
    %mul3A_0 = arith.muli %arg1, %mul3A : i32
    %add3A = arith.addi %mul3A_0, %arg0 : i32
    %mul3A_1 = arith.constant 25600 : i32
    %mul3A_2 = arith.muli %add3A, %mul3A_1 : i32
    "tpu.region"() ({
      %run_scoped3A = tpu.sem_alloc : memref<!tpu.dma_semaphore, #tpu.memory_space<semaphore_mem>>
      %dma_start3A_276 = arith.constant 0 : i32
      %dma_start3A_277 = arith.constant 0 : i32
      %dma_start3A_278 = tpu.memref_slice %arg2[%add3A, %dma_start3A_276, %dma_start3A_277] : memref<32x200x128xi32, #tpu.memory_space<hbm>> -> memref<1x200x128xi32, #tpu.memory_space<hbm>>
      %dma_start3A_279 = tpu.memref_squeeze %dma_start3A_278 : memref<1x200x128xi32, #tpu.memory_space<hbm>> -> memref<200x128xi32, #tpu.memory_space<hbm>>
      %dma_start3A_280 = arith.constant 0 : i32
      %dma_start3A_281 = arith.constant 0 : i32
      %dma_start3A_282 = tpu.memref_slice %arg2[%add3A, %dma_start3A_280, %dma_start3A_281] : memref<32x200x128xi32, #tpu.memory_space<hbm>> -> memref<1x200x128xi32, #tpu.memory_space<hbm>>
      %dma_start3A_283 = tpu.memref_squeeze %dma_start3A_282 : memref<1x200x128xi32, #tpu.memory_space<hbm>> -> memref<200x128xi32, #tpu.memory_space<hbm>>
      tpu.enqueue_dma source(%dma_start3A_283 : memref<200x128xi32, #tpu.memory_space<hbm>>) target(%arg5 : memref<200x128xi32, #tpu.memory_space<vmem>>) target_semaphore(%run_scoped3A : memref<!tpu.dma_semaphore, #tpu.memory_space<semaphore_mem>>)
      %dma_wait3A_284 = arith.constant 0 : i32
      %dma_wait3A_285 = arith.constant 0 : i32
      %dma_wait3A_286 = tpu.memref_slice %arg2[%add3A, %dma_wait3A_284, %dma_wait3A_285] : memref<32x200x128xi32, #tpu.memory_space<hbm>> -> memref<1x200x128xi32, #tpu.memory_space<hbm>>
      %dma_wait3A_287 = tpu.memref_squeeze %dma_wait3A_286 : memref<1x200x128xi32, #tpu.memory_space<hbm>> -> memref<200x128xi32, #tpu.memory_space<hbm>>
      %dma_wait3A_288 = arith.constant 0 : i32
      %dma_wait3A_289 = arith.constant 0 : i32
      %dma_wait3A_290 = tpu.memref_slice %arg2[%add3A, %dma_wait3A_288, %dma_wait3A_289] : memref<32x200x128xi32, #tpu.memory_space<hbm>> -> memref<1x200x128xi32, #tpu.memory_space<hbm>>
      %dma_wait3A_291 = tpu.memref_squeeze %dma_wait3A_290 : memref<1x200x128xi32, #tpu.memory_space<hbm>> -> memref<200x128xi32, #tpu.memory_space<hbm>>
      tpu.wait_dma2 semaphore(%run_scoped3A : memref<!tpu.dma_semaphore, #tpu.memory_space<semaphore_mem>>) src(%dma_wait3A_291 : memref<200x128xi32, #tpu.memory_space<hbm>>) dst(%arg5 : memref<200x128xi32, #tpu.memory_space<vmem>>)
      tpu.yield
    }) : () -> ()
    %dma_start3A = arith.constant 0 : i32
    %dma_start3A_3 = arith.constant 0 : i32
    %dma_start3A_4 = arith.constant 0 : i32
    %dma_start3A_5 = arith.constant 0 : i32
    %dma_start3A_6 = tpu.memref_slice %arg6[%dma_start3A_3, %dma_start3A_4, %dma_start3A_5] : memref<20x128x16xi32, #tpu.memory_space<vmem>> -> memref<1x128x16xi32, #tpu.memory_space<vmem>>
    %dma_start3A_7 = tpu.memref_squeeze %dma_start3A_6 : memref<1x128x16xi32, #tpu.memory_space<vmem>> -> memref<128x16xi32, #tpu.memory_space<vmem>>
    %dma_start3A_8 = arith.constant 0 : i32
    %dma_start3A_9 = tpu.memref_slice %arg5[%dma_start3A, %dma_start3A_8] : memref<200x128xi32, #tpu.memory_space<vmem>> -> memref<1x128xi32, #tpu.memory_space<vmem>>
    %dma_start3A_10 = tpu.memref_squeeze %dma_start3A_9 : memref<1x128xi32, #tpu.memory_space<vmem>> -> memref<128xi32, #tpu.memory_space<vmem>>
    %dma_start3A_11 = arith.constant 0 : i32
    %dma_start3A_12 = arith.constant 0 : i32
    %dma_start3A_13 = tpu.memref_slice %arg3[%dma_start3A_11, %dma_start3A_12] : memref<1015808x16xi32, #tpu.memory_space<hbm>> -> memref<1015808x16xi32, #tpu.memory_space<hbm>>
    tpu.enqueue_indirect_dma source(%dma_start3A_13 : memref<1015808x16xi32, #tpu.memory_space<hbm>>) target(%dma_start3A_7 : memref<128x16xi32, #tpu.memory_space<vmem>>) offsets(%dma_start3A_10 : memref<128xi32, #tpu.memory_space<vmem>>) semaphore(%arg7 : memref<!tpu.dma_semaphore, #tpu.memory_space<semaphore_mem>>)
    %dma_start3A_14 = arith.constant 1 : i32
    %dma_start3A_15 = arith.constant 1 : i32
    %dma_start3A_16 = arith.constant 0 : i32
    %dma_start3A_17 = arith.constant 0 : i32
    %dma_start3A_18 = tpu.memref_slice %arg6[%dma_start3A_15, %dma_start3A_16, %dma_start3A_17] : memref<20x128x16xi32, #tpu.memory_space<vmem>> -> memref<1x128x16xi32, #tpu.memory_space<vmem>>
    %dma_start3A_19 = tpu.memref_squeeze %dma_start3A_18 : memref<1x128x16xi32, #tpu.memory_space<vmem>> -> memref<128x16xi32, #tpu.memory_space<vmem>>
    %dma_start3A_20 = arith.constant 0 : i32
    %dma_start3A_21 = tpu.memref_slice %arg5[%dma_start3A_14, %dma_start3A_20] : memref<200x128xi32, #tpu.memory_space<vmem>> -> memref<1x128xi32, #tpu.memory_space<vmem>>
    %dma_start3A_22 = tpu.memref_squeeze %dma_start3A_21 : memref<1x128xi32, #tpu.memory_space<vmem>> -> memref<128xi32, #tpu.memory_space<vmem>>
    %dma_start3A_23 = arith.constant 0 : i32
    %dma_start3A_24 = arith.constant 0 : i32
    %dma_start3A_25 = tpu.memref_slice %arg3[%dma_start3A_23, %dma_start3A_24] : memref<1015808x16xi32, #tpu.memory_space<hbm>> -> memref<1015808x16xi32, #tpu.memory_space<hbm>>
    tpu.enqueue_indirect_dma source(%dma_start3A_25 : memref<1015808x16xi32, #tpu.memory_space<hbm>>) target(%dma_start3A_19 : memref<128x16xi32, #tpu.memory_space<vmem>>) offsets(%dma_start3A_22 : memref<128xi32, #tpu.memory_space<vmem>>) semaphore(%arg7 : memref<!tpu.dma_semaphore, #tpu.memory_space<semaphore_mem>>)
    %dma_start3A_26 = arith.constant 2 : i32
    %dma_start3A_27 = arith.constant 2 : i32
    %dma_start3A_28 = arith.constant 0 : i32
    %dma_start3A_29 = arith.constant 0 : i32
    %dma_start3A_30 = tpu.memref_slice %arg6[%dma_start3A_27, %dma_start3A_28, %dma_start3A_29] : memref<20x128x16xi32, #tpu.memory_space<vmem>> -> memref<1x128x16xi32, #tpu.memory_space<vmem>>
    %dma_start3A_31 = tpu.memref_squeeze %dma_start3A_30 : memref<1x128x16xi32, #tpu.memory_space<vmem>> -> memref<128x16xi32, #tpu.memory_space<vmem>>
    %dma_start3A_32 = arith.constant 0 : i32
    %dma_start3A_33 = tpu.memref_slice %arg5[%dma_start3A_26, %dma_start3A_32] : memref<200x128xi32, #tpu.memory_space<vmem>> -> memref<1x128xi32, #tpu.memory_space<vmem>>
    %dma_start3A_34 = tpu.memref_squeeze %dma_start3A_33 : memref<1x128xi32, #tpu.memory_space<vmem>> -> memref<128xi32, #tpu.memory_space<vmem>>
    %dma_start3A_35 = arith.constant 0 : i32
    %dma_start3A_36 = arith.constant 0 : i32
    %dma_start3A_37 = tpu.memref_slice %arg3[%dma_start3A_35, %dma_start3A_36] : memref<1015808x16xi32, #tpu.memory_space<hbm>> -> memref<1015808x16xi32, #tpu.memory_space<hbm>>
    tpu.enqueue_indirect_dma source(%dma_start3A_37 : memref<1015808x16xi32, #tpu.memory_space<hbm>>) target(%dma_start3A_31 : memref<128x16xi32, #tpu.memory_space<vmem>>) offsets(%dma_start3A_34 : memref<128xi32, #tpu.memory_space<vmem>>) semaphore(%arg7 : memref<!tpu.dma_semaphore, #tpu.memory_space<semaphore_mem>>)
    %dma_start3A_38 = arith.constant 3 : i32
    %dma_start3A_39 = arith.constant 3 : i32
    %dma_start3A_40 = arith.constant 0 : i32
    %dma_start3A_41 = arith.constant 0 : i32
    %dma_start3A_42 = tpu.memref_slice %arg6[%dma_start3A_39, %dma_start3A_40, %dma_start3A_41] : memref<20x128x16xi32, #tpu.memory_space<vmem>> -> memref<1x128x16xi32, #tpu.memory_space<vmem>>
    %dma_start3A_43 = tpu.memref_squeeze %dma_start3A_42 : memref<1x128x16xi32, #tpu.memory_space<vmem>> -> memref<128x16xi32, #tpu.memory_space<vmem>>
    %dma_start3A_44 = arith.constant 0 : i32
    %dma_start3A_45 = tpu.memref_slice %arg5[%dma_start3A_38, %dma_start3A_44] : memref<200x128xi32, #tpu.memory_space<vmem>> -> memref<1x128xi32, #tpu.memory_space<vmem>>
    %dma_start3A_46 = tpu.memref_squeeze %dma_start3A_45 : memref<1x128xi32, #tpu.memory_space<vmem>> -> memref<128xi32, #tpu.memory_space<vmem>>
    %dma_start3A_47 = arith.constant 0 : i32
    %dma_start3A_48 = arith.constant 0 : i32
    %dma_start3A_49 = tpu.memref_slice %arg3[%dma_start3A_47, %dma_start3A_48] : memref<1015808x16xi32, #tpu.memory_space<hbm>> -> memref<1015808x16xi32, #tpu.memory_space<hbm>>
    tpu.enqueue_indirect_dma source(%dma_start3A_49 : memref<1015808x16xi32, #tpu.memory_space<hbm>>) target(%dma_start3A_43 : memref<128x16xi32, #tpu.memory_space<vmem>>) offsets(%dma_start3A_46 : memref<128xi32, #tpu.memory_space<vmem>>) semaphore(%arg7 : memref<!tpu.dma_semaphore, #tpu.memory_space<semaphore_mem>>)
    %dma_start3A_50 = arith.constant 4 : i32
    %dma_start3A_51 = arith.constant 4 : i32
    %dma_start3A_52 = arith.constant 0 : i32
    %dma_start3A_53 = arith.constant 0 : i32
    %dma_start3A_54 = tpu.memref_slice %arg6[%dma_start3A_51, %dma_start3A_52, %dma_start3A_53] : memref<20x128x16xi32, #tpu.memory_space<vmem>> -> memref<1x128x16xi32, #tpu.memory_space<vmem>>
    %dma_start3A_55 = tpu.memref_squeeze %dma_start3A_54 : memref<1x128x16xi32, #tpu.memory_space<vmem>> -> memref<128x16xi32, #tpu.memory_space<vmem>>
    %dma_start3A_56 = arith.constant 0 : i32
    %dma_start3A_57 = tpu.memref_slice %arg5[%dma_start3A_50, %dma_start3A_56] : memref<200x128xi32, #tpu.memory_space<vmem>> -> memref<1x128xi32, #tpu.memory_space<vmem>>
    %dma_start3A_58 = tpu.memref_squeeze %dma_start3A_57 : memref<1x128xi32, #tpu.memory_space<vmem>> -> memref<128xi32, #tpu.memory_space<vmem>>
    %dma_start3A_59 = arith.constant 0 : i32
    %dma_start3A_60 = arith.constant 0 : i32
    %dma_start3A_61 = tpu.memref_slice %arg3[%dma_start3A_59, %dma_start3A_60] : memref<1015808x16xi32, #tpu.memory_space<hbm>> -> memref<1015808x16xi32, #tpu.memory_space<hbm>>
    tpu.enqueue_indirect_dma source(%dma_start3A_61 : memref<1015808x16xi32, #tpu.memory_space<hbm>>) target(%dma_start3A_55 : memref<128x16xi32, #tpu.memory_space<vmem>>) offsets(%dma_start3A_58 : memref<128xi32, #tpu.memory_space<vmem>>) semaphore(%arg7 : memref<!tpu.dma_semaphore, #tpu.memory_space<semaphore_mem>>)
    %dma_start3A_62 = arith.constant 5 : i32
    %dma_start3A_63 = arith.constant 5 : i32
    %dma_start3A_64 = arith.constant 0 : i32
    %dma_start3A_65 = arith.constant 0 : i32
    %dma_start3A_66 = tpu.memref_slice %arg6[%dma_start3A_63, %dma_start3A_64, %dma_start3A_65] : memref<20x128x16xi32, #tpu.memory_space<vmem>> -> memref<1x128x16xi32, #tpu.memory_space<vmem>>
    %dma_start3A_67 = tpu.memref_squeeze %dma_start3A_66 : memref<1x128x16xi32, #tpu.memory_space<vmem>> -> memref<128x16xi32, #tpu.memory_space<vmem>>
    %dma_start3A_68 = arith.constant 0 : i32
    %dma_start3A_69 = tpu.memref_slice %arg5[%dma_start3A_62, %dma_start3A_68] : memref<200x128xi32, #tpu.memory_space<vmem>> -> memref<1x128xi32, #tpu.memory_space<vmem>>
    %dma_start3A_70 = tpu.memref_squeeze %dma_start3A_69 : memref<1x128xi32, #tpu.memory_space<vmem>> -> memref<128xi32, #tpu.memory_space<vmem>>
    %dma_start3A_71 = arith.constant 0 : i32
    %dma_start3A_72 = arith.constant 0 : i32
    %dma_start3A_73 = tpu.memref_slice %arg3[%dma_start3A_71, %dma_start3A_72] : memref<1015808x16xi32, #tpu.memory_space<hbm>> -> memref<1015808x16xi32, #tpu.memory_space<hbm>>
    tpu.enqueue_indirect_dma source(%dma_start3A_73 : memref<1015808x16xi32, #tpu.memory_space<hbm>>) target(%dma_start3A_67 : memref<128x16xi32, #tpu.memory_space<vmem>>) offsets(%dma_start3A_70 : memref<128xi32, #tpu.memory_space<vmem>>) semaphore(%arg7 : memref<!tpu.dma_semaphore, #tpu.memory_space<semaphore_mem>>)
    %dma_start3A_74 = arith.constant 6 : i32
    %dma_start3A_75 = arith.constant 6 : i32
    %dma_start3A_76 = arith.constant 0 : i32
    %dma_start3A_77 = arith.constant 0 : i32
    %dma_start3A_78 = tpu.memref_slice %arg6[%dma_start3A_75, %dma_start3A_76, %dma_start3A_77] : memref<20x128x16xi32, #tpu.memory_space<vmem>> -> memref<1x128x16xi32, #tpu.memory_space<vmem>>
    %dma_start3A_79 = tpu.memref_squeeze %dma_start3A_78 : memref<1x128x16xi32, #tpu.memory_space<vmem>> -> memref<128x16xi32, #tpu.memory_space<vmem>>
    %dma_start3A_80 = arith.constant 0 : i32
    %dma_start3A_81 = tpu.memref_slice %arg5[%dma_start3A_74, %dma_start3A_80] : memref<200x128xi32, #tpu.memory_space<vmem>> -> memref<1x128xi32, #tpu.memory_space<vmem>>
    %dma_start3A_82 = tpu.memref_squeeze %dma_start3A_81 : memref<1x128xi32, #tpu.memory_space<vmem>> -> memref<128xi32, #tpu.memory_space<vmem>>
    %dma_start3A_83 = arith.constant 0 : i32
    %dma_start3A_84 = arith.constant 0 : i32
    %dma_start3A_85 = tpu.memref_slice %arg3[%dma_start3A_83, %dma_start3A_84] : memref<1015808x16xi32, #tpu.memory_space<hbm>> -> memref<1015808x16xi32, #tpu.memory_space<hbm>>
    tpu.enqueue_indirect_dma source(%dma_start3A_85 : memref<1015808x16xi32, #tpu.memory_space<hbm>>) target(%dma_start3A_79 : memref<128x16xi32, #tpu.memory_space<vmem>>) offsets(%dma_start3A_82 : memref<128xi32, #tpu.memory_space<vmem>>) semaphore(%arg7 : memref<!tpu.dma_semaphore, #tpu.memory_space<semaphore_mem>>)
    %dma_start3A_86 = arith.constant 7 : i32
    %dma_start3A_87 = arith.constant 7 : i32
    %dma_start3A_88 = arith.constant 0 : i32
    %dma_start3A_89 = arith.constant 0 : i32
    %dma_start3A_90 = tpu.memref_slice %arg6[%dma_start3A_87, %dma_start3A_88, %dma_start3A_89] : memref<20x128x16xi32, #tpu.memory_space<vmem>> -> memref<1x128x16xi32, #tpu.memory_space<vmem>>
    %dma_start3A_91 = tpu.memref_squeeze %dma_start3A_90 : memref<1x128x16xi32, #tpu.memory_space<vmem>> -> memref<128x16xi32, #tpu.memory_space<vmem>>
    %dma_start3A_92 = arith.constant 0 : i32
    %dma_start3A_93 = tpu.memref_slice %arg5[%dma_start3A_86, %dma_start3A_92] : memref<200x128xi32, #tpu.memory_space<vmem>> -> memref<1x128xi32, #tpu.memory_space<vmem>>
    %dma_start3A_94 = tpu.memref_squeeze %dma_start3A_93 : memref<1x128xi32, #tpu.memory_space<vmem>> -> memref<128xi32, #tpu.memory_space<vmem>>
    %dma_start3A_95 = arith.constant 0 : i32
    %dma_start3A_96 = arith.constant 0 : i32
    %dma_start3A_97 = tpu.memref_slice %arg3[%dma_start3A_95, %dma_start3A_96] : memref<1015808x16xi32, #tpu.memory_space<hbm>> -> memref<1015808x16xi32, #tpu.memory_space<hbm>>
    tpu.enqueue_indirect_dma source(%dma_start3A_97 : memref<1015808x16xi32, #tpu.memory_space<hbm>>) target(%dma_start3A_91 : memref<128x16xi32, #tpu.memory_space<vmem>>) offsets(%dma_start3A_94 : memref<128xi32, #tpu.memory_space<vmem>>) semaphore(%arg7 : memref<!tpu.dma_semaphore, #tpu.memory_space<semaphore_mem>>)
    %dma_start3A_98 = arith.constant 8 : i32
    %dma_start3A_99 = arith.constant 8 : i32
    %dma_start3A_100 = arith.constant 0 : i32
    %dma_start3A_101 = arith.constant 0 : i32
    %dma_start3A_102 = tpu.memref_slice %arg6[%dma_start3A_99, %dma_start3A_100, %dma_start3A_101] : memref<20x128x16xi32, #tpu.memory_space<vmem>> -> memref<1x128x16xi32, #tpu.memory_space<vmem>>
    %dma_start3A_103 = tpu.memref_squeeze %dma_start3A_102 : memref<1x128x16xi32, #tpu.memory_space<vmem>> -> memref<128x16xi32, #tpu.memory_space<vmem>>
    %dma_start3A_104 = arith.constant 0 : i32
    %dma_start3A_105 = tpu.memref_slice %arg5[%dma_start3A_98, %dma_start3A_104] : memref<200x128xi32, #tpu.memory_space<vmem>> -> memref<1x128xi32, #tpu.memory_space<vmem>>
    %dma_start3A_106 = tpu.memref_squeeze %dma_start3A_105 : memref<1x128xi32, #tpu.memory_space<vmem>> -> memref<128xi32, #tpu.memory_space<vmem>>
    %dma_start3A_107 = arith.constant 0 : i32
    %dma_start3A_108 = arith.constant 0 : i32
    %dma_start3A_109 = tpu.memref_slice %arg3[%dma_start3A_107, %dma_start3A_108] : memref<1015808x16xi32, #tpu.memory_space<hbm>> -> memref<1015808x16xi32, #tpu.memory_space<hbm>>
    tpu.enqueue_indirect_dma source(%dma_start3A_109 : memref<1015808x16xi32, #tpu.memory_space<hbm>>) target(%dma_start3A_103 : memref<128x16xi32, #tpu.memory_space<vmem>>) offsets(%dma_start3A_106 : memref<128xi32, #tpu.memory_space<vmem>>) semaphore(%arg7 : memref<!tpu.dma_semaphore, #tpu.memory_space<semaphore_mem>>)
    %dma_start3A_110 = arith.constant 9 : i32
    %dma_start3A_111 = arith.constant 9 : i32
    %dma_start3A_112 = arith.constant 0 : i32
    %dma_start3A_113 = arith.constant 0 : i32
    %dma_start3A_114 = tpu.memref_slice %arg6[%dma_start3A_111, %dma_start3A_112, %dma_start3A_113] : memref<20x128x16xi32, #tpu.memory_space<vmem>> -> memref<1x128x16xi32, #tpu.memory_space<vmem>>
    %dma_start3A_115 = tpu.memref_squeeze %dma_start3A_114 : memref<1x128x16xi32, #tpu.memory_space<vmem>> -> memref<128x16xi32, #tpu.memory_space<vmem>>
    %dma_start3A_116 = arith.constant 0 : i32
    %dma_start3A_117 = tpu.memref_slice %arg5[%dma_start3A_110, %dma_start3A_116] : memref<200x128xi32, #tpu.memory_space<vmem>> -> memref<1x128xi32, #tpu.memory_space<vmem>>
    %dma_start3A_118 = tpu.memref_squeeze %dma_start3A_117 : memref<1x128xi32, #tpu.memory_space<vmem>> -> memref<128xi32, #tpu.memory_space<vmem>>
    %dma_start3A_119 = arith.constant 0 : i32
    %dma_start3A_120 = arith.constant 0 : i32
    %dma_start3A_121 = tpu.memref_slice %arg3[%dma_start3A_119, %dma_start3A_120] : memref<1015808x16xi32, #tpu.memory_space<hbm>> -> memref<1015808x16xi32, #tpu.memory_space<hbm>>
    tpu.enqueue_indirect_dma source(%dma_start3A_121 : memref<1015808x16xi32, #tpu.memory_space<hbm>>) target(%dma_start3A_115 : memref<128x16xi32, #tpu.memory_space<vmem>>) offsets(%dma_start3A_118 : memref<128xi32, #tpu.memory_space<vmem>>) semaphore(%arg7 : memref<!tpu.dma_semaphore, #tpu.memory_space<semaphore_mem>>)
    %scan3A = arith.constant 0 : i32
    %scan3A_122 = arith.constant 0 : i32
    %scan3A_123 = arith.constant 10 : i32
    %scan3A_124 = arith.addi %scan3A_122, %scan3A_123 : i32
    %scan3A_125 = arith.constant 1 : i32
    scf.for %scan3A_276 = %scan3A_122 to %scan3A_124 step %scan3A_125  : i32 {
      %mul3A_277 = arith.constant 2 : i32
      %mul3A_278 = arith.muli %mul3A_277, %scan3A_276 : i32
      %mul3A_279 = arith.constant 2 : i32
      %mul3A_280 = arith.muli %mul3A_279, %scan3A_276 : i32
      %add3A_281 = arith.constant 1 : i32
      %add3A_282 = arith.addi %mul3A_280, %add3A_281 : i32
      %dma_wait3A_283 = arith.constant 0 : i32
      %dma_wait3A_284 = arith.constant 0 : i32
      %dma_wait3A_285 = arith.constant 0 : i32
      %dma_wait3A_286 = tpu.memref_slice %arg6[%dma_wait3A_283, %dma_wait3A_284, %dma_wait3A_285] : memref<20x128x16xi32, #tpu.memory_space<vmem>> -> memref<1x128x16xi32, #tpu.memory_space<vmem>>
      %dma_wait3A_287 = tpu.memref_squeeze %dma_wait3A_286 : memref<1x128x16xi32, #tpu.memory_space<vmem>> -> memref<128x16xi32, #tpu.memory_space<vmem>>
      %dma_wait3A_288 = arith.constant 0 : i32
      %dma_wait3A_289 = arith.constant 0 : i32
      %dma_wait3A_290 = tpu.memref_slice %arg3[%dma_wait3A_288, %dma_wait3A_289] : memref<1015808x16xi32, #tpu.memory_space<hbm>> -> memref<128x16xi32, #tpu.memory_space<hbm>>
      %dma_wait3A_291 = arith.constant 0 : i32
      %dma_wait3A_292 = arith.constant 0 : i32
      %dma_wait3A_293 = tpu.memref_slice %arg6[%dma_wait3A_283, %dma_wait3A_291, %dma_wait3A_292] : memref<20x128x16xi32, #tpu.memory_space<vmem>> -> memref<1x128x16xi32, #tpu.memory_space<vmem>>
      %dma_wait3A_294 = tpu.memref_squeeze %dma_wait3A_293 : memref<1x128x16xi32, #tpu.memory_space<vmem>> -> memref<128x16xi32, #tpu.memory_space<vmem>>
      %dma_wait3A_295 = arith.constant 0 : i32
      %dma_wait3A_296 = arith.constant 0 : i32
      %dma_wait3A_297 = tpu.memref_slice %arg3[%dma_wait3A_295, %dma_wait3A_296] : memref<1015808x16xi32, #tpu.memory_space<hbm>> -> memref<128x16xi32, #tpu.memory_space<hbm>>
      tpu.wait_dma2 semaphore(%arg7 : memref<!tpu.dma_semaphore, #tpu.memory_space<semaphore_mem>>) src(%dma_wait3A_297 : memref<128x16xi32, #tpu.memory_space<hbm>>) dst(%dma_wait3A_294 : memref<128x16xi32, #tpu.memory_space<vmem>>)
      %dma_wait3A_298 = arith.constant 1 : i32
      %dma_wait3A_299 = arith.constant 0 : i32
      %dma_wait3A_300 = arith.constant 0 : i32
      %dma_wait3A_301 = tpu.memref_slice %arg6[%dma_wait3A_298, %dma_wait3A_299, %dma_wait3A_300] : memref<20x128x16xi32, #tpu.memory_space<vmem>> -> memref<1x128x16xi32, #tpu.memory_space<vmem>>
      %dma_wait3A_302 = tpu.memref_squeeze %dma_wait3A_301 : memref<1x128x16xi32, #tpu.memory_space<vmem>> -> memref<128x16xi32, #tpu.memory_space<vmem>>
      %dma_wait3A_303 = arith.constant 0 : i32
      %dma_wait3A_304 = arith.constant 0 : i32
      %dma_wait3A_305 = tpu.memref_slice %arg3[%dma_wait3A_303, %dma_wait3A_304] : memref<1015808x16xi32, #tpu.memory_space<hbm>> -> memref<128x16xi32, #tpu.memory_space<hbm>>
      %dma_wait3A_306 = arith.constant 0 : i32
      %dma_wait3A_307 = arith.constant 0 : i32
      %dma_wait3A_308 = tpu.memref_slice %arg6[%dma_wait3A_298, %dma_wait3A_306, %dma_wait3A_307] : memref<20x128x16xi32, #tpu.memory_space<vmem>> -> memref<1x128x16xi32, #tpu.memory_space<vmem>>
      %dma_wait3A_309 = tpu.memref_squeeze %dma_wait3A_308 : memref<1x128x16xi32, #tpu.memory_space<vmem>> -> memref<128x16xi32, #tpu.memory_space<vmem>>
      %dma_wait3A_310 = arith.constant 0 : i32
      %dma_wait3A_311 = arith.constant 0 : i32
      %dma_wait3A_312 = tpu.memref_slice %arg3[%dma_wait3A_310, %dma_wait3A_311] : memref<1015808x16xi32, #tpu.memory_space<hbm>> -> memref<128x16xi32, #tpu.memory_space<hbm>>
      tpu.wait_dma2 semaphore(%arg7 : memref<!tpu.dma_semaphore, #tpu.memory_space<semaphore_mem>>) src(%dma_wait3A_312 : memref<128x16xi32, #tpu.memory_space<hbm>>) dst(%dma_wait3A_309 : memref<128x16xi32, #tpu.memory_space<vmem>>)
      %dma_wait3A_313 = arith.constant 2 : i32
      %dma_wait3A_314 = arith.constant 0 : i32
      %dma_wait3A_315 = arith.constant 0 : i32
      %dma_wait3A_316 = tpu.memref_slice %arg6[%dma_wait3A_313, %dma_wait3A_314, %dma_wait3A_315] : memref<20x128x16xi32, #tpu.memory_space<vmem>> -> memref<1x128x16xi32, #tpu.memory_space<vmem>>
      %dma_wait3A_317 = tpu.memref_squeeze %dma_wait3A_316 : memref<1x128x16xi32, #tpu.memory_space<vmem>> -> memref<128x16xi32, #tpu.memory_space<vmem>>
      %dma_wait3A_318 = arith.constant 0 : i32
      %dma_wait3A_319 = arith.constant 0 : i32
      %dma_wait3A_320 = tpu.memref_slice %arg3[%dma_wait3A_318, %dma_wait3A_319] : memref<1015808x16xi32, #tpu.memory_space<hbm>> -> memref<128x16xi32, #tpu.memory_space<hbm>>
      %dma_wait3A_321 = arith.constant 0 : i32
      %dma_wait3A_322 = arith.constant 0 : i32
      %dma_wait3A_323 = tpu.memref_slice %arg6[%dma_wait3A_313, %dma_wait3A_321, %dma_wait3A_322] : memref<20x128x16xi32, #tpu.memory_space<vmem>> -> memref<1x128x16xi32, #tpu.memory_space<vmem>>
      %dma_wait3A_324 = tpu.memref_squeeze %dma_wait3A_323 : memref<1x128x16xi32, #tpu.memory_space<vmem>> -> memref<128x16xi32, #tpu.memory_space<vmem>>
      %dma_wait3A_325 = arith.constant 0 : i32
      %dma_wait3A_326 = arith.constant 0 : i32
      %dma_wait3A_327 = tpu.memref_slice %arg3[%dma_wait3A_325, %dma_wait3A_326] : memref<1015808x16xi32, #tpu.memory_space<hbm>> -> memref<128x16xi32, #tpu.memory_space<hbm>>
      tpu.wait_dma2 semaphore(%arg7 : memref<!tpu.dma_semaphore, #tpu.memory_space<semaphore_mem>>) src(%dma_wait3A_327 : memref<128x16xi32, #tpu.memory_space<hbm>>) dst(%dma_wait3A_324 : memref<128x16xi32, #tpu.memory_space<vmem>>)
      %dma_wait3A_328 = arith.constant 3 : i32
      %dma_wait3A_329 = arith.constant 0 : i32
      %dma_wait3A_330 = arith.constant 0 : i32
      %dma_wait3A_331 = tpu.memref_slice %arg6[%dma_wait3A_328, %dma_wait3A_329, %dma_wait3A_330] : memref<20x128x16xi32, #tpu.memory_space<vmem>> -> memref<1x128x16xi32, #tpu.memory_space<vmem>>
      %dma_wait3A_332 = tpu.memref_squeeze %dma_wait3A_331 : memref<1x128x16xi32, #tpu.memory_space<vmem>> -> memref<128x16xi32, #tpu.memory_space<vmem>>
      %dma_wait3A_333 = arith.constant 0 : i32
      %dma_wait3A_334 = arith.constant 0 : i32
      %dma_wait3A_335 = tpu.memref_slice %arg3[%dma_wait3A_333, %dma_wait3A_334] : memref<1015808x16xi32, #tpu.memory_space<hbm>> -> memref<128x16xi32, #tpu.memory_space<hbm>>
      %dma_wait3A_336 = arith.constant 0 : i32
      %dma_wait3A_337 = arith.constant 0 : i32
      %dma_wait3A_338 = tpu.memref_slice %arg6[%dma_wait3A_328, %dma_wait3A_336, %dma_wait3A_337] : memref<20x128x16xi32, #tpu.memory_space<vmem>> -> memref<1x128x16xi32, #tpu.memory_space<vmem>>
      %dma_wait3A_339 = tpu.memref_squeeze %dma_wait3A_338 : memref<1x128x16xi32, #tpu.memory_space<vmem>> -> memref<128x16xi32, #tpu.memory_space<vmem>>
      %dma_wait3A_340 = arith.constant 0 : i32
      %dma_wait3A_341 = arith.constant 0 : i32
      %dma_wait3A_342 = tpu.memref_slice %arg3[%dma_wait3A_340, %dma_wait3A_341] : memref<1015808x16xi32, #tpu.memory_space<hbm>> -> memref<128x16xi32, #tpu.memory_space<hbm>>
      tpu.wait_dma2 semaphore(%arg7 : memref<!tpu.dma_semaphore, #tpu.memory_space<semaphore_mem>>) src(%dma_wait3A_342 : memref<128x16xi32, #tpu.memory_space<hbm>>) dst(%dma_wait3A_339 : memref<128x16xi32, #tpu.memory_space<vmem>>)
      %dma_wait3A_343 = arith.constant 4 : i32
      %dma_wait3A_344 = arith.constant 0 : i32
      %dma_wait3A_345 = arith.constant 0 : i32
      %dma_wait3A_346 = tpu.memref_slice %arg6[%dma_wait3A_343, %dma_wait3A_344, %dma_wait3A_345] : memref<20x128x16xi32, #tpu.memory_space<vmem>> -> memref<1x128x16xi32, #tpu.memory_space<vmem>>
      %dma_wait3A_347 = tpu.memref_squeeze %dma_wait3A_346 : memref<1x128x16xi32, #tpu.memory_space<vmem>> -> memref<128x16xi32, #tpu.memory_space<vmem>>
      %dma_wait3A_348 = arith.constant 0 : i32
      %dma_wait3A_349 = arith.constant 0 : i32
      %dma_wait3A_350 = tpu.memref_slice %arg3[%dma_wait3A_348, %dma_wait3A_349] : memref<1015808x16xi32, #tpu.memory_space<hbm>> -> memref<128x16xi32, #tpu.memory_space<hbm>>
      %dma_wait3A_351 = arith.constant 0 : i32
      %dma_wait3A_352 = arith.constant 0 : i32
      %dma_wait3A_353 = tpu.memref_slice %arg6[%dma_wait3A_343, %dma_wait3A_351, %dma_wait3A_352] : memref<20x128x16xi32, #tpu.memory_space<vmem>> -> memref<1x128x16xi32, #tpu.memory_space<vmem>>
      %dma_wait3A_354 = tpu.memref_squeeze %dma_wait3A_353 : memref<1x128x16xi32, #tpu.memory_space<vmem>> -> memref<128x16xi32, #tpu.memory_space<vmem>>
      %dma_wait3A_355 = arith.constant 0 : i32
      %dma_wait3A_356 = arith.constant 0 : i32
      %dma_wait3A_357 = tpu.memref_slice %arg3[%dma_wait3A_355, %dma_wait3A_356] : memref<1015808x16xi32, #tpu.memory_space<hbm>> -> memref<128x16xi32, #tpu.memory_space<hbm>>
      tpu.wait_dma2 semaphore(%arg7 : memref<!tpu.dma_semaphore, #tpu.memory_space<semaphore_mem>>) src(%dma_wait3A_357 : memref<128x16xi32, #tpu.memory_space<hbm>>) dst(%dma_wait3A_354 : memref<128x16xi32, #tpu.memory_space<vmem>>)
      %dma_wait3A_358 = arith.constant 5 : i32
      %dma_wait3A_359 = arith.constant 0 : i32
      %dma_wait3A_360 = arith.constant 0 : i32
      %dma_wait3A_361 = tpu.memref_slice %arg6[%dma_wait3A_358, %dma_wait3A_359, %dma_wait3A_360] : memref<20x128x16xi32, #tpu.memory_space<vmem>> -> memref<1x128x16xi32, #tpu.memory_space<vmem>>
      %dma_wait3A_362 = tpu.memref_squeeze %dma_wait3A_361 : memref<1x128x16xi32, #tpu.memory_space<vmem>> -> memref<128x16xi32, #tpu.memory_space<vmem>>
      %dma_wait3A_363 = arith.constant 0 : i32
      %dma_wait3A_364 = arith.constant 0 : i32
      %dma_wait3A_365 = tpu.memref_slice %arg3[%dma_wait3A_363, %dma_wait3A_364] : memref<1015808x16xi32, #tpu.memory_space<hbm>> -> memref<128x16xi32, #tpu.memory_space<hbm>>
      %dma_wait3A_366 = arith.constant 0 : i32
      %dma_wait3A_367 = arith.constant 0 : i32
      %dma_wait3A_368 = tpu.memref_slice %arg6[%dma_wait3A_358, %dma_wait3A_366, %dma_wait3A_367] : memref<20x128x16xi32, #tpu.memory_space<vmem>> -> memref<1x128x16xi32, #tpu.memory_space<vmem>>
      %dma_wait3A_369 = tpu.memref_squeeze %dma_wait3A_368 : memref<1x128x16xi32, #tpu.memory_space<vmem>> -> memref<128x16xi32, #tpu.memory_space<vmem>>
      %dma_wait3A_370 = arith.constant 0 : i32
      %dma_wait3A_371 = arith.constant 0 : i32
      %dma_wait3A_372 = tpu.memref_slice %arg3[%dma_wait3A_370, %dma_wait3A_371] : memref<1015808x16xi32, #tpu.memory_space<hbm>> -> memref<128x16xi32, #tpu.memory_space<hbm>>
      tpu.wait_dma2 semaphore(%arg7 : memref<!tpu.dma_semaphore, #tpu.memory_space<semaphore_mem>>) src(%dma_wait3A_372 : memref<128x16xi32, #tpu.memory_space<hbm>>) dst(%dma_wait3A_369 : memref<128x16xi32, #tpu.memory_space<vmem>>)
      %dma_wait3A_373 = arith.constant 6 : i32
      %dma_wait3A_374 = arith.constant 0 : i32
      %dma_wait3A_375 = arith.constant 0 : i32
      %dma_wait3A_376 = tpu.memref_slice %arg6[%dma_wait3A_373, %dma_wait3A_374, %dma_wait3A_375] : memref<20x128x16xi32, #tpu.memory_space<vmem>> -> memref<1x128x16xi32, #tpu.memory_space<vmem>>
      %dma_wait3A_377 = tpu.memref_squeeze %dma_wait3A_376 : memref<1x128x16xi32, #tpu.memory_space<vmem>> -> memref<128x16xi32, #tpu.memory_space<vmem>>
      %dma_wait3A_378 = arith.constant 0 : i32
      %dma_wait3A_379 = arith.constant 0 : i32
      %dma_wait3A_380 = tpu.memref_slice %arg3[%dma_wait3A_378, %dma_wait3A_379] : memref<1015808x16xi32, #tpu.memory_space<hbm>> -> memref<128x16xi32, #tpu.memory_space<hbm>>
      %dma_wait3A_381 = arith.constant 0 : i32
      %dma_wait3A_382 = arith.constant 0 : i32
      %dma_wait3A_383 = tpu.memref_slice %arg6[%dma_wait3A_373, %dma_wait3A_381, %dma_wait3A_382] : memref<20x128x16xi32, #tpu.memory_space<vmem>> -> memref<1x128x16xi32, #tpu.memory_space<vmem>>
      %dma_wait3A_384 = tpu.memref_squeeze %dma_wait3A_383 : memref<1x128x16xi32, #tpu.memory_space<vmem>> -> memref<128x16xi32, #tpu.memory_space<vmem>>
      %dma_wait3A_385 = arith.constant 0 : i32
      %dma_wait3A_386 = arith.constant 0 : i32
      %dma_wait3A_387 = tpu.memref_slice %arg3[%dma_wait3A_385, %dma_wait3A_386] : memref<1015808x16xi32, #tpu.memory_space<hbm>> -> memref<128x16xi32, #tpu.memory_space<hbm>>
      tpu.wait_dma2 semaphore(%arg7 : memref<!tpu.dma_semaphore, #tpu.memory_space<semaphore_mem>>) src(%dma_wait3A_387 : memref<128x16xi32, #tpu.memory_space<hbm>>) dst(%dma_wait3A_384 : memref<128x16xi32, #tpu.memory_space<vmem>>)
      %dma_wait3A_388 = arith.constant 7 : i32
      %dma_wait3A_389 = arith.constant 0 : i32
      %dma_wait3A_390 = arith.constant 0 : i32
      %dma_wait3A_391 = tpu.memref_slice %arg6[%dma_wait3A_388, %dma_wait3A_389, %dma_wait3A_390] : memref<20x128x16xi32, #tpu.memory_space<vmem>> -> memref<1x128x16xi32, #tpu.memory_space<vmem>>
      %dma_wait3A_392 = tpu.memref_squeeze %dma_wait3A_391 : memref<1x128x16xi32, #tpu.memory_space<vmem>> -> memref<128x16xi32, #tpu.memory_space<vmem>>
      %dma_wait3A_393 = arith.constant 0 : i32
      %dma_wait3A_394 = arith.constant 0 : i32
      %dma_wait3A_395 = tpu.memref_slice %arg3[%dma_wait3A_393, %dma_wait3A_394] : memref<1015808x16xi32, #tpu.memory_space<hbm>> -> memref<128x16xi32, #tpu.memory_space<hbm>>
      %dma_wait3A_396 = arith.constant 0 : i32
      %dma_wait3A_397 = arith.constant 0 : i32
      %dma_wait3A_398 = tpu.memref_slice %arg6[%dma_wait3A_388, %dma_wait3A_396, %dma_wait3A_397] : memref<20x128x16xi32, #tpu.memory_space<vmem>> -> memref<1x128x16xi32, #tpu.memory_space<vmem>>
      %dma_wait3A_399 = tpu.memref_squeeze %dma_wait3A_398 : memref<1x128x16xi32, #tpu.memory_space<vmem>> -> memref<128x16xi32, #tpu.memory_space<vmem>>
      %dma_wait3A_400 = arith.constant 0 : i32
      %dma_wait3A_401 = arith.constant 0 : i32
      %dma_wait3A_402 = tpu.memref_slice %arg3[%dma_wait3A_400, %dma_wait3A_401] : memref<1015808x16xi32, #tpu.memory_space<hbm>> -> memref<128x16xi32, #tpu.memory_space<hbm>>
      tpu.wait_dma2 semaphore(%arg7 : memref<!tpu.dma_semaphore, #tpu.memory_space<semaphore_mem>>) src(%dma_wait3A_402 : memref<128x16xi32, #tpu.memory_space<hbm>>) dst(%dma_wait3A_399 : memref<128x16xi32, #tpu.memory_space<vmem>>)
      %dma_wait3A_403 = arith.constant 8 : i32
      %dma_wait3A_404 = arith.constant 0 : i32
      %dma_wait3A_405 = arith.constant 0 : i32
      %dma_wait3A_406 = tpu.memref_slice %arg6[%dma_wait3A_403, %dma_wait3A_404, %dma_wait3A_405] : memref<20x128x16xi32, #tpu.memory_space<vmem>> -> memref<1x128x16xi32, #tpu.memory_space<vmem>>
      %dma_wait3A_407 = tpu.memref_squeeze %dma_wait3A_406 : memref<1x128x16xi32, #tpu.memory_space<vmem>> -> memref<128x16xi32, #tpu.memory_space<vmem>>
      %dma_wait3A_408 = arith.constant 0 : i32
      %dma_wait3A_409 = arith.constant 0 : i32
      %dma_wait3A_410 = tpu.memref_slice %arg3[%dma_wait3A_408, %dma_wait3A_409] : memref<1015808x16xi32, #tpu.memory_space<hbm>> -> memref<128x16xi32, #tpu.memory_space<hbm>>
      %dma_wait3A_411 = arith.constant 0 : i32
      %dma_wait3A_412 = arith.constant 0 : i32
      %dma_wait3A_413 = tpu.memref_slice %arg6[%dma_wait3A_403, %dma_wait3A_411, %dma_wait3A_412] : memref<20x128x16xi32, #tpu.memory_space<vmem>> -> memref<1x128x16xi32, #tpu.memory_space<vmem>>
      %dma_wait3A_414 = tpu.memref_squeeze %dma_wait3A_413 : memref<1x128x16xi32, #tpu.memory_space<vmem>> -> memref<128x16xi32, #tpu.memory_space<vmem>>
      %dma_wait3A_415 = arith.constant 0 : i32
      %dma_wait3A_416 = arith.constant 0 : i32
      %dma_wait3A_417 = tpu.memref_slice %arg3[%dma_wait3A_415, %dma_wait3A_416] : memref<1015808x16xi32, #tpu.memory_space<hbm>> -> memref<128x16xi32, #tpu.memory_space<hbm>>
      tpu.wait_dma2 semaphore(%arg7 : memref<!tpu.dma_semaphore, #tpu.memory_space<semaphore_mem>>) src(%dma_wait3A_417 : memref<128x16xi32, #tpu.memory_space<hbm>>) dst(%dma_wait3A_414 : memref<128x16xi32, #tpu.memory_space<vmem>>)
      %dma_wait3A_418 = arith.constant 9 : i32
      %dma_wait3A_419 = arith.constant 0 : i32
      %dma_wait3A_420 = arith.constant 0 : i32
      %dma_wait3A_421 = tpu.memref_slice %arg6[%dma_wait3A_418, %dma_wait3A_419, %dma_wait3A_420] : memref<20x128x16xi32, #tpu.memory_space<vmem>> -> memref<1x128x16xi32, #tpu.memory_space<vmem>>
      %dma_wait3A_422 = tpu.memref_squeeze %dma_wait3A_421 : memref<1x128x16xi32, #tpu.memory_space<vmem>> -> memref<128x16xi32, #tpu.memory_space<vmem>>
      %dma_wait3A_423 = arith.constant 0 : i32
      %dma_wait3A_424 = arith.constant 0 : i32
      %dma_wait3A_425 = tpu.memref_slice %arg3[%dma_wait3A_423, %dma_wait3A_424] : memref<1015808x16xi32, #tpu.memory_space<hbm>> -> memref<128x16xi32, #tpu.memory_space<hbm>>
      %dma_wait3A_426 = arith.constant 0 : i32
      %dma_wait3A_427 = arith.constant 0 : i32
      %dma_wait3A_428 = tpu.memref_slice %arg6[%dma_wait3A_418, %dma_wait3A_426, %dma_wait3A_427] : memref<20x128x16xi32, #tpu.memory_space<vmem>> -> memref<1x128x16xi32, #tpu.memory_space<vmem>>
      %dma_wait3A_429 = tpu.memref_squeeze %dma_wait3A_428 : memref<1x128x16xi32, #tpu.memory_space<vmem>> -> memref<128x16xi32, #tpu.memory_space<vmem>>
      %dma_wait3A_430 = arith.constant 0 : i32
      %dma_wait3A_431 = arith.constant 0 : i32
      %dma_wait3A_432 = tpu.memref_slice %arg3[%dma_wait3A_430, %dma_wait3A_431] : memref<1015808x16xi32, #tpu.memory_space<hbm>> -> memref<128x16xi32, #tpu.memory_space<hbm>>
      tpu.wait_dma2 semaphore(%arg7 : memref<!tpu.dma_semaphore, #tpu.memory_space<semaphore_mem>>) src(%dma_wait3A_432 : memref<128x16xi32, #tpu.memory_space<hbm>>) dst(%dma_wait3A_429 : memref<128x16xi32, #tpu.memory_space<vmem>>)
      %mul3A_433 = arith.constant 10 : i32
      %mul3A_434 = arith.muli %mul3A_278, %mul3A_433 : i32
      %add3A_435 = arith.constant 0 : i32
      %add3A_436 = arith.addi %mul3A_434, %add3A_435 : i32
      %mul3A_437 = arith.constant 128 : i32
      %mul3A_438 = arith.muli %add3A_436, %mul3A_437 : i32
      %add3A_439 = arith.addi %mul3A_2, %mul3A_438 : i32
      %dma_start3A_440 = arith.constant 0 : i32
      %dma_start3A_441 = arith.constant 0 : i32
      %dma_start3A_442 = arith.constant 0 : i32
      %dma_start3A_443 = tpu.memref_slice %arg6[%dma_start3A_440, %dma_start3A_441, %dma_start3A_442] : memref<20x128x16xi32, #tpu.memory_space<vmem>> -> memref<1x128x16xi32, #tpu.memory_space<vmem>>
      %dma_start3A_444 = tpu.memref_squeeze %dma_start3A_443 : memref<1x128x16xi32, #tpu.memory_space<vmem>> -> memref<128x16xi32, #tpu.memory_space<vmem>>
      %dma_start3A_445 = arith.constant 0 : i32
      %dma_start3A_446 = tpu.memref_slice %arg4[%add3A_439, %dma_start3A_445] : memref<819200x16xi32, #tpu.memory_space<hbm>> -> memref<128x16xi32, #tpu.memory_space<hbm>>
      %dma_start3A_447 = arith.constant 0 : i32
      %dma_start3A_448 = tpu.memref_slice %arg4[%add3A_439, %dma_start3A_447] : memref<819200x16xi32, #tpu.memory_space<hbm>> -> memref<128x16xi32, #tpu.memory_space<hbm>>
      %dma_start3A_449 = arith.constant 0 : i32
      %dma_start3A_450 = arith.constant 0 : i32
      %dma_start3A_451 = tpu.memref_slice %arg6[%dma_start3A_440, %dma_start3A_449, %dma_start3A_450] : memref<20x128x16xi32, #tpu.memory_space<vmem>> -> memref<1x128x16xi32, #tpu.memory_space<vmem>>
      %dma_start3A_452 = tpu.memref_squeeze %dma_start3A_451 : memref<1x128x16xi32, #tpu.memory_space<vmem>> -> memref<128x16xi32, #tpu.memory_space<vmem>>
      tpu.enqueue_dma source(%dma_start3A_452 : memref<128x16xi32, #tpu.memory_space<vmem>>) target(%dma_start3A_448 : memref<128x16xi32, #tpu.memory_space<hbm>>) target_semaphore(%arg8 : memref<!tpu.dma_semaphore, #tpu.memory_space<semaphore_mem>>)
      %mul3A_453 = arith.constant 10 : i32
      %mul3A_454 = arith.muli %mul3A_278, %mul3A_453 : i32
      %add3A_455 = arith.constant 1 : i32
      %add3A_456 = arith.addi %mul3A_454, %add3A_455 : i32
      %mul3A_457 = arith.constant 128 : i32
      %mul3A_458 = arith.muli %add3A_456, %mul3A_457 : i32
      %add3A_459 = arith.addi %mul3A_2, %mul3A_458 : i32
      %dma_start3A_460 = arith.constant 1 : i32
      %dma_start3A_461 = arith.constant 0 : i32
      %dma_start3A_462 = arith.constant 0 : i32
      %dma_start3A_463 = tpu.memref_slice %arg6[%dma_start3A_460, %dma_start3A_461, %dma_start3A_462] : memref<20x128x16xi32, #tpu.memory_space<vmem>> -> memref<1x128x16xi32, #tpu.memory_space<vmem>>
      %dma_start3A_464 = tpu.memref_squeeze %dma_start3A_463 : memref<1x128x16xi32, #tpu.memory_space<vmem>> -> memref<128x16xi32, #tpu.memory_space<vmem>>
      %dma_start3A_465 = arith.constant 0 : i32
      %dma_start3A_466 = tpu.memref_slice %arg4[%add3A_459, %dma_start3A_465] : memref<819200x16xi32, #tpu.memory_space<hbm>> -> memref<128x16xi32, #tpu.memory_space<hbm>>
      %dma_start3A_467 = arith.constant 0 : i32
      %dma_start3A_468 = tpu.memref_slice %arg4[%add3A_459, %dma_start3A_467] : memref<819200x16xi32, #tpu.memory_space<hbm>> -> memref<128x16xi32, #tpu.memory_space<hbm>>
      %dma_start3A_469 = arith.constant 0 : i32
      %dma_start3A_470 = arith.constant 0 : i32
      %dma_start3A_471 = tpu.memref_slice %arg6[%dma_start3A_460, %dma_start3A_469, %dma_start3A_470] : memref<20x128x16xi32, #tpu.memory_space<vmem>> -> memref<1x128x16xi32, #tpu.memory_space<vmem>>
      %dma_start3A_472 = tpu.memref_squeeze %dma_start3A_471 : memref<1x128x16xi32, #tpu.memory_space<vmem>> -> memref<128x16xi32, #tpu.memory_space<vmem>>
      tpu.enqueue_dma source(%dma_start3A_472 : memref<128x16xi32, #tpu.memory_space<vmem>>) target(%dma_start3A_468 : memref<128x16xi32, #tpu.memory_space<hbm>>) target_semaphore(%arg8 : memref<!tpu.dma_semaphore, #tpu.memory_space<semaphore_mem>>)
      %mul3A_473 = arith.constant 10 : i32
      %mul3A_474 = arith.muli %mul3A_278, %mul3A_473 : i32
      %add3A_475 = arith.constant 2 : i32
      %add3A_476 = arith.addi %mul3A_474, %add3A_475 : i32
      %mul3A_477 = arith.constant 128 : i32
      %mul3A_478 = arith.muli %add3A_476, %mul3A_477 : i32
      %add3A_479 = arith.addi %mul3A_2, %mul3A_478 : i32
      %dma_start3A_480 = arith.constant 2 : i32
      %dma_start3A_481 = arith.constant 0 : i32
      %dma_start3A_482 = arith.constant 0 : i32
      %dma_start3A_483 = tpu.memref_slice %arg6[%dma_start3A_480, %dma_start3A_481, %dma_start3A_482] : memref<20x128x16xi32, #tpu.memory_space<vmem>> -> memref<1x128x16xi32, #tpu.memory_space<vmem>>
      %dma_start3A_484 = tpu.memref_squeeze %dma_start3A_483 : memref<1x128x16xi32, #tpu.memory_space<vmem>> -> memref<128x16xi32, #tpu.memory_space<vmem>>
      %dma_start3A_485 = arith.constant 0 : i32
      %dma_start3A_486 = tpu.memref_slice %arg4[%add3A_479, %dma_start3A_485] : memref<819200x16xi32, #tpu.memory_space<hbm>> -> memref<128x16xi32, #tpu.memory_space<hbm>>
      %dma_start3A_487 = arith.constant 0 : i32
      %dma_start3A_488 = tpu.memref_slice %arg4[%add3A_479, %dma_start3A_487] : memref<819200x16xi32, #tpu.memory_space<hbm>> -> memref<128x16xi32, #tpu.memory_space<hbm>>
      %dma_start3A_489 = arith.constant 0 : i32
      %dma_start3A_490 = arith.constant 0 : i32
      %dma_start3A_491 = tpu.memref_slice %arg6[%dma_start3A_480, %dma_start3A_489, %dma_start3A_490] : memref<20x128x16xi32, #tpu.memory_space<vmem>> -> memref<1x128x16xi32, #tpu.memory_space<vmem>>
      %dma_start3A_492 = tpu.memref_squeeze %dma_start3A_491 : memref<1x128x16xi32, #tpu.memory_space<vmem>> -> memref<128x16xi32, #tpu.memory_space<vmem>>
      tpu.enqueue_dma source(%dma_start3A_492 : memref<128x16xi32, #tpu.memory_space<vmem>>) target(%dma_start3A_488 : memref<128x16xi32, #tpu.memory_space<hbm>>) target_semaphore(%arg8 : memref<!tpu.dma_semaphore, #tpu.memory_space<semaphore_mem>>)
      %mul3A_493 = arith.constant 10 : i32
      %mul3A_494 = arith.muli %mul3A_278, %mul3A_493 : i32
      %add3A_495 = arith.constant 3 : i32
      %add3A_496 = arith.addi %mul3A_494, %add3A_495 : i32
      %mul3A_497 = arith.constant 128 : i32
      %mul3A_498 = arith.muli %add3A_496, %mul3A_497 : i32
      %add3A_499 = arith.addi %mul3A_2, %mul3A_498 : i32
      %dma_start3A_500 = arith.constant 3 : i32
      %dma_start3A_501 = arith.constant 0 : i32
      %dma_start3A_502 = arith.constant 0 : i32
      %dma_start3A_503 = tpu.memref_slice %arg6[%dma_start3A_500, %dma_start3A_501, %dma_start3A_502] : memref<20x128x16xi32, #tpu.memory_space<vmem>> -> memref<1x128x16xi32, #tpu.memory_space<vmem>>
      %dma_start3A_504 = tpu.memref_squeeze %dma_start3A_503 : memref<1x128x16xi32, #tpu.memory_space<vmem>> -> memref<128x16xi32, #tpu.memory_space<vmem>>
      %dma_start3A_505 = arith.constant 0 : i32
      %dma_start3A_506 = tpu.memref_slice %arg4[%add3A_499, %dma_start3A_505] : memref<819200x16xi32, #tpu.memory_space<hbm>> -> memref<128x16xi32, #tpu.memory_space<hbm>>
      %dma_start3A_507 = arith.constant 0 : i32
      %dma_start3A_508 = tpu.memref_slice %arg4[%add3A_499, %dma_start3A_507] : memref<819200x16xi32, #tpu.memory_space<hbm>> -> memref<128x16xi32, #tpu.memory_space<hbm>>
      %dma_start3A_509 = arith.constant 0 : i32
      %dma_start3A_510 = arith.constant 0 : i32
      %dma_start3A_511 = tpu.memref_slice %arg6[%dma_start3A_500, %dma_start3A_509, %dma_start3A_510] : memref<20x128x16xi32, #tpu.memory_space<vmem>> -> memref<1x128x16xi32, #tpu.memory_space<vmem>>
      %dma_start3A_512 = tpu.memref_squeeze %dma_start3A_511 : memref<1x128x16xi32, #tpu.memory_space<vmem>> -> memref<128x16xi32, #tpu.memory_space<vmem>>
      tpu.enqueue_dma source(%dma_start3A_512 : memref<128x16xi32, #tpu.memory_space<vmem>>) target(%dma_start3A_508 : memref<128x16xi32, #tpu.memory_space<hbm>>) target_semaphore(%arg8 : memref<!tpu.dma_semaphore, #tpu.memory_space<semaphore_mem>>)
      %mul3A_513 = arith.constant 10 : i32
      %mul3A_514 = arith.muli %mul3A_278, %mul3A_513 : i32
      %add3A_515 = arith.constant 4 : i32
      %add3A_516 = arith.addi %mul3A_514, %add3A_515 : i32
      %mul3A_517 = arith.constant 128 : i32
      %mul3A_518 = arith.muli %add3A_516, %mul3A_517 : i32
      %add3A_519 = arith.addi %mul3A_2, %mul3A_518 : i32
      %dma_start3A_520 = arith.constant 4 : i32
      %dma_start3A_521 = arith.constant 0 : i32
      %dma_start3A_522 = arith.constant 0 : i32
      %dma_start3A_523 = tpu.memref_slice %arg6[%dma_start3A_520, %dma_start3A_521, %dma_start3A_522] : memref<20x128x16xi32, #tpu.memory_space<vmem>> -> memref<1x128x16xi32, #tpu.memory_space<vmem>>
      %dma_start3A_524 = tpu.memref_squeeze %dma_start3A_523 : memref<1x128x16xi32, #tpu.memory_space<vmem>> -> memref<128x16xi32, #tpu.memory_space<vmem>>
      %dma_start3A_525 = arith.constant 0 : i32
      %dma_start3A_526 = tpu.memref_slice %arg4[%add3A_519, %dma_start3A_525] : memref<819200x16xi32, #tpu.memory_space<hbm>> -> memref<128x16xi32, #tpu.memory_space<hbm>>
      %dma_start3A_527 = arith.constant 0 : i32
      %dma_start3A_528 = tpu.memref_slice %arg4[%add3A_519, %dma_start3A_527] : memref<819200x16xi32, #tpu.memory_space<hbm>> -> memref<128x16xi32, #tpu.memory_space<hbm>>
      %dma_start3A_529 = arith.constant 0 : i32
      %dma_start3A_530 = arith.constant 0 : i32
      %dma_start3A_531 = tpu.memref_slice %arg6[%dma_start3A_520, %dma_start3A_529, %dma_start3A_530] : memref<20x128x16xi32, #tpu.memory_space<vmem>> -> memref<1x128x16xi32, #tpu.memory_space<vmem>>
      %dma_start3A_532 = tpu.memref_squeeze %dma_start3A_531 : memref<1x128x16xi32, #tpu.memory_space<vmem>> -> memref<128x16xi32, #tpu.memory_space<vmem>>
      tpu.enqueue_dma source(%dma_start3A_532 : memref<128x16xi32, #tpu.memory_space<vmem>>) target(%dma_start3A_528 : memref<128x16xi32, #tpu.memory_space<hbm>>) target_semaphore(%arg8 : memref<!tpu.dma_semaphore, #tpu.memory_space<semaphore_mem>>)
      %mul3A_533 = arith.constant 10 : i32
      %mul3A_534 = arith.muli %mul3A_278, %mul3A_533 : i32
      %add3A_535 = arith.constant 5 : i32
      %add3A_536 = arith.addi %mul3A_534, %add3A_535 : i32
      %mul3A_537 = arith.constant 128 : i32
      %mul3A_538 = arith.muli %add3A_536, %mul3A_537 : i32
      %add3A_539 = arith.addi %mul3A_2, %mul3A_538 : i32
      %dma_start3A_540 = arith.constant 5 : i32
      %dma_start3A_541 = arith.constant 0 : i32
      %dma_start3A_542 = arith.constant 0 : i32
      %dma_start3A_543 = tpu.memref_slice %arg6[%dma_start3A_540, %dma_start3A_541, %dma_start3A_542] : memref<20x128x16xi32, #tpu.memory_space<vmem>> -> memref<1x128x16xi32, #tpu.memory_space<vmem>>
      %dma_start3A_544 = tpu.memref_squeeze %dma_start3A_543 : memref<1x128x16xi32, #tpu.memory_space<vmem>> -> memref<128x16xi32, #tpu.memory_space<vmem>>
      %dma_start3A_545 = arith.constant 0 : i32
      %dma_start3A_546 = tpu.memref_slice %arg4[%add3A_539, %dma_start3A_545] : memref<819200x16xi32, #tpu.memory_space<hbm>> -> memref<128x16xi32, #tpu.memory_space<hbm>>
      %dma_start3A_547 = arith.constant 0 : i32
      %dma_start3A_548 = tpu.memref_slice %arg4[%add3A_539, %dma_start3A_547] : memref<819200x16xi32, #tpu.memory_space<hbm>> -> memref<128x16xi32, #tpu.memory_space<hbm>>
      %dma_start3A_549 = arith.constant 0 : i32
      %dma_start3A_550 = arith.constant 0 : i32
      %dma_start3A_551 = tpu.memref_slice %arg6[%dma_start3A_540, %dma_start3A_549, %dma_start3A_550] : memref<20x128x16xi32, #tpu.memory_space<vmem>> -> memref<1x128x16xi32, #tpu.memory_space<vmem>>
      %dma_start3A_552 = tpu.memref_squeeze %dma_start3A_551 : memref<1x128x16xi32, #tpu.memory_space<vmem>> -> memref<128x16xi32, #tpu.memory_space<vmem>>
      tpu.enqueue_dma source(%dma_start3A_552 : memref<128x16xi32, #tpu.memory_space<vmem>>) target(%dma_start3A_548 : memref<128x16xi32, #tpu.memory_space<hbm>>) target_semaphore(%arg8 : memref<!tpu.dma_semaphore, #tpu.memory_space<semaphore_mem>>)
      %mul3A_553 = arith.constant 10 : i32
      %mul3A_554 = arith.muli %mul3A_278, %mul3A_553 : i32
      %add3A_555 = arith.constant 6 : i32
      %add3A_556 = arith.addi %mul3A_554, %add3A_555 : i32
      %mul3A_557 = arith.constant 128 : i32
      %mul3A_558 = arith.muli %add3A_556, %mul3A_557 : i32
      %add3A_559 = arith.addi %mul3A_2, %mul3A_558 : i32
      %dma_start3A_560 = arith.constant 6 : i32
      %dma_start3A_561 = arith.constant 0 : i32
      %dma_start3A_562 = arith.constant 0 : i32
      %dma_start3A_563 = tpu.memref_slice %arg6[%dma_start3A_560, %dma_start3A_561, %dma_start3A_562] : memref<20x128x16xi32, #tpu.memory_space<vmem>> -> memref<1x128x16xi32, #tpu.memory_space<vmem>>
      %dma_start3A_564 = tpu.memref_squeeze %dma_start3A_563 : memref<1x128x16xi32, #tpu.memory_space<vmem>> -> memref<128x16xi32, #tpu.memory_space<vmem>>
      %dma_start3A_565 = arith.constant 0 : i32
      %dma_start3A_566 = tpu.memref_slice %arg4[%add3A_559, %dma_start3A_565] : memref<819200x16xi32, #tpu.memory_space<hbm>> -> memref<128x16xi32, #tpu.memory_space<hbm>>
      %dma_start3A_567 = arith.constant 0 : i32
      %dma_start3A_568 = tpu.memref_slice %arg4[%add3A_559, %dma_start3A_567] : memref<819200x16xi32, #tpu.memory_space<hbm>> -> memref<128x16xi32, #tpu.memory_space<hbm>>
      %dma_start3A_569 = arith.constant 0 : i32
      %dma_start3A_570 = arith.constant 0 : i32
      %dma_start3A_571 = tpu.memref_slice %arg6[%dma_start3A_560, %dma_start3A_569, %dma_start3A_570] : memref<20x128x16xi32, #tpu.memory_space<vmem>> -> memref<1x128x16xi32, #tpu.memory_space<vmem>>
      %dma_start3A_572 = tpu.memref_squeeze %dma_start3A_571 : memref<1x128x16xi32, #tpu.memory_space<vmem>> -> memref<128x16xi32, #tpu.memory_space<vmem>>
      tpu.enqueue_dma source(%dma_start3A_572 : memref<128x16xi32, #tpu.memory_space<vmem>>) target(%dma_start3A_568 : memref<128x16xi32, #tpu.memory_space<hbm>>) target_semaphore(%arg8 : memref<!tpu.dma_semaphore, #tpu.memory_space<semaphore_mem>>)
      %mul3A_573 = arith.constant 10 : i32
      %mul3A_574 = arith.muli %mul3A_278, %mul3A_573 : i32
      %add3A_575 = arith.constant 7 : i32
      %add3A_576 = arith.addi %mul3A_574, %add3A_575 : i32
      %mul3A_577 = arith.constant 128 : i32
      %mul3A_578 = arith.muli %add3A_576, %mul3A_577 : i32
      %add3A_579 = arith.addi %mul3A_2, %mul3A_578 : i32
      %dma_start3A_580 = arith.constant 7 : i32
      %dma_start3A_581 = arith.constant 0 : i32
      %dma_start3A_582 = arith.constant 0 : i32
      %dma_start3A_583 = tpu.memref_slice %arg6[%dma_start3A_580, %dma_start3A_581, %dma_start3A_582] : memref<20x128x16xi32, #tpu.memory_space<vmem>> -> memref<1x128x16xi32, #tpu.memory_space<vmem>>
      %dma_start3A_584 = tpu.memref_squeeze %dma_start3A_583 : memref<1x128x16xi32, #tpu.memory_space<vmem>> -> memref<128x16xi32, #tpu.memory_space<vmem>>
      %dma_start3A_585 = arith.constant 0 : i32
      %dma_start3A_586 = tpu.memref_slice %arg4[%add3A_579, %dma_start3A_585] : memref<819200x16xi32, #tpu.memory_space<hbm>> -> memref<128x16xi32, #tpu.memory_space<hbm>>
      %dma_start3A_587 = arith.constant 0 : i32
      %dma_start3A_588 = tpu.memref_slice %arg4[%add3A_579, %dma_start3A_587] : memref<819200x16xi32, #tpu.memory_space<hbm>> -> memref<128x16xi32, #tpu.memory_space<hbm>>
      %dma_start3A_589 = arith.constant 0 : i32
      %dma_start3A_590 = arith.constant 0 : i32
      %dma_start3A_591 = tpu.memref_slice %arg6[%dma_start3A_580, %dma_start3A_589, %dma_start3A_590] : memref<20x128x16xi32, #tpu.memory_space<vmem>> -> memref<1x128x16xi32, #tpu.memory_space<vmem>>
      %dma_start3A_592 = tpu.memref_squeeze %dma_start3A_591 : memref<1x128x16xi32, #tpu.memory_space<vmem>> -> memref<128x16xi32, #tpu.memory_space<vmem>>
      tpu.enqueue_dma source(%dma_start3A_592 : memref<128x16xi32, #tpu.memory_space<vmem>>) target(%dma_start3A_588 : memref<128x16xi32, #tpu.memory_space<hbm>>) target_semaphore(%arg8 : memref<!tpu.dma_semaphore, #tpu.memory_space<semaphore_mem>>)
      %mul3A_593 = arith.constant 10 : i32
      %mul3A_594 = arith.muli %mul3A_278, %mul3A_593 : i32
      %add3A_595 = arith.constant 8 : i32
      %add3A_596 = arith.addi %mul3A_594, %add3A_595 : i32
      %mul3A_597 = arith.constant 128 : i32
      %mul3A_598 = arith.muli %add3A_596, %mul3A_597 : i32
      %add3A_599 = arith.addi %mul3A_2, %mul3A_598 : i32
      %dma_start3A_600 = arith.constant 8 : i32
      %dma_start3A_601 = arith.constant 0 : i32
      %dma_start3A_602 = arith.constant 0 : i32
      %dma_start3A_603 = tpu.memref_slice %arg6[%dma_start3A_600, %dma_start3A_601, %dma_start3A_602] : memref<20x128x16xi32, #tpu.memory_space<vmem>> -> memref<1x128x16xi32, #tpu.memory_space<vmem>>
      %dma_start3A_604 = tpu.memref_squeeze %dma_start3A_603 : memref<1x128x16xi32, #tpu.memory_space<vmem>> -> memref<128x16xi32, #tpu.memory_space<vmem>>
      %dma_start3A_605 = arith.constant 0 : i32
      %dma_start3A_606 = tpu.memref_slice %arg4[%add3A_599, %dma_start3A_605] : memref<819200x16xi32, #tpu.memory_space<hbm>> -> memref<128x16xi32, #tpu.memory_space<hbm>>
      %dma_start3A_607 = arith.constant 0 : i32
      %dma_start3A_608 = tpu.memref_slice %arg4[%add3A_599, %dma_start3A_607] : memref<819200x16xi32, #tpu.memory_space<hbm>> -> memref<128x16xi32, #tpu.memory_space<hbm>>
      %dma_start3A_609 = arith.constant 0 : i32
      %dma_start3A_610 = arith.constant 0 : i32
      %dma_start3A_611 = tpu.memref_slice %arg6[%dma_start3A_600, %dma_start3A_609, %dma_start3A_610] : memref<20x128x16xi32, #tpu.memory_space<vmem>> -> memref<1x128x16xi32, #tpu.memory_space<vmem>>
      %dma_start3A_612 = tpu.memref_squeeze %dma_start3A_611 : memref<1x128x16xi32, #tpu.memory_space<vmem>> -> memref<128x16xi32, #tpu.memory_space<vmem>>
      tpu.enqueue_dma source(%dma_start3A_612 : memref<128x16xi32, #tpu.memory_space<vmem>>) target(%dma_start3A_608 : memref<128x16xi32, #tpu.memory_space<hbm>>) target_semaphore(%arg8 : memref<!tpu.dma_semaphore, #tpu.memory_space<semaphore_mem>>)
      %mul3A_613 = arith.constant 10 : i32
      %mul3A_614 = arith.muli %mul3A_278, %mul3A_613 : i32
      %add3A_615 = arith.constant 9 : i32
      %add3A_616 = arith.addi %mul3A_614, %add3A_615 : i32
      %mul3A_617 = arith.constant 128 : i32
      %mul3A_618 = arith.muli %add3A_616, %mul3A_617 : i32
      %add3A_619 = arith.addi %mul3A_2, %mul3A_618 : i32
      %dma_start3A_620 = arith.constant 9 : i32
      %dma_start3A_621 = arith.constant 0 : i32
      %dma_start3A_622 = arith.constant 0 : i32
      %dma_start3A_623 = tpu.memref_slice %arg6[%dma_start3A_620, %dma_start3A_621, %dma_start3A_622] : memref<20x128x16xi32, #tpu.memory_space<vmem>> -> memref<1x128x16xi32, #tpu.memory_space<vmem>>
      %dma_start3A_624 = tpu.memref_squeeze %dma_start3A_623 : memref<1x128x16xi32, #tpu.memory_space<vmem>> -> memref<128x16xi32, #tpu.memory_space<vmem>>
      %dma_start3A_625 = arith.constant 0 : i32
      %dma_start3A_626 = tpu.memref_slice %arg4[%add3A_619, %dma_start3A_625] : memref<819200x16xi32, #tpu.memory_space<hbm>> -> memref<128x16xi32, #tpu.memory_space<hbm>>
      %dma_start3A_627 = arith.constant 0 : i32
      %dma_start3A_628 = tpu.memref_slice %arg4[%add3A_619, %dma_start3A_627] : memref<819200x16xi32, #tpu.memory_space<hbm>> -> memref<128x16xi32, #tpu.memory_space<hbm>>
      %dma_start3A_629 = arith.constant 0 : i32
      %dma_start3A_630 = arith.constant 0 : i32
      %dma_start3A_631 = tpu.memref_slice %arg6[%dma_start3A_620, %dma_start3A_629, %dma_start3A_630] : memref<20x128x16xi32, #tpu.memory_space<vmem>> -> memref<1x128x16xi32, #tpu.memory_space<vmem>>
      %dma_start3A_632 = tpu.memref_squeeze %dma_start3A_631 : memref<1x128x16xi32, #tpu.memory_space<vmem>> -> memref<128x16xi32, #tpu.memory_space<vmem>>
      tpu.enqueue_dma source(%dma_start3A_632 : memref<128x16xi32, #tpu.memory_space<vmem>>) target(%dma_start3A_628 : memref<128x16xi32, #tpu.memory_space<hbm>>) target_semaphore(%arg8 : memref<!tpu.dma_semaphore, #tpu.memory_space<semaphore_mem>>)
      %ge3A = arith.constant 1 : i32
      %ge3A_633 = arith.cmpi sge, %scan3A_276, %ge3A : i32
      %convert_element_type3A = arith.extui %ge3A_633 : i1 to i32
      %cond3A = arith.constant 0 : i32
      %cond3A_634 = arith.cmpi ne, %convert_element_type3A, %cond3A : i32
      scf.if %cond3A_634 {
        %dma_wait3A_1291 = arith.constant 10 : i32
        %dma_wait3A_1292 = arith.constant 0 : i32
        %dma_wait3A_1293 = arith.constant 0 : i32
        %dma_wait3A_1294 = tpu.memref_slice %arg6[%dma_wait3A_1291, %dma_wait3A_1292, %dma_wait3A_1293] : memref<20x128x16xi32, #tpu.memory_space<vmem>> -> memref<1x128x16xi32, #tpu.memory_space<vmem>>
        %dma_wait3A_1295 = tpu.memref_squeeze %dma_wait3A_1294 : memref<1x128x16xi32, #tpu.memory_space<vmem>> -> memref<128x16xi32, #tpu.memory_space<vmem>>
        %dma_wait3A_1296 = arith.constant 0 : i32
        %dma_wait3A_1297 = arith.constant 0 : i32
        %dma_wait3A_1298 = tpu.memref_slice %arg4[%dma_wait3A_1296, %dma_wait3A_1297] : memref<819200x16xi32, #tpu.memory_space<hbm>> -> memref<128x16xi32, #tpu.memory_space<hbm>>
        %dma_wait3A_1299 = arith.constant 0 : i32
        %dma_wait3A_1300 = arith.constant 0 : i32
        %dma_wait3A_1301 = tpu.memref_slice %arg4[%dma_wait3A_1299, %dma_wait3A_1300] : memref<819200x16xi32, #tpu.memory_space<hbm>> -> memref<128x16xi32, #tpu.memory_space<hbm>>
        %dma_wait3A_1302 = arith.constant 0 : i32
        %dma_wait3A_1303 = arith.constant 0 : i32
        %dma_wait3A_1304 = tpu.memref_slice %arg6[%dma_wait3A_1291, %dma_wait3A_1302, %dma_wait3A_1303] : memref<20x128x16xi32, #tpu.memory_space<vmem>> -> memref<1x128x16xi32, #tpu.memory_space<vmem>>
        %dma_wait3A_1305 = tpu.memref_squeeze %dma_wait3A_1304 : memref<1x128x16xi32, #tpu.memory_space<vmem>> -> memref<128x16xi32, #tpu.memory_space<vmem>>
        tpu.wait_dma2 semaphore(%arg8 : memref<!tpu.dma_semaphore, #tpu.memory_space<semaphore_mem>>) src(%dma_wait3A_1305 : memref<128x16xi32, #tpu.memory_space<vmem>>) dst(%dma_wait3A_1301 : memref<128x16xi32, #tpu.memory_space<hbm>>)
        %dma_wait3A_1306 = arith.constant 11 : i32
        %dma_wait3A_1307 = arith.constant 0 : i32
        %dma_wait3A_1308 = arith.constant 0 : i32
        %dma_wait3A_1309 = tpu.memref_slice %arg6[%dma_wait3A_1306, %dma_wait3A_1307, %dma_wait3A_1308] : memref<20x128x16xi32, #tpu.memory_space<vmem>> -> memref<1x128x16xi32, #tpu.memory_space<vmem>>
        %dma_wait3A_1310 = tpu.memref_squeeze %dma_wait3A_1309 : memref<1x128x16xi32, #tpu.memory_space<vmem>> -> memref<128x16xi32, #tpu.memory_space<vmem>>
        %dma_wait3A_1311 = arith.constant 0 : i32
        %dma_wait3A_1312 = arith.constant 0 : i32
        %dma_wait3A_1313 = tpu.memref_slice %arg4[%dma_wait3A_1311, %dma_wait3A_1312] : memref<819200x16xi32, #tpu.memory_space<hbm>> -> memref<128x16xi32, #tpu.memory_space<hbm>>
        %dma_wait3A_1314 = arith.constant 0 : i32
        %dma_wait3A_1315 = arith.constant 0 : i32
        %dma_wait3A_1316 = tpu.memref_slice %arg4[%dma_wait3A_1314, %dma_wait3A_1315] : memref<819200x16xi32, #tpu.memory_space<hbm>> -> memref<128x16xi32, #tpu.memory_space<hbm>>
        %dma_wait3A_1317 = arith.constant 0 : i32
        %dma_wait3A_1318 = arith.constant 0 : i32
        %dma_wait3A_1319 = tpu.memref_slice %arg6[%dma_wait3A_1306, %dma_wait3A_1317, %dma_wait3A_1318] : memref<20x128x16xi32, #tpu.memory_space<vmem>> -> memref<1x128x16xi32, #tpu.memory_space<vmem>>
        %dma_wait3A_1320 = tpu.memref_squeeze %dma_wait3A_1319 : memref<1x128x16xi32, #tpu.memory_space<vmem>> -> memref<128x16xi32, #tpu.memory_space<vmem>>
        tpu.wait_dma2 semaphore(%arg8 : memref<!tpu.dma_semaphore, #tpu.memory_space<semaphore_mem>>) src(%dma_wait3A_1320 : memref<128x16xi32, #tpu.memory_space<vmem>>) dst(%dma_wait3A_1316 : memref<128x16xi32, #tpu.memory_space<hbm>>)
        %dma_wait3A_1321 = arith.constant 12 : i32
        %dma_wait3A_1322 = arith.constant 0 : i32
        %dma_wait3A_1323 = arith.constant 0 : i32
        %dma_wait3A_1324 = tpu.memref_slice %arg6[%dma_wait3A_1321, %dma_wait3A_1322, %dma_wait3A_1323] : memref<20x128x16xi32, #tpu.memory_space<vmem>> -> memref<1x128x16xi32, #tpu.memory_space<vmem>>
        %dma_wait3A_1325 = tpu.memref_squeeze %dma_wait3A_1324 : memref<1x128x16xi32, #tpu.memory_space<vmem>> -> memref<128x16xi32, #tpu.memory_space<vmem>>
        %dma_wait3A_1326 = arith.constant 0 : i32
        %dma_wait3A_1327 = arith.constant 0 : i32
        %dma_wait3A_1328 = tpu.memref_slice %arg4[%dma_wait3A_1326, %dma_wait3A_1327] : memref<819200x16xi32, #tpu.memory_space<hbm>> -> memref<128x16xi32, #tpu.memory_space<hbm>>
        %dma_wait3A_1329 = arith.constant 0 : i32
        %dma_wait3A_1330 = arith.constant 0 : i32
        %dma_wait3A_1331 = tpu.memref_slice %arg4[%dma_wait3A_1329, %dma_wait3A_1330] : memref<819200x16xi32, #tpu.memory_space<hbm>> -> memref<128x16xi32, #tpu.memory_space<hbm>>
        %dma_wait3A_1332 = arith.constant 0 : i32
        %dma_wait3A_1333 = arith.constant 0 : i32
        %dma_wait3A_1334 = tpu.memref_slice %arg6[%dma_wait3A_1321, %dma_wait3A_1332, %dma_wait3A_1333] : memref<20x128x16xi32, #tpu.memory_space<vmem>> -> memref<1x128x16xi32, #tpu.memory_space<vmem>>
        %dma_wait3A_1335 = tpu.memref_squeeze %dma_wait3A_1334 : memref<1x128x16xi32, #tpu.memory_space<vmem>> -> memref<128x16xi32, #tpu.memory_space<vmem>>
        tpu.wait_dma2 semaphore(%arg8 : memref<!tpu.dma_semaphore, #tpu.memory_space<semaphore_mem>>) src(%dma_wait3A_1335 : memref<128x16xi32, #tpu.memory_space<vmem>>) dst(%dma_wait3A_1331 : memref<128x16xi32, #tpu.memory_space<hbm>>)
        %dma_wait3A_1336 = arith.constant 13 : i32
        %dma_wait3A_1337 = arith.constant 0 : i32
        %dma_wait3A_1338 = arith.constant 0 : i32
        %dma_wait3A_1339 = tpu.memref_slice %arg6[%dma_wait3A_1336, %dma_wait3A_1337, %dma_wait3A_1338] : memref<20x128x16xi32, #tpu.memory_space<vmem>> -> memref<1x128x16xi32, #tpu.memory_space<vmem>>
        %dma_wait3A_1340 = tpu.memref_squeeze %dma_wait3A_1339 : memref<1x128x16xi32, #tpu.memory_space<vmem>> -> memref<128x16xi32, #tpu.memory_space<vmem>>
        %dma_wait3A_1341 = arith.constant 0 : i32
        %dma_wait3A_1342 = arith.constant 0 : i32
        %dma_wait3A_1343 = tpu.memref_slice %arg4[%dma_wait3A_1341, %dma_wait3A_1342] : memref<819200x16xi32, #tpu.memory_space<hbm>> -> memref<128x16xi32, #tpu.memory_space<hbm>>
        %dma_wait3A_1344 = arith.constant 0 : i32
        %dma_wait3A_1345 = arith.constant 0 : i32
        %dma_wait3A_1346 = tpu.memref_slice %arg4[%dma_wait3A_1344, %dma_wait3A_1345] : memref<819200x16xi32, #tpu.memory_space<hbm>> -> memref<128x16xi32, #tpu.memory_space<hbm>>
        %dma_wait3A_1347 = arith.constant 0 : i32
        %dma_wait3A_1348 = arith.constant 0 : i32
        %dma_wait3A_1349 = tpu.memref_slice %arg6[%dma_wait3A_1336, %dma_wait3A_1347, %dma_wait3A_1348] : memref<20x128x16xi32, #tpu.memory_space<vmem>> -> memref<1x128x16xi32, #tpu.memory_space<vmem>>
        %dma_wait3A_1350 = tpu.memref_squeeze %dma_wait3A_1349 : memref<1x128x16xi32, #tpu.memory_space<vmem>> -> memref<128x16xi32, #tpu.memory_space<vmem>>
        tpu.wait_dma2 semaphore(%arg8 : memref<!tpu.dma_semaphore, #tpu.memory_space<semaphore_mem>>) src(%dma_wait3A_1350 : memref<128x16xi32, #tpu.memory_space<vmem>>) dst(%dma_wait3A_1346 : memref<128x16xi32, #tpu.memory_space<hbm>>)
        %dma_wait3A_1351 = arith.constant 14 : i32
        %dma_wait3A_1352 = arith.constant 0 : i32
        %dma_wait3A_1353 = arith.constant 0 : i32
        %dma_wait3A_1354 = tpu.memref_slice %arg6[%dma_wait3A_1351, %dma_wait3A_1352, %dma_wait3A_1353] : memref<20x128x16xi32, #tpu.memory_space<vmem>> -> memref<1x128x16xi32, #tpu.memory_space<vmem>>
        %dma_wait3A_1355 = tpu.memref_squeeze %dma_wait3A_1354 : memref<1x128x16xi32, #tpu.memory_space<vmem>> -> memref<128x16xi32, #tpu.memory_space<vmem>>
        %dma_wait3A_1356 = arith.constant 0 : i32
        %dma_wait3A_1357 = arith.constant 0 : i32
        %dma_wait3A_1358 = tpu.memref_slice %arg4[%dma_wait3A_1356, %dma_wait3A_1357] : memref<819200x16xi32, #tpu.memory_space<hbm>> -> memref<128x16xi32, #tpu.memory_space<hbm>>
        %dma_wait3A_1359 = arith.constant 0 : i32
        %dma_wait3A_1360 = arith.constant 0 : i32
        %dma_wait3A_1361 = tpu.memref_slice %arg4[%dma_wait3A_1359, %dma_wait3A_1360] : memref<819200x16xi32, #tpu.memory_space<hbm>> -> memref<128x16xi32, #tpu.memory_space<hbm>>
        %dma_wait3A_1362 = arith.constant 0 : i32
        %dma_wait3A_1363 = arith.constant 0 : i32
        %dma_wait3A_1364 = tpu.memref_slice %arg6[%dma_wait3A_1351, %dma_wait3A_1362, %dma_wait3A_1363] : memref<20x128x16xi32, #tpu.memory_space<vmem>> -> memref<1x128x16xi32, #tpu.memory_space<vmem>>
        %dma_wait3A_1365 = tpu.memref_squeeze %dma_wait3A_1364 : memref<1x128x16xi32, #tpu.memory_space<vmem>> -> memref<128x16xi32, #tpu.memory_space<vmem>>
        tpu.wait_dma2 semaphore(%arg8 : memref<!tpu.dma_semaphore, #tpu.memory_space<semaphore_mem>>) src(%dma_wait3A_1365 : memref<128x16xi32, #tpu.memory_space<vmem>>) dst(%dma_wait3A_1361 : memref<128x16xi32, #tpu.memory_space<hbm>>)
        %dma_wait3A_1366 = arith.constant 15 : i32
        %dma_wait3A_1367 = arith.constant 0 : i32
        %dma_wait3A_1368 = arith.constant 0 : i32
        %dma_wait3A_1369 = tpu.memref_slice %arg6[%dma_wait3A_1366, %dma_wait3A_1367, %dma_wait3A_1368] : memref<20x128x16xi32, #tpu.memory_space<vmem>> -> memref<1x128x16xi32, #tpu.memory_space<vmem>>
        %dma_wait3A_1370 = tpu.memref_squeeze %dma_wait3A_1369 : memref<1x128x16xi32, #tpu.memory_space<vmem>> -> memref<128x16xi32, #tpu.memory_space<vmem>>
        %dma_wait3A_1371 = arith.constant 0 : i32
        %dma_wait3A_1372 = arith.constant 0 : i32
        %dma_wait3A_1373 = tpu.memref_slice %arg4[%dma_wait3A_1371, %dma_wait3A_1372] : memref<819200x16xi32, #tpu.memory_space<hbm>> -> memref<128x16xi32, #tpu.memory_space<hbm>>
        %dma_wait3A_1374 = arith.constant 0 : i32
        %dma_wait3A_1375 = arith.constant 0 : i32
        %dma_wait3A_1376 = tpu.memref_slice %arg4[%dma_wait3A_1374, %dma_wait3A_1375] : memref<819200x16xi32, #tpu.memory_space<hbm>> -> memref<128x16xi32, #tpu.memory_space<hbm>>
        %dma_wait3A_1377 = arith.constant 0 : i32
        %dma_wait3A_1378 = arith.constant 0 : i32
        %dma_wait3A_1379 = tpu.memref_slice %arg6[%dma_wait3A_1366, %dma_wait3A_1377, %dma_wait3A_1378] : memref<20x128x16xi32, #tpu.memory_space<vmem>> -> memref<1x128x16xi32, #tpu.memory_space<vmem>>
        %dma_wait3A_1380 = tpu.memref_squeeze %dma_wait3A_1379 : memref<1x128x16xi32, #tpu.memory_space<vmem>> -> memref<128x16xi32, #tpu.memory_space<vmem>>
        tpu.wait_dma2 semaphore(%arg8 : memref<!tpu.dma_semaphore, #tpu.memory_space<semaphore_mem>>) src(%dma_wait3A_1380 : memref<128x16xi32, #tpu.memory_space<vmem>>) dst(%dma_wait3A_1376 : memref<128x16xi32, #tpu.memory_space<hbm>>)
        %dma_wait3A_1381 = arith.constant 16 : i32
        %dma_wait3A_1382 = arith.constant 0 : i32
        %dma_wait3A_1383 = arith.constant 0 : i32
        %dma_wait3A_1384 = tpu.memref_slice %arg6[%dma_wait3A_1381, %dma_wait3A_1382, %dma_wait3A_1383] : memref<20x128x16xi32, #tpu.memory_space<vmem>> -> memref<1x128x16xi32, #tpu.memory_space<vmem>>
        %dma_wait3A_1385 = tpu.memref_squeeze %dma_wait3A_1384 : memref<1x128x16xi32, #tpu.memory_space<vmem>> -> memref<128x16xi32, #tpu.memory_space<vmem>>
        %dma_wait3A_1386 = arith.constant 0 : i32
        %dma_wait3A_1387 = arith.constant 0 : i32
        %dma_wait3A_1388 = tpu.memref_slice %arg4[%dma_wait3A_1386, %dma_wait3A_1387] : memref<819200x16xi32, #tpu.memory_space<hbm>> -> memref<128x16xi32, #tpu.memory_space<hbm>>
        %dma_wait3A_1389 = arith.constant 0 : i32
        %dma_wait3A_1390 = arith.constant 0 : i32
        %dma_wait3A_1391 = tpu.memref_slice %arg4[%dma_wait3A_1389, %dma_wait3A_1390] : memref<819200x16xi32, #tpu.memory_space<hbm>> -> memref<128x16xi32, #tpu.memory_space<hbm>>
        %dma_wait3A_1392 = arith.constant 0 : i32
        %dma_wait3A_1393 = arith.constant 0 : i32
        %dma_wait3A_1394 = tpu.memref_slice %arg6[%dma_wait3A_1381, %dma_wait3A_1392, %dma_wait3A_1393] : memref<20x128x16xi32, #tpu.memory_space<vmem>> -> memref<1x128x16xi32, #tpu.memory_space<vmem>>
        %dma_wait3A_1395 = tpu.memref_squeeze %dma_wait3A_1394 : memref<1x128x16xi32, #tpu.memory_space<vmem>> -> memref<128x16xi32, #tpu.memory_space<vmem>>
        tpu.wait_dma2 semaphore(%arg8 : memref<!tpu.dma_semaphore, #tpu.memory_space<semaphore_mem>>) src(%dma_wait3A_1395 : memref<128x16xi32, #tpu.memory_space<vmem>>) dst(%dma_wait3A_1391 : memref<128x16xi32, #tpu.memory_space<hbm>>)
        %dma_wait3A_1396 = arith.constant 17 : i32
        %dma_wait3A_1397 = arith.constant 0 : i32
        %dma_wait3A_1398 = arith.constant 0 : i32
        %dma_wait3A_1399 = tpu.memref_slice %arg6[%dma_wait3A_1396, %dma_wait3A_1397, %dma_wait3A_1398] : memref<20x128x16xi32, #tpu.memory_space<vmem>> -> memref<1x128x16xi32, #tpu.memory_space<vmem>>
        %dma_wait3A_1400 = tpu.memref_squeeze %dma_wait3A_1399 : memref<1x128x16xi32, #tpu.memory_space<vmem>> -> memref<128x16xi32, #tpu.memory_space<vmem>>
        %dma_wait3A_1401 = arith.constant 0 : i32
        %dma_wait3A_1402 = arith.constant 0 : i32
        %dma_wait3A_1403 = tpu.memref_slice %arg4[%dma_wait3A_1401, %dma_wait3A_1402] : memref<819200x16xi32, #tpu.memory_space<hbm>> -> memref<128x16xi32, #tpu.memory_space<hbm>>
        %dma_wait3A_1404 = arith.constant 0 : i32
        %dma_wait3A_1405 = arith.constant 0 : i32
        %dma_wait3A_1406 = tpu.memref_slice %arg4[%dma_wait3A_1404, %dma_wait3A_1405] : memref<819200x16xi32, #tpu.memory_space<hbm>> -> memref<128x16xi32, #tpu.memory_space<hbm>>
        %dma_wait3A_1407 = arith.constant 0 : i32
        %dma_wait3A_1408 = arith.constant 0 : i32
        %dma_wait3A_1409 = tpu.memref_slice %arg6[%dma_wait3A_1396, %dma_wait3A_1407, %dma_wait3A_1408] : memref<20x128x16xi32, #tpu.memory_space<vmem>> -> memref<1x128x16xi32, #tpu.memory_space<vmem>>
        %dma_wait3A_1410 = tpu.memref_squeeze %dma_wait3A_1409 : memref<1x128x16xi32, #tpu.memory_space<vmem>> -> memref<128x16xi32, #tpu.memory_space<vmem>>
        tpu.wait_dma2 semaphore(%arg8 : memref<!tpu.dma_semaphore, #tpu.memory_space<semaphore_mem>>) src(%dma_wait3A_1410 : memref<128x16xi32, #tpu.memory_space<vmem>>) dst(%dma_wait3A_1406 : memref<128x16xi32, #tpu.memory_space<hbm>>)
        %dma_wait3A_1411 = arith.constant 18 : i32
        %dma_wait3A_1412 = arith.constant 0 : i32
        %dma_wait3A_1413 = arith.constant 0 : i32
        %dma_wait3A_1414 = tpu.memref_slice %arg6[%dma_wait3A_1411, %dma_wait3A_1412, %dma_wait3A_1413] : memref<20x128x16xi32, #tpu.memory_space<vmem>> -> memref<1x128x16xi32, #tpu.memory_space<vmem>>
        %dma_wait3A_1415 = tpu.memref_squeeze %dma_wait3A_1414 : memref<1x128x16xi32, #tpu.memory_space<vmem>> -> memref<128x16xi32, #tpu.memory_space<vmem>>
        %dma_wait3A_1416 = arith.constant 0 : i32
        %dma_wait3A_1417 = arith.constant 0 : i32
        %dma_wait3A_1418 = tpu.memref_slice %arg4[%dma_wait3A_1416, %dma_wait3A_1417] : memref<819200x16xi32, #tpu.memory_space<hbm>> -> memref<128x16xi32, #tpu.memory_space<hbm>>
        %dma_wait3A_1419 = arith.constant 0 : i32
        %dma_wait3A_1420 = arith.constant 0 : i32
        %dma_wait3A_1421 = tpu.memref_slice %arg4[%dma_wait3A_1419, %dma_wait3A_1420] : memref<819200x16xi32, #tpu.memory_space<hbm>> -> memref<128x16xi32, #tpu.memory_space<hbm>>
        %dma_wait3A_1422 = arith.constant 0 : i32
        %dma_wait3A_1423 = arith.constant 0 : i32
        %dma_wait3A_1424 = tpu.memref_slice %arg6[%dma_wait3A_1411, %dma_wait3A_1422, %dma_wait3A_1423] : memref<20x128x16xi32, #tpu.memory_space<vmem>> -> memref<1x128x16xi32, #tpu.memory_space<vmem>>
        %dma_wait3A_1425 = tpu.memref_squeeze %dma_wait3A_1424 : memref<1x128x16xi32, #tpu.memory_space<vmem>> -> memref<128x16xi32, #tpu.memory_space<vmem>>
        tpu.wait_dma2 semaphore(%arg8 : memref<!tpu.dma_semaphore, #tpu.memory_space<semaphore_mem>>) src(%dma_wait3A_1425 : memref<128x16xi32, #tpu.memory_space<vmem>>) dst(%dma_wait3A_1421 : memref<128x16xi32, #tpu.memory_space<hbm>>)
        %dma_wait3A_1426 = arith.constant 19 : i32
        %dma_wait3A_1427 = arith.constant 0 : i32
        %dma_wait3A_1428 = arith.constant 0 : i32
        %dma_wait3A_1429 = tpu.memref_slice %arg6[%dma_wait3A_1426, %dma_wait3A_1427, %dma_wait3A_1428] : memref<20x128x16xi32, #tpu.memory_space<vmem>> -> memref<1x128x16xi32, #tpu.memory_space<vmem>>
        %dma_wait3A_1430 = tpu.memref_squeeze %dma_wait3A_1429 : memref<1x128x16xi32, #tpu.memory_space<vmem>> -> memref<128x16xi32, #tpu.memory_space<vmem>>
        %dma_wait3A_1431 = arith.constant 0 : i32
        %dma_wait3A_1432 = arith.constant 0 : i32
        %dma_wait3A_1433 = tpu.memref_slice %arg4[%dma_wait3A_1431, %dma_wait3A_1432] : memref<819200x16xi32, #tpu.memory_space<hbm>> -> memref<128x16xi32, #tpu.memory_space<hbm>>
        %dma_wait3A_1434 = arith.constant 0 : i32
        %dma_wait3A_1435 = arith.constant 0 : i32
        %dma_wait3A_1436 = tpu.memref_slice %arg4[%dma_wait3A_1434, %dma_wait3A_1435] : memref<819200x16xi32, #tpu.memory_space<hbm>> -> memref<128x16xi32, #tpu.memory_space<hbm>>
        %dma_wait3A_1437 = arith.constant 0 : i32
        %dma_wait3A_1438 = arith.constant 0 : i32
        %dma_wait3A_1439 = tpu.memref_slice %arg6[%dma_wait3A_1426, %dma_wait3A_1437, %dma_wait3A_1438] : memref<20x128x16xi32, #tpu.memory_space<vmem>> -> memref<1x128x16xi32, #tpu.memory_space<vmem>>
        %dma_wait3A_1440 = tpu.memref_squeeze %dma_wait3A_1439 : memref<1x128x16xi32, #tpu.memory_space<vmem>> -> memref<128x16xi32, #tpu.memory_space<vmem>>
        tpu.wait_dma2 semaphore(%arg8 : memref<!tpu.dma_semaphore, #tpu.memory_space<semaphore_mem>>) src(%dma_wait3A_1440 : memref<128x16xi32, #tpu.memory_space<vmem>>) dst(%dma_wait3A_1436 : memref<128x16xi32, #tpu.memory_space<hbm>>)
      } else {
      }
      %mul3A_635 = arith.constant 10 : i32
      %mul3A_636 = arith.muli %add3A_282, %mul3A_635 : i32
      %add3A_637 = arith.constant 0 : i32
      %add3A_638 = arith.addi %mul3A_636, %add3A_637 : i32
      %dma_start3A_639 = arith.constant 10 : i32
      %dma_start3A_640 = arith.constant 0 : i32
      %dma_start3A_641 = arith.constant 0 : i32
      %dma_start3A_642 = tpu.memref_slice %arg6[%dma_start3A_639, %dma_start3A_640, %dma_start3A_641] : memref<20x128x16xi32, #tpu.memory_space<vmem>> -> memref<1x128x16xi32, #tpu.memory_space<vmem>>
      %dma_start3A_643 = tpu.memref_squeeze %dma_start3A_642 : memref<1x128x16xi32, #tpu.memory_space<vmem>> -> memref<128x16xi32, #tpu.memory_space<vmem>>
      %dma_start3A_644 = arith.constant 0 : i32
      %dma_start3A_645 = tpu.memref_slice %arg5[%add3A_638, %dma_start3A_644] : memref<200x128xi32, #tpu.memory_space<vmem>> -> memref<1x128xi32, #tpu.memory_space<vmem>>
      %dma_start3A_646 = tpu.memref_squeeze %dma_start3A_645 : memref<1x128xi32, #tpu.memory_space<vmem>> -> memref<128xi32, #tpu.memory_space<vmem>>
      %dma_start3A_647 = arith.constant 0 : i32
      %dma_start3A_648 = arith.constant 0 : i32
      %dma_start3A_649 = tpu.memref_slice %arg3[%dma_start3A_647, %dma_start3A_648] : memref<1015808x16xi32, #tpu.memory_space<hbm>> -> memref<1015808x16xi32, #tpu.memory_space<hbm>>
      tpu.enqueue_indirect_dma source(%dma_start3A_649 : memref<1015808x16xi32, #tpu.memory_space<hbm>>) target(%dma_start3A_643 : memref<128x16xi32, #tpu.memory_space<vmem>>) offsets(%dma_start3A_646 : memref<128xi32, #tpu.memory_space<vmem>>) semaphore(%arg7 : memref<!tpu.dma_semaphore, #tpu.memory_space<semaphore_mem>>)
      %mul3A_650 = arith.constant 10 : i32
      %mul3A_651 = arith.muli %add3A_282, %mul3A_650 : i32
      %add3A_652 = arith.constant 1 : i32
      %add3A_653 = arith.addi %mul3A_651, %add3A_652 : i32
      %dma_start3A_654 = arith.constant 11 : i32
      %dma_start3A_655 = arith.constant 0 : i32
      %dma_start3A_656 = arith.constant 0 : i32
      %dma_start3A_657 = tpu.memref_slice %arg6[%dma_start3A_654, %dma_start3A_655, %dma_start3A_656] : memref<20x128x16xi32, #tpu.memory_space<vmem>> -> memref<1x128x16xi32, #tpu.memory_space<vmem>>
      %dma_start3A_658 = tpu.memref_squeeze %dma_start3A_657 : memref<1x128x16xi32, #tpu.memory_space<vmem>> -> memref<128x16xi32, #tpu.memory_space<vmem>>
      %dma_start3A_659 = arith.constant 0 : i32
      %dma_start3A_660 = tpu.memref_slice %arg5[%add3A_653, %dma_start3A_659] : memref<200x128xi32, #tpu.memory_space<vmem>> -> memref<1x128xi32, #tpu.memory_space<vmem>>
      %dma_start3A_661 = tpu.memref_squeeze %dma_start3A_660 : memref<1x128xi32, #tpu.memory_space<vmem>> -> memref<128xi32, #tpu.memory_space<vmem>>
      %dma_start3A_662 = arith.constant 0 : i32
      %dma_start3A_663 = arith.constant 0 : i32
      %dma_start3A_664 = tpu.memref_slice %arg3[%dma_start3A_662, %dma_start3A_663] : memref<1015808x16xi32, #tpu.memory_space<hbm>> -> memref<1015808x16xi32, #tpu.memory_space<hbm>>
      tpu.enqueue_indirect_dma source(%dma_start3A_664 : memref<1015808x16xi32, #tpu.memory_space<hbm>>) target(%dma_start3A_658 : memref<128x16xi32, #tpu.memory_space<vmem>>) offsets(%dma_start3A_661 : memref<128xi32, #tpu.memory_space<vmem>>) semaphore(%arg7 : memref<!tpu.dma_semaphore, #tpu.memory_space<semaphore_mem>>)
      %mul3A_665 = arith.constant 10 : i32
      %mul3A_666 = arith.muli %add3A_282, %mul3A_665 : i32
      %add3A_667 = arith.constant 2 : i32
      %add3A_668 = arith.addi %mul3A_666, %add3A_667 : i32
      %dma_start3A_669 = arith.constant 12 : i32
      %dma_start3A_670 = arith.constant 0 : i32
      %dma_start3A_671 = arith.constant 0 : i32
      %dma_start3A_672 = tpu.memref_slice %arg6[%dma_start3A_669, %dma_start3A_670, %dma_start3A_671] : memref<20x128x16xi32, #tpu.memory_space<vmem>> -> memref<1x128x16xi32, #tpu.memory_space<vmem>>
      %dma_start3A_673 = tpu.memref_squeeze %dma_start3A_672 : memref<1x128x16xi32, #tpu.memory_space<vmem>> -> memref<128x16xi32, #tpu.memory_space<vmem>>
      %dma_start3A_674 = arith.constant 0 : i32
      %dma_start3A_675 = tpu.memref_slice %arg5[%add3A_668, %dma_start3A_674] : memref<200x128xi32, #tpu.memory_space<vmem>> -> memref<1x128xi32, #tpu.memory_space<vmem>>
      %dma_start3A_676 = tpu.memref_squeeze %dma_start3A_675 : memref<1x128xi32, #tpu.memory_space<vmem>> -> memref<128xi32, #tpu.memory_space<vmem>>
      %dma_start3A_677 = arith.constant 0 : i32
      %dma_start3A_678 = arith.constant 0 : i32
      %dma_start3A_679 = tpu.memref_slice %arg3[%dma_start3A_677, %dma_start3A_678] : memref<1015808x16xi32, #tpu.memory_space<hbm>> -> memref<1015808x16xi32, #tpu.memory_space<hbm>>
      tpu.enqueue_indirect_dma source(%dma_start3A_679 : memref<1015808x16xi32, #tpu.memory_space<hbm>>) target(%dma_start3A_673 : memref<128x16xi32, #tpu.memory_space<vmem>>) offsets(%dma_start3A_676 : memref<128xi32, #tpu.memory_space<vmem>>) semaphore(%arg7 : memref<!tpu.dma_semaphore, #tpu.memory_space<semaphore_mem>>)
      %mul3A_680 = arith.constant 10 : i32
      %mul3A_681 = arith.muli %add3A_282, %mul3A_680 : i32
      %add3A_682 = arith.constant 3 : i32
      %add3A_683 = arith.addi %mul3A_681, %add3A_682 : i32
      %dma_start3A_684 = arith.constant 13 : i32
      %dma_start3A_685 = arith.constant 0 : i32
      %dma_start3A_686 = arith.constant 0 : i32
      %dma_start3A_687 = tpu.memref_slice %arg6[%dma_start3A_684, %dma_start3A_685, %dma_start3A_686] : memref<20x128x16xi32, #tpu.memory_space<vmem>> -> memref<1x128x16xi32, #tpu.memory_space<vmem>>
      %dma_start3A_688 = tpu.memref_squeeze %dma_start3A_687 : memref<1x128x16xi32, #tpu.memory_space<vmem>> -> memref<128x16xi32, #tpu.memory_space<vmem>>
      %dma_start3A_689 = arith.constant 0 : i32
      %dma_start3A_690 = tpu.memref_slice %arg5[%add3A_683, %dma_start3A_689] : memref<200x128xi32, #tpu.memory_space<vmem>> -> memref<1x128xi32, #tpu.memory_space<vmem>>
      %dma_start3A_691 = tpu.memref_squeeze %dma_start3A_690 : memref<1x128xi32, #tpu.memory_space<vmem>> -> memref<128xi32, #tpu.memory_space<vmem>>
      %dma_start3A_692 = arith.constant 0 : i32
      %dma_start3A_693 = arith.constant 0 : i32
      %dma_start3A_694 = tpu.memref_slice %arg3[%dma_start3A_692, %dma_start3A_693] : memref<1015808x16xi32, #tpu.memory_space<hbm>> -> memref<1015808x16xi32, #tpu.memory_space<hbm>>
      tpu.enqueue_indirect_dma source(%dma_start3A_694 : memref<1015808x16xi32, #tpu.memory_space<hbm>>) target(%dma_start3A_688 : memref<128x16xi32, #tpu.memory_space<vmem>>) offsets(%dma_start3A_691 : memref<128xi32, #tpu.memory_space<vmem>>) semaphore(%arg7 : memref<!tpu.dma_semaphore, #tpu.memory_space<semaphore_mem>>)
      %mul3A_695 = arith.constant 10 : i32
      %mul3A_696 = arith.muli %add3A_282, %mul3A_695 : i32
      %add3A_697 = arith.constant 4 : i32
      %add3A_698 = arith.addi %mul3A_696, %add3A_697 : i32
      %dma_start3A_699 = arith.constant 14 : i32
      %dma_start3A_700 = arith.constant 0 : i32
      %dma_start3A_701 = arith.constant 0 : i32
      %dma_start3A_702 = tpu.memref_slice %arg6[%dma_start3A_699, %dma_start3A_700, %dma_start3A_701] : memref<20x128x16xi32, #tpu.memory_space<vmem>> -> memref<1x128x16xi32, #tpu.memory_space<vmem>>
      %dma_start3A_703 = tpu.memref_squeeze %dma_start3A_702 : memref<1x128x16xi32, #tpu.memory_space<vmem>> -> memref<128x16xi32, #tpu.memory_space<vmem>>
      %dma_start3A_704 = arith.constant 0 : i32
      %dma_start3A_705 = tpu.memref_slice %arg5[%add3A_698, %dma_start3A_704] : memref<200x128xi32, #tpu.memory_space<vmem>> -> memref<1x128xi32, #tpu.memory_space<vmem>>
      %dma_start3A_706 = tpu.memref_squeeze %dma_start3A_705 : memref<1x128xi32, #tpu.memory_space<vmem>> -> memref<128xi32, #tpu.memory_space<vmem>>
      %dma_start3A_707 = arith.constant 0 : i32
      %dma_start3A_708 = arith.constant 0 : i32
      %dma_start3A_709 = tpu.memref_slice %arg3[%dma_start3A_707, %dma_start3A_708] : memref<1015808x16xi32, #tpu.memory_space<hbm>> -> memref<1015808x16xi32, #tpu.memory_space<hbm>>
      tpu.enqueue_indirect_dma source(%dma_start3A_709 : memref<1015808x16xi32, #tpu.memory_space<hbm>>) target(%dma_start3A_703 : memref<128x16xi32, #tpu.memory_space<vmem>>) offsets(%dma_start3A_706 : memref<128xi32, #tpu.memory_space<vmem>>) semaphore(%arg7 : memref<!tpu.dma_semaphore, #tpu.memory_space<semaphore_mem>>)
      %mul3A_710 = arith.constant 10 : i32
      %mul3A_711 = arith.muli %add3A_282, %mul3A_710 : i32
      %add3A_712 = arith.constant 5 : i32
      %add3A_713 = arith.addi %mul3A_711, %add3A_712 : i32
      %dma_start3A_714 = arith.constant 15 : i32
      %dma_start3A_715 = arith.constant 0 : i32
      %dma_start3A_716 = arith.constant 0 : i32
      %dma_start3A_717 = tpu.memref_slice %arg6[%dma_start3A_714, %dma_start3A_715, %dma_start3A_716] : memref<20x128x16xi32, #tpu.memory_space<vmem>> -> memref<1x128x16xi32, #tpu.memory_space<vmem>>
      %dma_start3A_718 = tpu.memref_squeeze %dma_start3A_717 : memref<1x128x16xi32, #tpu.memory_space<vmem>> -> memref<128x16xi32, #tpu.memory_space<vmem>>
      %dma_start3A_719 = arith.constant 0 : i32
      %dma_start3A_720 = tpu.memref_slice %arg5[%add3A_713, %dma_start3A_719] : memref<200x128xi32, #tpu.memory_space<vmem>> -> memref<1x128xi32, #tpu.memory_space<vmem>>
      %dma_start3A_721 = tpu.memref_squeeze %dma_start3A_720 : memref<1x128xi32, #tpu.memory_space<vmem>> -> memref<128xi32, #tpu.memory_space<vmem>>
      %dma_start3A_722 = arith.constant 0 : i32
      %dma_start3A_723 = arith.constant 0 : i32
      %dma_start3A_724 = tpu.memref_slice %arg3[%dma_start3A_722, %dma_start3A_723] : memref<1015808x16xi32, #tpu.memory_space<hbm>> -> memref<1015808x16xi32, #tpu.memory_space<hbm>>
      tpu.enqueue_indirect_dma source(%dma_start3A_724 : memref<1015808x16xi32, #tpu.memory_space<hbm>>) target(%dma_start3A_718 : memref<128x16xi32, #tpu.memory_space<vmem>>) offsets(%dma_start3A_721 : memref<128xi32, #tpu.memory_space<vmem>>) semaphore(%arg7 : memref<!tpu.dma_semaphore, #tpu.memory_space<semaphore_mem>>)
      %mul3A_725 = arith.constant 10 : i32
      %mul3A_726 = arith.muli %add3A_282, %mul3A_725 : i32
      %add3A_727 = arith.constant 6 : i32
      %add3A_728 = arith.addi %mul3A_726, %add3A_727 : i32
      %dma_start3A_729 = arith.constant 16 : i32
      %dma_start3A_730 = arith.constant 0 : i32
      %dma_start3A_731 = arith.constant 0 : i32
      %dma_start3A_732 = tpu.memref_slice %arg6[%dma_start3A_729, %dma_start3A_730, %dma_start3A_731] : memref<20x128x16xi32, #tpu.memory_space<vmem>> -> memref<1x128x16xi32, #tpu.memory_space<vmem>>
      %dma_start3A_733 = tpu.memref_squeeze %dma_start3A_732 : memref<1x128x16xi32, #tpu.memory_space<vmem>> -> memref<128x16xi32, #tpu.memory_space<vmem>>
      %dma_start3A_734 = arith.constant 0 : i32
      %dma_start3A_735 = tpu.memref_slice %arg5[%add3A_728, %dma_start3A_734] : memref<200x128xi32, #tpu.memory_space<vmem>> -> memref<1x128xi32, #tpu.memory_space<vmem>>
      %dma_start3A_736 = tpu.memref_squeeze %dma_start3A_735 : memref<1x128xi32, #tpu.memory_space<vmem>> -> memref<128xi32, #tpu.memory_space<vmem>>
      %dma_start3A_737 = arith.constant 0 : i32
      %dma_start3A_738 = arith.constant 0 : i32
      %dma_start3A_739 = tpu.memref_slice %arg3[%dma_start3A_737, %dma_start3A_738] : memref<1015808x16xi32, #tpu.memory_space<hbm>> -> memref<1015808x16xi32, #tpu.memory_space<hbm>>
      tpu.enqueue_indirect_dma source(%dma_start3A_739 : memref<1015808x16xi32, #tpu.memory_space<hbm>>) target(%dma_start3A_733 : memref<128x16xi32, #tpu.memory_space<vmem>>) offsets(%dma_start3A_736 : memref<128xi32, #tpu.memory_space<vmem>>) semaphore(%arg7 : memref<!tpu.dma_semaphore, #tpu.memory_space<semaphore_mem>>)
      %mul3A_740 = arith.constant 10 : i32
      %mul3A_741 = arith.muli %add3A_282, %mul3A_740 : i32
      %add3A_742 = arith.constant 7 : i32
      %add3A_743 = arith.addi %mul3A_741, %add3A_742 : i32
      %dma_start3A_744 = arith.constant 17 : i32
      %dma_start3A_745 = arith.constant 0 : i32
      %dma_start3A_746 = arith.constant 0 : i32
      %dma_start3A_747 = tpu.memref_slice %arg6[%dma_start3A_744, %dma_start3A_745, %dma_start3A_746] : memref<20x128x16xi32, #tpu.memory_space<vmem>> -> memref<1x128x16xi32, #tpu.memory_space<vmem>>
      %dma_start3A_748 = tpu.memref_squeeze %dma_start3A_747 : memref<1x128x16xi32, #tpu.memory_space<vmem>> -> memref<128x16xi32, #tpu.memory_space<vmem>>
      %dma_start3A_749 = arith.constant 0 : i32
      %dma_start3A_750 = tpu.memref_slice %arg5[%add3A_743, %dma_start3A_749] : memref<200x128xi32, #tpu.memory_space<vmem>> -> memref<1x128xi32, #tpu.memory_space<vmem>>
      %dma_start3A_751 = tpu.memref_squeeze %dma_start3A_750 : memref<1x128xi32, #tpu.memory_space<vmem>> -> memref<128xi32, #tpu.memory_space<vmem>>
      %dma_start3A_752 = arith.constant 0 : i32
      %dma_start3A_753 = arith.constant 0 : i32
      %dma_start3A_754 = tpu.memref_slice %arg3[%dma_start3A_752, %dma_start3A_753] : memref<1015808x16xi32, #tpu.memory_space<hbm>> -> memref<1015808x16xi32, #tpu.memory_space<hbm>>
      tpu.enqueue_indirect_dma source(%dma_start3A_754 : memref<1015808x16xi32, #tpu.memory_space<hbm>>) target(%dma_start3A_748 : memref<128x16xi32, #tpu.memory_space<vmem>>) offsets(%dma_start3A_751 : memref<128xi32, #tpu.memory_space<vmem>>) semaphore(%arg7 : memref<!tpu.dma_semaphore, #tpu.memory_space<semaphore_mem>>)
      %mul3A_755 = arith.constant 10 : i32
      %mul3A_756 = arith.muli %add3A_282, %mul3A_755 : i32
      %add3A_757 = arith.constant 8 : i32
      %add3A_758 = arith.addi %mul3A_756, %add3A_757 : i32
      %dma_start3A_759 = arith.constant 18 : i32
      %dma_start3A_760 = arith.constant 0 : i32
      %dma_start3A_761 = arith.constant 0 : i32
      %dma_start3A_762 = tpu.memref_slice %arg6[%dma_start3A_759, %dma_start3A_760, %dma_start3A_761] : memref<20x128x16xi32, #tpu.memory_space<vmem>> -> memref<1x128x16xi32, #tpu.memory_space<vmem>>
      %dma_start3A_763 = tpu.memref_squeeze %dma_start3A_762 : memref<1x128x16xi32, #tpu.memory_space<vmem>> -> memref<128x16xi32, #tpu.memory_space<vmem>>
      %dma_start3A_764 = arith.constant 0 : i32
      %dma_start3A_765 = tpu.memref_slice %arg5[%add3A_758, %dma_start3A_764] : memref<200x128xi32, #tpu.memory_space<vmem>> -> memref<1x128xi32, #tpu.memory_space<vmem>>
      %dma_start3A_766 = tpu.memref_squeeze %dma_start3A_765 : memref<1x128xi32, #tpu.memory_space<vmem>> -> memref<128xi32, #tpu.memory_space<vmem>>
      %dma_start3A_767 = arith.constant 0 : i32
      %dma_start3A_768 = arith.constant 0 : i32
      %dma_start3A_769 = tpu.memref_slice %arg3[%dma_start3A_767, %dma_start3A_768] : memref<1015808x16xi32, #tpu.memory_space<hbm>> -> memref<1015808x16xi32, #tpu.memory_space<hbm>>
      tpu.enqueue_indirect_dma source(%dma_start3A_769 : memref<1015808x16xi32, #tpu.memory_space<hbm>>) target(%dma_start3A_763 : memref<128x16xi32, #tpu.memory_space<vmem>>) offsets(%dma_start3A_766 : memref<128xi32, #tpu.memory_space<vmem>>) semaphore(%arg7 : memref<!tpu.dma_semaphore, #tpu.memory_space<semaphore_mem>>)
      %mul3A_770 = arith.constant 10 : i32
      %mul3A_771 = arith.muli %add3A_282, %mul3A_770 : i32
      %add3A_772 = arith.constant 9 : i32
      %add3A_773 = arith.addi %mul3A_771, %add3A_772 : i32
      %dma_start3A_774 = arith.constant 19 : i32
      %dma_start3A_775 = arith.constant 0 : i32
      %dma_start3A_776 = arith.constant 0 : i32
      %dma_start3A_777 = tpu.memref_slice %arg6[%dma_start3A_774, %dma_start3A_775, %dma_start3A_776] : memref<20x128x16xi32, #tpu.memory_space<vmem>> -> memref<1x128x16xi32, #tpu.memory_space<vmem>>
      %dma_start3A_778 = tpu.memref_squeeze %dma_start3A_777 : memref<1x128x16xi32, #tpu.memory_space<vmem>> -> memref<128x16xi32, #tpu.memory_space<vmem>>
      %dma_start3A_779 = arith.constant 0 : i32
      %dma_start3A_780 = tpu.memref_slice %arg5[%add3A_773, %dma_start3A_779] : memref<200x128xi32, #tpu.memory_space<vmem>> -> memref<1x128xi32, #tpu.memory_space<vmem>>
      %dma_start3A_781 = tpu.memref_squeeze %dma_start3A_780 : memref<1x128xi32, #tpu.memory_space<vmem>> -> memref<128xi32, #tpu.memory_space<vmem>>
      %dma_start3A_782 = arith.constant 0 : i32
      %dma_start3A_783 = arith.constant 0 : i32
      %dma_start3A_784 = tpu.memref_slice %arg3[%dma_start3A_782, %dma_start3A_783] : memref<1015808x16xi32, #tpu.memory_space<hbm>> -> memref<1015808x16xi32, #tpu.memory_space<hbm>>
      tpu.enqueue_indirect_dma source(%dma_start3A_784 : memref<1015808x16xi32, #tpu.memory_space<hbm>>) target(%dma_start3A_778 : memref<128x16xi32, #tpu.memory_space<vmem>>) offsets(%dma_start3A_781 : memref<128xi32, #tpu.memory_space<vmem>>) semaphore(%arg7 : memref<!tpu.dma_semaphore, #tpu.memory_space<semaphore_mem>>)
      %dma_wait3A_785 = arith.constant 0 : i32
      %dma_wait3A_786 = arith.constant 0 : i32
      %dma_wait3A_787 = arith.constant 0 : i32
      %dma_wait3A_788 = tpu.memref_slice %arg6[%dma_wait3A_785, %dma_wait3A_786, %dma_wait3A_787] : memref<20x128x16xi32, #tpu.memory_space<vmem>> -> memref<1x128x16xi32, #tpu.memory_space<vmem>>
      %dma_wait3A_789 = tpu.memref_squeeze %dma_wait3A_788 : memref<1x128x16xi32, #tpu.memory_space<vmem>> -> memref<128x16xi32, #tpu.memory_space<vmem>>
      %dma_wait3A_790 = arith.constant 0 : i32
      %dma_wait3A_791 = arith.constant 0 : i32
      %dma_wait3A_792 = tpu.memref_slice %arg4[%dma_wait3A_790, %dma_wait3A_791] : memref<819200x16xi32, #tpu.memory_space<hbm>> -> memref<128x16xi32, #tpu.memory_space<hbm>>
      %dma_wait3A_793 = arith.constant 0 : i32
      %dma_wait3A_794 = arith.constant 0 : i32
      %dma_wait3A_795 = tpu.memref_slice %arg4[%dma_wait3A_793, %dma_wait3A_794] : memref<819200x16xi32, #tpu.memory_space<hbm>> -> memref<128x16xi32, #tpu.memory_space<hbm>>
      %dma_wait3A_796 = arith.constant 0 : i32
      %dma_wait3A_797 = arith.constant 0 : i32
      %dma_wait3A_798 = tpu.memref_slice %arg6[%dma_wait3A_785, %dma_wait3A_796, %dma_wait3A_797] : memref<20x128x16xi32, #tpu.memory_space<vmem>> -> memref<1x128x16xi32, #tpu.memory_space<vmem>>
      %dma_wait3A_799 = tpu.memref_squeeze %dma_wait3A_798 : memref<1x128x16xi32, #tpu.memory_space<vmem>> -> memref<128x16xi32, #tpu.memory_space<vmem>>
      tpu.wait_dma2 semaphore(%arg8 : memref<!tpu.dma_semaphore, #tpu.memory_space<semaphore_mem>>) src(%dma_wait3A_799 : memref<128x16xi32, #tpu.memory_space<vmem>>) dst(%dma_wait3A_795 : memref<128x16xi32, #tpu.memory_space<hbm>>)
      %dma_wait3A_800 = arith.constant 1 : i32
      %dma_wait3A_801 = arith.constant 0 : i32
      %dma_wait3A_802 = arith.constant 0 : i32
      %dma_wait3A_803 = tpu.memref_slice %arg6[%dma_wait3A_800, %dma_wait3A_801, %dma_wait3A_802] : memref<20x128x16xi32, #tpu.memory_space<vmem>> -> memref<1x128x16xi32, #tpu.memory_space<vmem>>
      %dma_wait3A_804 = tpu.memref_squeeze %dma_wait3A_803 : memref<1x128x16xi32, #tpu.memory_space<vmem>> -> memref<128x16xi32, #tpu.memory_space<vmem>>
      %dma_wait3A_805 = arith.constant 0 : i32
      %dma_wait3A_806 = arith.constant 0 : i32
      %dma_wait3A_807 = tpu.memref_slice %arg4[%dma_wait3A_805, %dma_wait3A_806] : memref<819200x16xi32, #tpu.memory_space<hbm>> -> memref<128x16xi32, #tpu.memory_space<hbm>>
      %dma_wait3A_808 = arith.constant 0 : i32
      %dma_wait3A_809 = arith.constant 0 : i32
      %dma_wait3A_810 = tpu.memref_slice %arg4[%dma_wait3A_808, %dma_wait3A_809] : memref<819200x16xi32, #tpu.memory_space<hbm>> -> memref<128x16xi32, #tpu.memory_space<hbm>>
      %dma_wait3A_811 = arith.constant 0 : i32
      %dma_wait3A_812 = arith.constant 0 : i32
      %dma_wait3A_813 = tpu.memref_slice %arg6[%dma_wait3A_800, %dma_wait3A_811, %dma_wait3A_812] : memref<20x128x16xi32, #tpu.memory_space<vmem>> -> memref<1x128x16xi32, #tpu.memory_space<vmem>>
      %dma_wait3A_814 = tpu.memref_squeeze %dma_wait3A_813 : memref<1x128x16xi32, #tpu.memory_space<vmem>> -> memref<128x16xi32, #tpu.memory_space<vmem>>
      tpu.wait_dma2 semaphore(%arg8 : memref<!tpu.dma_semaphore, #tpu.memory_space<semaphore_mem>>) src(%dma_wait3A_814 : memref<128x16xi32, #tpu.memory_space<vmem>>) dst(%dma_wait3A_810 : memref<128x16xi32, #tpu.memory_space<hbm>>)
      %dma_wait3A_815 = arith.constant 2 : i32
      %dma_wait3A_816 = arith.constant 0 : i32
      %dma_wait3A_817 = arith.constant 0 : i32
      %dma_wait3A_818 = tpu.memref_slice %arg6[%dma_wait3A_815, %dma_wait3A_816, %dma_wait3A_817] : memref<20x128x16xi32, #tpu.memory_space<vmem>> -> memref<1x128x16xi32, #tpu.memory_space<vmem>>
      %dma_wait3A_819 = tpu.memref_squeeze %dma_wait3A_818 : memref<1x128x16xi32, #tpu.memory_space<vmem>> -> memref<128x16xi32, #tpu.memory_space<vmem>>
      %dma_wait3A_820 = arith.constant 0 : i32
      %dma_wait3A_821 = arith.constant 0 : i32
      %dma_wait3A_822 = tpu.memref_slice %arg4[%dma_wait3A_820, %dma_wait3A_821] : memref<819200x16xi32, #tpu.memory_space<hbm>> -> memref<128x16xi32, #tpu.memory_space<hbm>>
      %dma_wait3A_823 = arith.constant 0 : i32
      %dma_wait3A_824 = arith.constant 0 : i32
      %dma_wait3A_825 = tpu.memref_slice %arg4[%dma_wait3A_823, %dma_wait3A_824] : memref<819200x16xi32, #tpu.memory_space<hbm>> -> memref<128x16xi32, #tpu.memory_space<hbm>>
      %dma_wait3A_826 = arith.constant 0 : i32
      %dma_wait3A_827 = arith.constant 0 : i32
      %dma_wait3A_828 = tpu.memref_slice %arg6[%dma_wait3A_815, %dma_wait3A_826, %dma_wait3A_827] : memref<20x128x16xi32, #tpu.memory_space<vmem>> -> memref<1x128x16xi32, #tpu.memory_space<vmem>>
      %dma_wait3A_829 = tpu.memref_squeeze %dma_wait3A_828 : memref<1x128x16xi32, #tpu.memory_space<vmem>> -> memref<128x16xi32, #tpu.memory_space<vmem>>
      tpu.wait_dma2 semaphore(%arg8 : memref<!tpu.dma_semaphore, #tpu.memory_space<semaphore_mem>>) src(%dma_wait3A_829 : memref<128x16xi32, #tpu.memory_space<vmem>>) dst(%dma_wait3A_825 : memref<128x16xi32, #tpu.memory_space<hbm>>)
      %dma_wait3A_830 = arith.constant 3 : i32
      %dma_wait3A_831 = arith.constant 0 : i32
      %dma_wait3A_832 = arith.constant 0 : i32
      %dma_wait3A_833 = tpu.memref_slice %arg6[%dma_wait3A_830, %dma_wait3A_831, %dma_wait3A_832] : memref<20x128x16xi32, #tpu.memory_space<vmem>> -> memref<1x128x16xi32, #tpu.memory_space<vmem>>
      %dma_wait3A_834 = tpu.memref_squeeze %dma_wait3A_833 : memref<1x128x16xi32, #tpu.memory_space<vmem>> -> memref<128x16xi32, #tpu.memory_space<vmem>>
      %dma_wait3A_835 = arith.constant 0 : i32
      %dma_wait3A_836 = arith.constant 0 : i32
      %dma_wait3A_837 = tpu.memref_slice %arg4[%dma_wait3A_835, %dma_wait3A_836] : memref<819200x16xi32, #tpu.memory_space<hbm>> -> memref<128x16xi32, #tpu.memory_space<hbm>>
      %dma_wait3A_838 = arith.constant 0 : i32
      %dma_wait3A_839 = arith.constant 0 : i32
      %dma_wait3A_840 = tpu.memref_slice %arg4[%dma_wait3A_838, %dma_wait3A_839] : memref<819200x16xi32, #tpu.memory_space<hbm>> -> memref<128x16xi32, #tpu.memory_space<hbm>>
      %dma_wait3A_841 = arith.constant 0 : i32
      %dma_wait3A_842 = arith.constant 0 : i32
      %dma_wait3A_843 = tpu.memref_slice %arg6[%dma_wait3A_830, %dma_wait3A_841, %dma_wait3A_842] : memref<20x128x16xi32, #tpu.memory_space<vmem>> -> memref<1x128x16xi32, #tpu.memory_space<vmem>>
      %dma_wait3A_844 = tpu.memref_squeeze %dma_wait3A_843 : memref<1x128x16xi32, #tpu.memory_space<vmem>> -> memref<128x16xi32, #tpu.memory_space<vmem>>
      tpu.wait_dma2 semaphore(%arg8 : memref<!tpu.dma_semaphore, #tpu.memory_space<semaphore_mem>>) src(%dma_wait3A_844 : memref<128x16xi32, #tpu.memory_space<vmem>>) dst(%dma_wait3A_840 : memref<128x16xi32, #tpu.memory_space<hbm>>)
      %dma_wait3A_845 = arith.constant 4 : i32
      %dma_wait3A_846 = arith.constant 0 : i32
      %dma_wait3A_847 = arith.constant 0 : i32
      %dma_wait3A_848 = tpu.memref_slice %arg6[%dma_wait3A_845, %dma_wait3A_846, %dma_wait3A_847] : memref<20x128x16xi32, #tpu.memory_space<vmem>> -> memref<1x128x16xi32, #tpu.memory_space<vmem>>
      %dma_wait3A_849 = tpu.memref_squeeze %dma_wait3A_848 : memref<1x128x16xi32, #tpu.memory_space<vmem>> -> memref<128x16xi32, #tpu.memory_space<vmem>>
      %dma_wait3A_850 = arith.constant 0 : i32
      %dma_wait3A_851 = arith.constant 0 : i32
      %dma_wait3A_852 = tpu.memref_slice %arg4[%dma_wait3A_850, %dma_wait3A_851] : memref<819200x16xi32, #tpu.memory_space<hbm>> -> memref<128x16xi32, #tpu.memory_space<hbm>>
      %dma_wait3A_853 = arith.constant 0 : i32
      %dma_wait3A_854 = arith.constant 0 : i32
      %dma_wait3A_855 = tpu.memref_slice %arg4[%dma_wait3A_853, %dma_wait3A_854] : memref<819200x16xi32, #tpu.memory_space<hbm>> -> memref<128x16xi32, #tpu.memory_space<hbm>>
      %dma_wait3A_856 = arith.constant 0 : i32
      %dma_wait3A_857 = arith.constant 0 : i32
      %dma_wait3A_858 = tpu.memref_slice %arg6[%dma_wait3A_845, %dma_wait3A_856, %dma_wait3A_857] : memref<20x128x16xi32, #tpu.memory_space<vmem>> -> memref<1x128x16xi32, #tpu.memory_space<vmem>>
      %dma_wait3A_859 = tpu.memref_squeeze %dma_wait3A_858 : memref<1x128x16xi32, #tpu.memory_space<vmem>> -> memref<128x16xi32, #tpu.memory_space<vmem>>
      tpu.wait_dma2 semaphore(%arg8 : memref<!tpu.dma_semaphore, #tpu.memory_space<semaphore_mem>>) src(%dma_wait3A_859 : memref<128x16xi32, #tpu.memory_space<vmem>>) dst(%dma_wait3A_855 : memref<128x16xi32, #tpu.memory_space<hbm>>)
      %dma_wait3A_860 = arith.constant 5 : i32
      %dma_wait3A_861 = arith.constant 0 : i32
      %dma_wait3A_862 = arith.constant 0 : i32
      %dma_wait3A_863 = tpu.memref_slice %arg6[%dma_wait3A_860, %dma_wait3A_861, %dma_wait3A_862] : memref<20x128x16xi32, #tpu.memory_space<vmem>> -> memref<1x128x16xi32, #tpu.memory_space<vmem>>
      %dma_wait3A_864 = tpu.memref_squeeze %dma_wait3A_863 : memref<1x128x16xi32, #tpu.memory_space<vmem>> -> memref<128x16xi32, #tpu.memory_space<vmem>>
      %dma_wait3A_865 = arith.constant 0 : i32
      %dma_wait3A_866 = arith.constant 0 : i32
      %dma_wait3A_867 = tpu.memref_slice %arg4[%dma_wait3A_865, %dma_wait3A_866] : memref<819200x16xi32, #tpu.memory_space<hbm>> -> memref<128x16xi32, #tpu.memory_space<hbm>>
      %dma_wait3A_868 = arith.constant 0 : i32
      %dma_wait3A_869 = arith.constant 0 : i32
      %dma_wait3A_870 = tpu.memref_slice %arg4[%dma_wait3A_868, %dma_wait3A_869] : memref<819200x16xi32, #tpu.memory_space<hbm>> -> memref<128x16xi32, #tpu.memory_space<hbm>>
      %dma_wait3A_871 = arith.constant 0 : i32
      %dma_wait3A_872 = arith.constant 0 : i32
      %dma_wait3A_873 = tpu.memref_slice %arg6[%dma_wait3A_860, %dma_wait3A_871, %dma_wait3A_872] : memref<20x128x16xi32, #tpu.memory_space<vmem>> -> memref<1x128x16xi32, #tpu.memory_space<vmem>>
      %dma_wait3A_874 = tpu.memref_squeeze %dma_wait3A_873 : memref<1x128x16xi32, #tpu.memory_space<vmem>> -> memref<128x16xi32, #tpu.memory_space<vmem>>
      tpu.wait_dma2 semaphore(%arg8 : memref<!tpu.dma_semaphore, #tpu.memory_space<semaphore_mem>>) src(%dma_wait3A_874 : memref<128x16xi32, #tpu.memory_space<vmem>>) dst(%dma_wait3A_870 : memref<128x16xi32, #tpu.memory_space<hbm>>)
      %dma_wait3A_875 = arith.constant 6 : i32
      %dma_wait3A_876 = arith.constant 0 : i32
      %dma_wait3A_877 = arith.constant 0 : i32
      %dma_wait3A_878 = tpu.memref_slice %arg6[%dma_wait3A_875, %dma_wait3A_876, %dma_wait3A_877] : memref<20x128x16xi32, #tpu.memory_space<vmem>> -> memref<1x128x16xi32, #tpu.memory_space<vmem>>
      %dma_wait3A_879 = tpu.memref_squeeze %dma_wait3A_878 : memref<1x128x16xi32, #tpu.memory_space<vmem>> -> memref<128x16xi32, #tpu.memory_space<vmem>>
      %dma_wait3A_880 = arith.constant 0 : i32
      %dma_wait3A_881 = arith.constant 0 : i32
      %dma_wait3A_882 = tpu.memref_slice %arg4[%dma_wait3A_880, %dma_wait3A_881] : memref<819200x16xi32, #tpu.memory_space<hbm>> -> memref<128x16xi32, #tpu.memory_space<hbm>>
      %dma_wait3A_883 = arith.constant 0 : i32
      %dma_wait3A_884 = arith.constant 0 : i32
      %dma_wait3A_885 = tpu.memref_slice %arg4[%dma_wait3A_883, %dma_wait3A_884] : memref<819200x16xi32, #tpu.memory_space<hbm>> -> memref<128x16xi32, #tpu.memory_space<hbm>>
      %dma_wait3A_886 = arith.constant 0 : i32
      %dma_wait3A_887 = arith.constant 0 : i32
      %dma_wait3A_888 = tpu.memref_slice %arg6[%dma_wait3A_875, %dma_wait3A_886, %dma_wait3A_887] : memref<20x128x16xi32, #tpu.memory_space<vmem>> -> memref<1x128x16xi32, #tpu.memory_space<vmem>>
      %dma_wait3A_889 = tpu.memref_squeeze %dma_wait3A_888 : memref<1x128x16xi32, #tpu.memory_space<vmem>> -> memref<128x16xi32, #tpu.memory_space<vmem>>
      tpu.wait_dma2 semaphore(%arg8 : memref<!tpu.dma_semaphore, #tpu.memory_space<semaphore_mem>>) src(%dma_wait3A_889 : memref<128x16xi32, #tpu.memory_space<vmem>>) dst(%dma_wait3A_885 : memref<128x16xi32, #tpu.memory_space<hbm>>)
      %dma_wait3A_890 = arith.constant 7 : i32
      %dma_wait3A_891 = arith.constant 0 : i32
      %dma_wait3A_892 = arith.constant 0 : i32
      %dma_wait3A_893 = tpu.memref_slice %arg6[%dma_wait3A_890, %dma_wait3A_891, %dma_wait3A_892] : memref<20x128x16xi32, #tpu.memory_space<vmem>> -> memref<1x128x16xi32, #tpu.memory_space<vmem>>
      %dma_wait3A_894 = tpu.memref_squeeze %dma_wait3A_893 : memref<1x128x16xi32, #tpu.memory_space<vmem>> -> memref<128x16xi32, #tpu.memory_space<vmem>>
      %dma_wait3A_895 = arith.constant 0 : i32
      %dma_wait3A_896 = arith.constant 0 : i32
      %dma_wait3A_897 = tpu.memref_slice %arg4[%dma_wait3A_895, %dma_wait3A_896] : memref<819200x16xi32, #tpu.memory_space<hbm>> -> memref<128x16xi32, #tpu.memory_space<hbm>>
      %dma_wait3A_898 = arith.constant 0 : i32
      %dma_wait3A_899 = arith.constant 0 : i32
      %dma_wait3A_900 = tpu.memref_slice %arg4[%dma_wait3A_898, %dma_wait3A_899] : memref<819200x16xi32, #tpu.memory_space<hbm>> -> memref<128x16xi32, #tpu.memory_space<hbm>>
      %dma_wait3A_901 = arith.constant 0 : i32
      %dma_wait3A_902 = arith.constant 0 : i32
      %dma_wait3A_903 = tpu.memref_slice %arg6[%dma_wait3A_890, %dma_wait3A_901, %dma_wait3A_902] : memref<20x128x16xi32, #tpu.memory_space<vmem>> -> memref<1x128x16xi32, #tpu.memory_space<vmem>>
      %dma_wait3A_904 = tpu.memref_squeeze %dma_wait3A_903 : memref<1x128x16xi32, #tpu.memory_space<vmem>> -> memref<128x16xi32, #tpu.memory_space<vmem>>
      tpu.wait_dma2 semaphore(%arg8 : memref<!tpu.dma_semaphore, #tpu.memory_space<semaphore_mem>>) src(%dma_wait3A_904 : memref<128x16xi32, #tpu.memory_space<vmem>>) dst(%dma_wait3A_900 : memref<128x16xi32, #tpu.memory_space<hbm>>)
      %dma_wait3A_905 = arith.constant 8 : i32
      %dma_wait3A_906 = arith.constant 0 : i32
      %dma_wait3A_907 = arith.constant 0 : i32
      %dma_wait3A_908 = tpu.memref_slice %arg6[%dma_wait3A_905, %dma_wait3A_906, %dma_wait3A_907] : memref<20x128x16xi32, #tpu.memory_space<vmem>> -> memref<1x128x16xi32, #tpu.memory_space<vmem>>
      %dma_wait3A_909 = tpu.memref_squeeze %dma_wait3A_908 : memref<1x128x16xi32, #tpu.memory_space<vmem>> -> memref<128x16xi32, #tpu.memory_space<vmem>>
      %dma_wait3A_910 = arith.constant 0 : i32
      %dma_wait3A_911 = arith.constant 0 : i32
      %dma_wait3A_912 = tpu.memref_slice %arg4[%dma_wait3A_910, %dma_wait3A_911] : memref<819200x16xi32, #tpu.memory_space<hbm>> -> memref<128x16xi32, #tpu.memory_space<hbm>>
      %dma_wait3A_913 = arith.constant 0 : i32
      %dma_wait3A_914 = arith.constant 0 : i32
      %dma_wait3A_915 = tpu.memref_slice %arg4[%dma_wait3A_913, %dma_wait3A_914] : memref<819200x16xi32, #tpu.memory_space<hbm>> -> memref<128x16xi32, #tpu.memory_space<hbm>>
      %dma_wait3A_916 = arith.constant 0 : i32
      %dma_wait3A_917 = arith.constant 0 : i32
      %dma_wait3A_918 = tpu.memref_slice %arg6[%dma_wait3A_905, %dma_wait3A_916, %dma_wait3A_917] : memref<20x128x16xi32, #tpu.memory_space<vmem>> -> memref<1x128x16xi32, #tpu.memory_space<vmem>>
      %dma_wait3A_919 = tpu.memref_squeeze %dma_wait3A_918 : memref<1x128x16xi32, #tpu.memory_space<vmem>> -> memref<128x16xi32, #tpu.memory_space<vmem>>
      tpu.wait_dma2 semaphore(%arg8 : memref<!tpu.dma_semaphore, #tpu.memory_space<semaphore_mem>>) src(%dma_wait3A_919 : memref<128x16xi32, #tpu.memory_space<vmem>>) dst(%dma_wait3A_915 : memref<128x16xi32, #tpu.memory_space<hbm>>)
      %dma_wait3A_920 = arith.constant 9 : i32
      %dma_wait3A_921 = arith.constant 0 : i32
      %dma_wait3A_922 = arith.constant 0 : i32
      %dma_wait3A_923 = tpu.memref_slice %arg6[%dma_wait3A_920, %dma_wait3A_921, %dma_wait3A_922] : memref<20x128x16xi32, #tpu.memory_space<vmem>> -> memref<1x128x16xi32, #tpu.memory_space<vmem>>
      %dma_wait3A_924 = tpu.memref_squeeze %dma_wait3A_923 : memref<1x128x16xi32, #tpu.memory_space<vmem>> -> memref<128x16xi32, #tpu.memory_space<vmem>>
      %dma_wait3A_925 = arith.constant 0 : i32
      %dma_wait3A_926 = arith.constant 0 : i32
      %dma_wait3A_927 = tpu.memref_slice %arg4[%dma_wait3A_925, %dma_wait3A_926] : memref<819200x16xi32, #tpu.memory_space<hbm>> -> memref<128x16xi32, #tpu.memory_space<hbm>>
      %dma_wait3A_928 = arith.constant 0 : i32
      %dma_wait3A_929 = arith.constant 0 : i32
      %dma_wait3A_930 = tpu.memref_slice %arg4[%dma_wait3A_928, %dma_wait3A_929] : memref<819200x16xi32, #tpu.memory_space<hbm>> -> memref<128x16xi32, #tpu.memory_space<hbm>>
      %dma_wait3A_931 = arith.constant 0 : i32
      %dma_wait3A_932 = arith.constant 0 : i32
      %dma_wait3A_933 = tpu.memref_slice %arg6[%dma_wait3A_920, %dma_wait3A_931, %dma_wait3A_932] : memref<20x128x16xi32, #tpu.memory_space<vmem>> -> memref<1x128x16xi32, #tpu.memory_space<vmem>>
      %dma_wait3A_934 = tpu.memref_squeeze %dma_wait3A_933 : memref<1x128x16xi32, #tpu.memory_space<vmem>> -> memref<128x16xi32, #tpu.memory_space<vmem>>
      tpu.wait_dma2 semaphore(%arg8 : memref<!tpu.dma_semaphore, #tpu.memory_space<semaphore_mem>>) src(%dma_wait3A_934 : memref<128x16xi32, #tpu.memory_space<vmem>>) dst(%dma_wait3A_930 : memref<128x16xi32, #tpu.memory_space<hbm>>)
      %add3A_935 = arith.constant 1 : i32
      %add3A_936 = arith.addi %scan3A_276, %add3A_935 : i32
      %lt3A = arith.constant 10 : i32
      %lt3A_937 = arith.cmpi slt, %add3A_936, %lt3A : i32
      %convert_element_type3A_938 = arith.extui %lt3A_937 : i1 to i32
      %cond3A_939 = arith.constant 0 : i32
      %cond3A_940 = arith.cmpi ne, %convert_element_type3A_938, %cond3A_939 : i32
      scf.if %cond3A_940 {
        %add3A_1291 = arith.constant 2 : i32
        %add3A_1292 = arith.addi %mul3A_278, %add3A_1291 : i32
        %mul3A_1293 = arith.constant 10 : i32
        %mul3A_1294 = arith.muli %add3A_1292, %mul3A_1293 : i32
        %add3A_1295 = arith.constant 0 : i32
        %add3A_1296 = arith.addi %mul3A_1294, %add3A_1295 : i32
        %dma_start3A_1297 = arith.constant 0 : i32
        %dma_start3A_1298 = arith.constant 0 : i32
        %dma_start3A_1299 = arith.constant 0 : i32
        %dma_start3A_1300 = tpu.memref_slice %arg6[%dma_start3A_1297, %dma_start3A_1298, %dma_start3A_1299] : memref<20x128x16xi32, #tpu.memory_space<vmem>> -> memref<1x128x16xi32, #tpu.memory_space<vmem>>
        %dma_start3A_1301 = tpu.memref_squeeze %dma_start3A_1300 : memref<1x128x16xi32, #tpu.memory_space<vmem>> -> memref<128x16xi32, #tpu.memory_space<vmem>>
        %dma_start3A_1302 = arith.constant 0 : i32
        %dma_start3A_1303 = tpu.memref_slice %arg5[%add3A_1296, %dma_start3A_1302] : memref<200x128xi32, #tpu.memory_space<vmem>> -> memref<1x128xi32, #tpu.memory_space<vmem>>
        %dma_start3A_1304 = tpu.memref_squeeze %dma_start3A_1303 : memref<1x128xi32, #tpu.memory_space<vmem>> -> memref<128xi32, #tpu.memory_space<vmem>>
        %dma_start3A_1305 = arith.constant 0 : i32
        %dma_start3A_1306 = arith.constant 0 : i32
        %dma_start3A_1307 = tpu.memref_slice %arg3[%dma_start3A_1305, %dma_start3A_1306] : memref<1015808x16xi32, #tpu.memory_space<hbm>> -> memref<1015808x16xi32, #tpu.memory_space<hbm>>
        tpu.enqueue_indirect_dma source(%dma_start3A_1307 : memref<1015808x16xi32, #tpu.memory_space<hbm>>) target(%dma_start3A_1301 : memref<128x16xi32, #tpu.memory_space<vmem>>) offsets(%dma_start3A_1304 : memref<128xi32, #tpu.memory_space<vmem>>) semaphore(%arg7 : memref<!tpu.dma_semaphore, #tpu.memory_space<semaphore_mem>>)
        %mul3A_1308 = arith.constant 10 : i32
        %mul3A_1309 = arith.muli %add3A_1292, %mul3A_1308 : i32
        %add3A_1310 = arith.constant 1 : i32
        %add3A_1311 = arith.addi %mul3A_1309, %add3A_1310 : i32
        %dma_start3A_1312 = arith.constant 1 : i32
        %dma_start3A_1313 = arith.constant 0 : i32
        %dma_start3A_1314 = arith.constant 0 : i32
        %dma_start3A_1315 = tpu.memref_slice %arg6[%dma_start3A_1312, %dma_start3A_1313, %dma_start3A_1314] : memref<20x128x16xi32, #tpu.memory_space<vmem>> -> memref<1x128x16xi32, #tpu.memory_space<vmem>>
        %dma_start3A_1316 = tpu.memref_squeeze %dma_start3A_1315 : memref<1x128x16xi32, #tpu.memory_space<vmem>> -> memref<128x16xi32, #tpu.memory_space<vmem>>
        %dma_start3A_1317 = arith.constant 0 : i32
        %dma_start3A_1318 = tpu.memref_slice %arg5[%add3A_1311, %dma_start3A_1317] : memref<200x128xi32, #tpu.memory_space<vmem>> -> memref<1x128xi32, #tpu.memory_space<vmem>>
        %dma_start3A_1319 = tpu.memref_squeeze %dma_start3A_1318 : memref<1x128xi32, #tpu.memory_space<vmem>> -> memref<128xi32, #tpu.memory_space<vmem>>
        %dma_start3A_1320 = arith.constant 0 : i32
        %dma_start3A_1321 = arith.constant 0 : i32
        %dma_start3A_1322 = tpu.memref_slice %arg3[%dma_start3A_1320, %dma_start3A_1321] : memref<1015808x16xi32, #tpu.memory_space<hbm>> -> memref<1015808x16xi32, #tpu.memory_space<hbm>>
        tpu.enqueue_indirect_dma source(%dma_start3A_1322 : memref<1015808x16xi32, #tpu.memory_space<hbm>>) target(%dma_start3A_1316 : memref<128x16xi32, #tpu.memory_space<vmem>>) offsets(%dma_start3A_1319 : memref<128xi32, #tpu.memory_space<vmem>>) semaphore(%arg7 : memref<!tpu.dma_semaphore, #tpu.memory_space<semaphore_mem>>)
        %mul3A_1323 = arith.constant 10 : i32
        %mul3A_1324 = arith.muli %add3A_1292, %mul3A_1323 : i32
        %add3A_1325 = arith.constant 2 : i32
        %add3A_1326 = arith.addi %mul3A_1324, %add3A_1325 : i32
        %dma_start3A_1327 = arith.constant 2 : i32
        %dma_start3A_1328 = arith.constant 0 : i32
        %dma_start3A_1329 = arith.constant 0 : i32
        %dma_start3A_1330 = tpu.memref_slice %arg6[%dma_start3A_1327, %dma_start3A_1328, %dma_start3A_1329] : memref<20x128x16xi32, #tpu.memory_space<vmem>> -> memref<1x128x16xi32, #tpu.memory_space<vmem>>
        %dma_start3A_1331 = tpu.memref_squeeze %dma_start3A_1330 : memref<1x128x16xi32, #tpu.memory_space<vmem>> -> memref<128x16xi32, #tpu.memory_space<vmem>>
        %dma_start3A_1332 = arith.constant 0 : i32
        %dma_start3A_1333 = tpu.memref_slice %arg5[%add3A_1326, %dma_start3A_1332] : memref<200x128xi32, #tpu.memory_space<vmem>> -> memref<1x128xi32, #tpu.memory_space<vmem>>
        %dma_start3A_1334 = tpu.memref_squeeze %dma_start3A_1333 : memref<1x128xi32, #tpu.memory_space<vmem>> -> memref<128xi32, #tpu.memory_space<vmem>>
        %dma_start3A_1335 = arith.constant 0 : i32
        %dma_start3A_1336 = arith.constant 0 : i32
        %dma_start3A_1337 = tpu.memref_slice %arg3[%dma_start3A_1335, %dma_start3A_1336] : memref<1015808x16xi32, #tpu.memory_space<hbm>> -> memref<1015808x16xi32, #tpu.memory_space<hbm>>
        tpu.enqueue_indirect_dma source(%dma_start3A_1337 : memref<1015808x16xi32, #tpu.memory_space<hbm>>) target(%dma_start3A_1331 : memref<128x16xi32, #tpu.memory_space<vmem>>) offsets(%dma_start3A_1334 : memref<128xi32, #tpu.memory_space<vmem>>) semaphore(%arg7 : memref<!tpu.dma_semaphore, #tpu.memory_space<semaphore_mem>>)
        %mul3A_1338 = arith.constant 10 : i32
        %mul3A_1339 = arith.muli %add3A_1292, %mul3A_1338 : i32
        %add3A_1340 = arith.constant 3 : i32
        %add3A_1341 = arith.addi %mul3A_1339, %add3A_1340 : i32
        %dma_start3A_1342 = arith.constant 3 : i32
        %dma_start3A_1343 = arith.constant 0 : i32
        %dma_start3A_1344 = arith.constant 0 : i32
        %dma_start3A_1345 = tpu.memref_slice %arg6[%dma_start3A_1342, %dma_start3A_1343, %dma_start3A_1344] : memref<20x128x16xi32, #tpu.memory_space<vmem>> -> memref<1x128x16xi32, #tpu.memory_space<vmem>>
        %dma_start3A_1346 = tpu.memref_squeeze %dma_start3A_1345 : memref<1x128x16xi32, #tpu.memory_space<vmem>> -> memref<128x16xi32, #tpu.memory_space<vmem>>
        %dma_start3A_1347 = arith.constant 0 : i32
        %dma_start3A_1348 = tpu.memref_slice %arg5[%add3A_1341, %dma_start3A_1347] : memref<200x128xi32, #tpu.memory_space<vmem>> -> memref<1x128xi32, #tpu.memory_space<vmem>>
        %dma_start3A_1349 = tpu.memref_squeeze %dma_start3A_1348 : memref<1x128xi32, #tpu.memory_space<vmem>> -> memref<128xi32, #tpu.memory_space<vmem>>
        %dma_start3A_1350 = arith.constant 0 : i32
        %dma_start3A_1351 = arith.constant 0 : i32
        %dma_start3A_1352 = tpu.memref_slice %arg3[%dma_start3A_1350, %dma_start3A_1351] : memref<1015808x16xi32, #tpu.memory_space<hbm>> -> memref<1015808x16xi32, #tpu.memory_space<hbm>>
        tpu.enqueue_indirect_dma source(%dma_start3A_1352 : memref<1015808x16xi32, #tpu.memory_space<hbm>>) target(%dma_start3A_1346 : memref<128x16xi32, #tpu.memory_space<vmem>>) offsets(%dma_start3A_1349 : memref<128xi32, #tpu.memory_space<vmem>>) semaphore(%arg7 : memref<!tpu.dma_semaphore, #tpu.memory_space<semaphore_mem>>)
        %mul3A_1353 = arith.constant 10 : i32
        %mul3A_1354 = arith.muli %add3A_1292, %mul3A_1353 : i32
        %add3A_1355 = arith.constant 4 : i32
        %add3A_1356 = arith.addi %mul3A_1354, %add3A_1355 : i32
        %dma_start3A_1357 = arith.constant 4 : i32
        %dma_start3A_1358 = arith.constant 0 : i32
        %dma_start3A_1359 = arith.constant 0 : i32
        %dma_start3A_1360 = tpu.memref_slice %arg6[%dma_start3A_1357, %dma_start3A_1358, %dma_start3A_1359] : memref<20x128x16xi32, #tpu.memory_space<vmem>> -> memref<1x128x16xi32, #tpu.memory_space<vmem>>
        %dma_start3A_1361 = tpu.memref_squeeze %dma_start3A_1360 : memref<1x128x16xi32, #tpu.memory_space<vmem>> -> memref<128x16xi32, #tpu.memory_space<vmem>>
        %dma_start3A_1362 = arith.constant 0 : i32
        %dma_start3A_1363 = tpu.memref_slice %arg5[%add3A_1356, %dma_start3A_1362] : memref<200x128xi32, #tpu.memory_space<vmem>> -> memref<1x128xi32, #tpu.memory_space<vmem>>
        %dma_start3A_1364 = tpu.memref_squeeze %dma_start3A_1363 : memref<1x128xi32, #tpu.memory_space<vmem>> -> memref<128xi32, #tpu.memory_space<vmem>>
        %dma_start3A_1365 = arith.constant 0 : i32
        %dma_start3A_1366 = arith.constant 0 : i32
        %dma_start3A_1367 = tpu.memref_slice %arg3[%dma_start3A_1365, %dma_start3A_1366] : memref<1015808x16xi32, #tpu.memory_space<hbm>> -> memref<1015808x16xi32, #tpu.memory_space<hbm>>
        tpu.enqueue_indirect_dma source(%dma_start3A_1367 : memref<1015808x16xi32, #tpu.memory_space<hbm>>) target(%dma_start3A_1361 : memref<128x16xi32, #tpu.memory_space<vmem>>) offsets(%dma_start3A_1364 : memref<128xi32, #tpu.memory_space<vmem>>) semaphore(%arg7 : memref<!tpu.dma_semaphore, #tpu.memory_space<semaphore_mem>>)
        %mul3A_1368 = arith.constant 10 : i32
        %mul3A_1369 = arith.muli %add3A_1292, %mul3A_1368 : i32
        %add3A_1370 = arith.constant 5 : i32
        %add3A_1371 = arith.addi %mul3A_1369, %add3A_1370 : i32
        %dma_start3A_1372 = arith.constant 5 : i32
        %dma_start3A_1373 = arith.constant 0 : i32
        %dma_start3A_1374 = arith.constant 0 : i32
        %dma_start3A_1375 = tpu.memref_slice %arg6[%dma_start3A_1372, %dma_start3A_1373, %dma_start3A_1374] : memref<20x128x16xi32, #tpu.memory_space<vmem>> -> memref<1x128x16xi32, #tpu.memory_space<vmem>>
        %dma_start3A_1376 = tpu.memref_squeeze %dma_start3A_1375 : memref<1x128x16xi32, #tpu.memory_space<vmem>> -> memref<128x16xi32, #tpu.memory_space<vmem>>
        %dma_start3A_1377 = arith.constant 0 : i32
        %dma_start3A_1378 = tpu.memref_slice %arg5[%add3A_1371, %dma_start3A_1377] : memref<200x128xi32, #tpu.memory_space<vmem>> -> memref<1x128xi32, #tpu.memory_space<vmem>>
        %dma_start3A_1379 = tpu.memref_squeeze %dma_start3A_1378 : memref<1x128xi32, #tpu.memory_space<vmem>> -> memref<128xi32, #tpu.memory_space<vmem>>
        %dma_start3A_1380 = arith.constant 0 : i32
        %dma_start3A_1381 = arith.constant 0 : i32
        %dma_start3A_1382 = tpu.memref_slice %arg3[%dma_start3A_1380, %dma_start3A_1381] : memref<1015808x16xi32, #tpu.memory_space<hbm>> -> memref<1015808x16xi32, #tpu.memory_space<hbm>>
        tpu.enqueue_indirect_dma source(%dma_start3A_1382 : memref<1015808x16xi32, #tpu.memory_space<hbm>>) target(%dma_start3A_1376 : memref<128x16xi32, #tpu.memory_space<vmem>>) offsets(%dma_start3A_1379 : memref<128xi32, #tpu.memory_space<vmem>>) semaphore(%arg7 : memref<!tpu.dma_semaphore, #tpu.memory_space<semaphore_mem>>)
        %mul3A_1383 = arith.constant 10 : i32
        %mul3A_1384 = arith.muli %add3A_1292, %mul3A_1383 : i32
        %add3A_1385 = arith.constant 6 : i32
        %add3A_1386 = arith.addi %mul3A_1384, %add3A_1385 : i32
        %dma_start3A_1387 = arith.constant 6 : i32
        %dma_start3A_1388 = arith.constant 0 : i32
        %dma_start3A_1389 = arith.constant 0 : i32
        %dma_start3A_1390 = tpu.memref_slice %arg6[%dma_start3A_1387, %dma_start3A_1388, %dma_start3A_1389] : memref<20x128x16xi32, #tpu.memory_space<vmem>> -> memref<1x128x16xi32, #tpu.memory_space<vmem>>
        %dma_start3A_1391 = tpu.memref_squeeze %dma_start3A_1390 : memref<1x128x16xi32, #tpu.memory_space<vmem>> -> memref<128x16xi32, #tpu.memory_space<vmem>>
        %dma_start3A_1392 = arith.constant 0 : i32
        %dma_start3A_1393 = tpu.memref_slice %arg5[%add3A_1386, %dma_start3A_1392] : memref<200x128xi32, #tpu.memory_space<vmem>> -> memref<1x128xi32, #tpu.memory_space<vmem>>
        %dma_start3A_1394 = tpu.memref_squeeze %dma_start3A_1393 : memref<1x128xi32, #tpu.memory_space<vmem>> -> memref<128xi32, #tpu.memory_space<vmem>>
        %dma_start3A_1395 = arith.constant 0 : i32
        %dma_start3A_1396 = arith.constant 0 : i32
        %dma_start3A_1397 = tpu.memref_slice %arg3[%dma_start3A_1395, %dma_start3A_1396] : memref<1015808x16xi32, #tpu.memory_space<hbm>> -> memref<1015808x16xi32, #tpu.memory_space<hbm>>
        tpu.enqueue_indirect_dma source(%dma_start3A_1397 : memref<1015808x16xi32, #tpu.memory_space<hbm>>) target(%dma_start3A_1391 : memref<128x16xi32, #tpu.memory_space<vmem>>) offsets(%dma_start3A_1394 : memref<128xi32, #tpu.memory_space<vmem>>) semaphore(%arg7 : memref<!tpu.dma_semaphore, #tpu.memory_space<semaphore_mem>>)
        %mul3A_1398 = arith.constant 10 : i32
        %mul3A_1399 = arith.muli %add3A_1292, %mul3A_1398 : i32
        %add3A_1400 = arith.constant 7 : i32
        %add3A_1401 = arith.addi %mul3A_1399, %add3A_1400 : i32
        %dma_start3A_1402 = arith.constant 7 : i32
        %dma_start3A_1403 = arith.constant 0 : i32
        %dma_start3A_1404 = arith.constant 0 : i32
        %dma_start3A_1405 = tpu.memref_slice %arg6[%dma_start3A_1402, %dma_start3A_1403, %dma_start3A_1404] : memref<20x128x16xi32, #tpu.memory_space<vmem>> -> memref<1x128x16xi32, #tpu.memory_space<vmem>>
        %dma_start3A_1406 = tpu.memref_squeeze %dma_start3A_1405 : memref<1x128x16xi32, #tpu.memory_space<vmem>> -> memref<128x16xi32, #tpu.memory_space<vmem>>
        %dma_start3A_1407 = arith.constant 0 : i32
        %dma_start3A_1408 = tpu.memref_slice %arg5[%add3A_1401, %dma_start3A_1407] : memref<200x128xi32, #tpu.memory_space<vmem>> -> memref<1x128xi32, #tpu.memory_space<vmem>>
        %dma_start3A_1409 = tpu.memref_squeeze %dma_start3A_1408 : memref<1x128xi32, #tpu.memory_space<vmem>> -> memref<128xi32, #tpu.memory_space<vmem>>
        %dma_start3A_1410 = arith.constant 0 : i32
        %dma_start3A_1411 = arith.constant 0 : i32
        %dma_start3A_1412 = tpu.memref_slice %arg3[%dma_start3A_1410, %dma_start3A_1411] : memref<1015808x16xi32, #tpu.memory_space<hbm>> -> memref<1015808x16xi32, #tpu.memory_space<hbm>>
        tpu.enqueue_indirect_dma source(%dma_start3A_1412 : memref<1015808x16xi32, #tpu.memory_space<hbm>>) target(%dma_start3A_1406 : memref<128x16xi32, #tpu.memory_space<vmem>>) offsets(%dma_start3A_1409 : memref<128xi32, #tpu.memory_space<vmem>>) semaphore(%arg7 : memref<!tpu.dma_semaphore, #tpu.memory_space<semaphore_mem>>)
        %mul3A_1413 = arith.constant 10 : i32
        %mul3A_1414 = arith.muli %add3A_1292, %mul3A_1413 : i32
        %add3A_1415 = arith.constant 8 : i32
        %add3A_1416 = arith.addi %mul3A_1414, %add3A_1415 : i32
        %dma_start3A_1417 = arith.constant 8 : i32
        %dma_start3A_1418 = arith.constant 0 : i32
        %dma_start3A_1419 = arith.constant 0 : i32
        %dma_start3A_1420 = tpu.memref_slice %arg6[%dma_start3A_1417, %dma_start3A_1418, %dma_start3A_1419] : memref<20x128x16xi32, #tpu.memory_space<vmem>> -> memref<1x128x16xi32, #tpu.memory_space<vmem>>
        %dma_start3A_1421 = tpu.memref_squeeze %dma_start3A_1420 : memref<1x128x16xi32, #tpu.memory_space<vmem>> -> memref<128x16xi32, #tpu.memory_space<vmem>>
        %dma_start3A_1422 = arith.constant 0 : i32
        %dma_start3A_1423 = tpu.memref_slice %arg5[%add3A_1416, %dma_start3A_1422] : memref<200x128xi32, #tpu.memory_space<vmem>> -> memref<1x128xi32, #tpu.memory_space<vmem>>
        %dma_start3A_1424 = tpu.memref_squeeze %dma_start3A_1423 : memref<1x128xi32, #tpu.memory_space<vmem>> -> memref<128xi32, #tpu.memory_space<vmem>>
        %dma_start3A_1425 = arith.constant 0 : i32
        %dma_start3A_1426 = arith.constant 0 : i32
        %dma_start3A_1427 = tpu.memref_slice %arg3[%dma_start3A_1425, %dma_start3A_1426] : memref<1015808x16xi32, #tpu.memory_space<hbm>> -> memref<1015808x16xi32, #tpu.memory_space<hbm>>
        tpu.enqueue_indirect_dma source(%dma_start3A_1427 : memref<1015808x16xi32, #tpu.memory_space<hbm>>) target(%dma_start3A_1421 : memref<128x16xi32, #tpu.memory_space<vmem>>) offsets(%dma_start3A_1424 : memref<128xi32, #tpu.memory_space<vmem>>) semaphore(%arg7 : memref<!tpu.dma_semaphore, #tpu.memory_space<semaphore_mem>>)
        %mul3A_1428 = arith.constant 10 : i32
        %mul3A_1429 = arith.muli %add3A_1292, %mul3A_1428 : i32
        %add3A_1430 = arith.constant 9 : i32
        %add3A_1431 = arith.addi %mul3A_1429, %add3A_1430 : i32
        %dma_start3A_1432 = arith.constant 9 : i32
        %dma_start3A_1433 = arith.constant 0 : i32
        %dma_start3A_1434 = arith.constant 0 : i32
        %dma_start3A_1435 = tpu.memref_slice %arg6[%dma_start3A_1432, %dma_start3A_1433, %dma_start3A_1434] : memref<20x128x16xi32, #tpu.memory_space<vmem>> -> memref<1x128x16xi32, #tpu.memory_space<vmem>>
        %dma_start3A_1436 = tpu.memref_squeeze %dma_start3A_1435 : memref<1x128x16xi32, #tpu.memory_space<vmem>> -> memref<128x16xi32, #tpu.memory_space<vmem>>
        %dma_start3A_1437 = arith.constant 0 : i32
        %dma_start3A_1438 = tpu.memref_slice %arg5[%add3A_1431, %dma_start3A_1437] : memref<200x128xi32, #tpu.memory_space<vmem>> -> memref<1x128xi32, #tpu.memory_space<vmem>>
        %dma_start3A_1439 = tpu.memref_squeeze %dma_start3A_1438 : memref<1x128xi32, #tpu.memory_space<vmem>> -> memref<128xi32, #tpu.memory_space<vmem>>
        %dma_start3A_1440 = arith.constant 0 : i32
        %dma_start3A_1441 = arith.constant 0 : i32
        %dma_start3A_1442 = tpu.memref_slice %arg3[%dma_start3A_1440, %dma_start3A_1441] : memref<1015808x16xi32, #tpu.memory_space<hbm>> -> memref<1015808x16xi32, #tpu.memory_space<hbm>>
        tpu.enqueue_indirect_dma source(%dma_start3A_1442 : memref<1015808x16xi32, #tpu.memory_space<hbm>>) target(%dma_start3A_1436 : memref<128x16xi32, #tpu.memory_space<vmem>>) offsets(%dma_start3A_1439 : memref<128xi32, #tpu.memory_space<vmem>>) semaphore(%arg7 : memref<!tpu.dma_semaphore, #tpu.memory_space<semaphore_mem>>)
      } else {
      }
      %dma_wait3A_941 = arith.constant 10 : i32
      %dma_wait3A_942 = arith.constant 0 : i32
      %dma_wait3A_943 = arith.constant 0 : i32
      %dma_wait3A_944 = tpu.memref_slice %arg6[%dma_wait3A_941, %dma_wait3A_942, %dma_wait3A_943] : memref<20x128x16xi32, #tpu.memory_space<vmem>> -> memref<1x128x16xi32, #tpu.memory_space<vmem>>
      %dma_wait3A_945 = tpu.memref_squeeze %dma_wait3A_944 : memref<1x128x16xi32, #tpu.memory_space<vmem>> -> memref<128x16xi32, #tpu.memory_space<vmem>>
      %dma_wait3A_946 = arith.constant 0 : i32
      %dma_wait3A_947 = arith.constant 0 : i32
      %dma_wait3A_948 = tpu.memref_slice %arg3[%dma_wait3A_946, %dma_wait3A_947] : memref<1015808x16xi32, #tpu.memory_space<hbm>> -> memref<128x16xi32, #tpu.memory_space<hbm>>
      %dma_wait3A_949 = arith.constant 0 : i32
      %dma_wait3A_950 = arith.constant 0 : i32
      %dma_wait3A_951 = tpu.memref_slice %arg6[%dma_wait3A_941, %dma_wait3A_949, %dma_wait3A_950] : memref<20x128x16xi32, #tpu.memory_space<vmem>> -> memref<1x128x16xi32, #tpu.memory_space<vmem>>
      %dma_wait3A_952 = tpu.memref_squeeze %dma_wait3A_951 : memref<1x128x16xi32, #tpu.memory_space<vmem>> -> memref<128x16xi32, #tpu.memory_space<vmem>>
      %dma_wait3A_953 = arith.constant 0 : i32
      %dma_wait3A_954 = arith.constant 0 : i32
      %dma_wait3A_955 = tpu.memref_slice %arg3[%dma_wait3A_953, %dma_wait3A_954] : memref<1015808x16xi32, #tpu.memory_space<hbm>> -> memref<128x16xi32, #tpu.memory_space<hbm>>
      tpu.wait_dma2 semaphore(%arg7 : memref<!tpu.dma_semaphore, #tpu.memory_space<semaphore_mem>>) src(%dma_wait3A_955 : memref<128x16xi32, #tpu.memory_space<hbm>>) dst(%dma_wait3A_952 : memref<128x16xi32, #tpu.memory_space<vmem>>)
      %dma_wait3A_956 = arith.constant 11 : i32
      %dma_wait3A_957 = arith.constant 0 : i32
      %dma_wait3A_958 = arith.constant 0 : i32
      %dma_wait3A_959 = tpu.memref_slice %arg6[%dma_wait3A_956, %dma_wait3A_957, %dma_wait3A_958] : memref<20x128x16xi32, #tpu.memory_space<vmem>> -> memref<1x128x16xi32, #tpu.memory_space<vmem>>
      %dma_wait3A_960 = tpu.memref_squeeze %dma_wait3A_959 : memref<1x128x16xi32, #tpu.memory_space<vmem>> -> memref<128x16xi32, #tpu.memory_space<vmem>>
      %dma_wait3A_961 = arith.constant 0 : i32
      %dma_wait3A_962 = arith.constant 0 : i32
      %dma_wait3A_963 = tpu.memref_slice %arg3[%dma_wait3A_961, %dma_wait3A_962] : memref<1015808x16xi32, #tpu.memory_space<hbm>> -> memref<128x16xi32, #tpu.memory_space<hbm>>
      %dma_wait3A_964 = arith.constant 0 : i32
      %dma_wait3A_965 = arith.constant 0 : i32
      %dma_wait3A_966 = tpu.memref_slice %arg6[%dma_wait3A_956, %dma_wait3A_964, %dma_wait3A_965] : memref<20x128x16xi32, #tpu.memory_space<vmem>> -> memref<1x128x16xi32, #tpu.memory_space<vmem>>
      %dma_wait3A_967 = tpu.memref_squeeze %dma_wait3A_966 : memref<1x128x16xi32, #tpu.memory_space<vmem>> -> memref<128x16xi32, #tpu.memory_space<vmem>>
      %dma_wait3A_968 = arith.constant 0 : i32
      %dma_wait3A_969 = arith.constant 0 : i32
      %dma_wait3A_970 = tpu.memref_slice %arg3[%dma_wait3A_968, %dma_wait3A_969] : memref<1015808x16xi32, #tpu.memory_space<hbm>> -> memref<128x16xi32, #tpu.memory_space<hbm>>
      tpu.wait_dma2 semaphore(%arg7 : memref<!tpu.dma_semaphore, #tpu.memory_space<semaphore_mem>>) src(%dma_wait3A_970 : memref<128x16xi32, #tpu.memory_space<hbm>>) dst(%dma_wait3A_967 : memref<128x16xi32, #tpu.memory_space<vmem>>)
      %dma_wait3A_971 = arith.constant 12 : i32
      %dma_wait3A_972 = arith.constant 0 : i32
      %dma_wait3A_973 = arith.constant 0 : i32
      %dma_wait3A_974 = tpu.memref_slice %arg6[%dma_wait3A_971, %dma_wait3A_972, %dma_wait3A_973] : memref<20x128x16xi32, #tpu.memory_space<vmem>> -> memref<1x128x16xi32, #tpu.memory_space<vmem>>
      %dma_wait3A_975 = tpu.memref_squeeze %dma_wait3A_974 : memref<1x128x16xi32, #tpu.memory_space<vmem>> -> memref<128x16xi32, #tpu.memory_space<vmem>>
      %dma_wait3A_976 = arith.constant 0 : i32
      %dma_wait3A_977 = arith.constant 0 : i32
      %dma_wait3A_978 = tpu.memref_slice %arg3[%dma_wait3A_976, %dma_wait3A_977] : memref<1015808x16xi32, #tpu.memory_space<hbm>> -> memref<128x16xi32, #tpu.memory_space<hbm>>
      %dma_wait3A_979 = arith.constant 0 : i32
      %dma_wait3A_980 = arith.constant 0 : i32
      %dma_wait3A_981 = tpu.memref_slice %arg6[%dma_wait3A_971, %dma_wait3A_979, %dma_wait3A_980] : memref<20x128x16xi32, #tpu.memory_space<vmem>> -> memref<1x128x16xi32, #tpu.memory_space<vmem>>
      %dma_wait3A_982 = tpu.memref_squeeze %dma_wait3A_981 : memref<1x128x16xi32, #tpu.memory_space<vmem>> -> memref<128x16xi32, #tpu.memory_space<vmem>>
      %dma_wait3A_983 = arith.constant 0 : i32
      %dma_wait3A_984 = arith.constant 0 : i32
      %dma_wait3A_985 = tpu.memref_slice %arg3[%dma_wait3A_983, %dma_wait3A_984] : memref<1015808x16xi32, #tpu.memory_space<hbm>> -> memref<128x16xi32, #tpu.memory_space<hbm>>
      tpu.wait_dma2 semaphore(%arg7 : memref<!tpu.dma_semaphore, #tpu.memory_space<semaphore_mem>>) src(%dma_wait3A_985 : memref<128x16xi32, #tpu.memory_space<hbm>>) dst(%dma_wait3A_982 : memref<128x16xi32, #tpu.memory_space<vmem>>)
      %dma_wait3A_986 = arith.constant 13 : i32
      %dma_wait3A_987 = arith.constant 0 : i32
      %dma_wait3A_988 = arith.constant 0 : i32
      %dma_wait3A_989 = tpu.memref_slice %arg6[%dma_wait3A_986, %dma_wait3A_987, %dma_wait3A_988] : memref<20x128x16xi32, #tpu.memory_space<vmem>> -> memref<1x128x16xi32, #tpu.memory_space<vmem>>
      %dma_wait3A_990 = tpu.memref_squeeze %dma_wait3A_989 : memref<1x128x16xi32, #tpu.memory_space<vmem>> -> memref<128x16xi32, #tpu.memory_space<vmem>>
      %dma_wait3A_991 = arith.constant 0 : i32
      %dma_wait3A_992 = arith.constant 0 : i32
      %dma_wait3A_993 = tpu.memref_slice %arg3[%dma_wait3A_991, %dma_wait3A_992] : memref<1015808x16xi32, #tpu.memory_space<hbm>> -> memref<128x16xi32, #tpu.memory_space<hbm>>
      %dma_wait3A_994 = arith.constant 0 : i32
      %dma_wait3A_995 = arith.constant 0 : i32
      %dma_wait3A_996 = tpu.memref_slice %arg6[%dma_wait3A_986, %dma_wait3A_994, %dma_wait3A_995] : memref<20x128x16xi32, #tpu.memory_space<vmem>> -> memref<1x128x16xi32, #tpu.memory_space<vmem>>
      %dma_wait3A_997 = tpu.memref_squeeze %dma_wait3A_996 : memref<1x128x16xi32, #tpu.memory_space<vmem>> -> memref<128x16xi32, #tpu.memory_space<vmem>>
      %dma_wait3A_998 = arith.constant 0 : i32
      %dma_wait3A_999 = arith.constant 0 : i32
      %dma_wait3A_1000 = tpu.memref_slice %arg3[%dma_wait3A_998, %dma_wait3A_999] : memref<1015808x16xi32, #tpu.memory_space<hbm>> -> memref<128x16xi32, #tpu.memory_space<hbm>>
      tpu.wait_dma2 semaphore(%arg7 : memref<!tpu.dma_semaphore, #tpu.memory_space<semaphore_mem>>) src(%dma_wait3A_1000 : memref<128x16xi32, #tpu.memory_space<hbm>>) dst(%dma_wait3A_997 : memref<128x16xi32, #tpu.memory_space<vmem>>)
      %dma_wait3A_1001 = arith.constant 14 : i32
      %dma_wait3A_1002 = arith.constant 0 : i32
      %dma_wait3A_1003 = arith.constant 0 : i32
      %dma_wait3A_1004 = tpu.memref_slice %arg6[%dma_wait3A_1001, %dma_wait3A_1002, %dma_wait3A_1003] : memref<20x128x16xi32, #tpu.memory_space<vmem>> -> memref<1x128x16xi32, #tpu.memory_space<vmem>>
      %dma_wait3A_1005 = tpu.memref_squeeze %dma_wait3A_1004 : memref<1x128x16xi32, #tpu.memory_space<vmem>> -> memref<128x16xi32, #tpu.memory_space<vmem>>
      %dma_wait3A_1006 = arith.constant 0 : i32
      %dma_wait3A_1007 = arith.constant 0 : i32
      %dma_wait3A_1008 = tpu.memref_slice %arg3[%dma_wait3A_1006, %dma_wait3A_1007] : memref<1015808x16xi32, #tpu.memory_space<hbm>> -> memref<128x16xi32, #tpu.memory_space<hbm>>
      %dma_wait3A_1009 = arith.constant 0 : i32
      %dma_wait3A_1010 = arith.constant 0 : i32
      %dma_wait3A_1011 = tpu.memref_slice %arg6[%dma_wait3A_1001, %dma_wait3A_1009, %dma_wait3A_1010] : memref<20x128x16xi32, #tpu.memory_space<vmem>> -> memref<1x128x16xi32, #tpu.memory_space<vmem>>
      %dma_wait3A_1012 = tpu.memref_squeeze %dma_wait3A_1011 : memref<1x128x16xi32, #tpu.memory_space<vmem>> -> memref<128x16xi32, #tpu.memory_space<vmem>>
      %dma_wait3A_1013 = arith.constant 0 : i32
      %dma_wait3A_1014 = arith.constant 0 : i32
      %dma_wait3A_1015 = tpu.memref_slice %arg3[%dma_wait3A_1013, %dma_wait3A_1014] : memref<1015808x16xi32, #tpu.memory_space<hbm>> -> memref<128x16xi32, #tpu.memory_space<hbm>>
      tpu.wait_dma2 semaphore(%arg7 : memref<!tpu.dma_semaphore, #tpu.memory_space<semaphore_mem>>) src(%dma_wait3A_1015 : memref<128x16xi32, #tpu.memory_space<hbm>>) dst(%dma_wait3A_1012 : memref<128x16xi32, #tpu.memory_space<vmem>>)
      %dma_wait3A_1016 = arith.constant 15 : i32
      %dma_wait3A_1017 = arith.constant 0 : i32
      %dma_wait3A_1018 = arith.constant 0 : i32
      %dma_wait3A_1019 = tpu.memref_slice %arg6[%dma_wait3A_1016, %dma_wait3A_1017, %dma_wait3A_1018] : memref<20x128x16xi32, #tpu.memory_space<vmem>> -> memref<1x128x16xi32, #tpu.memory_space<vmem>>
      %dma_wait3A_1020 = tpu.memref_squeeze %dma_wait3A_1019 : memref<1x128x16xi32, #tpu.memory_space<vmem>> -> memref<128x16xi32, #tpu.memory_space<vmem>>
      %dma_wait3A_1021 = arith.constant 0 : i32
      %dma_wait3A_1022 = arith.constant 0 : i32
      %dma_wait3A_1023 = tpu.memref_slice %arg3[%dma_wait3A_1021, %dma_wait3A_1022] : memref<1015808x16xi32, #tpu.memory_space<hbm>> -> memref<128x16xi32, #tpu.memory_space<hbm>>
      %dma_wait3A_1024 = arith.constant 0 : i32
      %dma_wait3A_1025 = arith.constant 0 : i32
      %dma_wait3A_1026 = tpu.memref_slice %arg6[%dma_wait3A_1016, %dma_wait3A_1024, %dma_wait3A_1025] : memref<20x128x16xi32, #tpu.memory_space<vmem>> -> memref<1x128x16xi32, #tpu.memory_space<vmem>>
      %dma_wait3A_1027 = tpu.memref_squeeze %dma_wait3A_1026 : memref<1x128x16xi32, #tpu.memory_space<vmem>> -> memref<128x16xi32, #tpu.memory_space<vmem>>
      %dma_wait3A_1028 = arith.constant 0 : i32
      %dma_wait3A_1029 = arith.constant 0 : i32
      %dma_wait3A_1030 = tpu.memref_slice %arg3[%dma_wait3A_1028, %dma_wait3A_1029] : memref<1015808x16xi32, #tpu.memory_space<hbm>> -> memref<128x16xi32, #tpu.memory_space<hbm>>
      tpu.wait_dma2 semaphore(%arg7 : memref<!tpu.dma_semaphore, #tpu.memory_space<semaphore_mem>>) src(%dma_wait3A_1030 : memref<128x16xi32, #tpu.memory_space<hbm>>) dst(%dma_wait3A_1027 : memref<128x16xi32, #tpu.memory_space<vmem>>)
      %dma_wait3A_1031 = arith.constant 16 : i32
      %dma_wait3A_1032 = arith.constant 0 : i32
      %dma_wait3A_1033 = arith.constant 0 : i32
      %dma_wait3A_1034 = tpu.memref_slice %arg6[%dma_wait3A_1031, %dma_wait3A_1032, %dma_wait3A_1033] : memref<20x128x16xi32, #tpu.memory_space<vmem>> -> memref<1x128x16xi32, #tpu.memory_space<vmem>>
      %dma_wait3A_1035 = tpu.memref_squeeze %dma_wait3A_1034 : memref<1x128x16xi32, #tpu.memory_space<vmem>> -> memref<128x16xi32, #tpu.memory_space<vmem>>
      %dma_wait3A_1036 = arith.constant 0 : i32
      %dma_wait3A_1037 = arith.constant 0 : i32
      %dma_wait3A_1038 = tpu.memref_slice %arg3[%dma_wait3A_1036, %dma_wait3A_1037] : memref<1015808x16xi32, #tpu.memory_space<hbm>> -> memref<128x16xi32, #tpu.memory_space<hbm>>
      %dma_wait3A_1039 = arith.constant 0 : i32
      %dma_wait3A_1040 = arith.constant 0 : i32
      %dma_wait3A_1041 = tpu.memref_slice %arg6[%dma_wait3A_1031, %dma_wait3A_1039, %dma_wait3A_1040] : memref<20x128x16xi32, #tpu.memory_space<vmem>> -> memref<1x128x16xi32, #tpu.memory_space<vmem>>
      %dma_wait3A_1042 = tpu.memref_squeeze %dma_wait3A_1041 : memref<1x128x16xi32, #tpu.memory_space<vmem>> -> memref<128x16xi32, #tpu.memory_space<vmem>>
      %dma_wait3A_1043 = arith.constant 0 : i32
      %dma_wait3A_1044 = arith.constant 0 : i32
      %dma_wait3A_1045 = tpu.memref_slice %arg3[%dma_wait3A_1043, %dma_wait3A_1044] : memref<1015808x16xi32, #tpu.memory_space<hbm>> -> memref<128x16xi32, #tpu.memory_space<hbm>>
      tpu.wait_dma2 semaphore(%arg7 : memref<!tpu.dma_semaphore, #tpu.memory_space<semaphore_mem>>) src(%dma_wait3A_1045 : memref<128x16xi32, #tpu.memory_space<hbm>>) dst(%dma_wait3A_1042 : memref<128x16xi32, #tpu.memory_space<vmem>>)
      %dma_wait3A_1046 = arith.constant 17 : i32
      %dma_wait3A_1047 = arith.constant 0 : i32
      %dma_wait3A_1048 = arith.constant 0 : i32
      %dma_wait3A_1049 = tpu.memref_slice %arg6[%dma_wait3A_1046, %dma_wait3A_1047, %dma_wait3A_1048] : memref<20x128x16xi32, #tpu.memory_space<vmem>> -> memref<1x128x16xi32, #tpu.memory_space<vmem>>
      %dma_wait3A_1050 = tpu.memref_squeeze %dma_wait3A_1049 : memref<1x128x16xi32, #tpu.memory_space<vmem>> -> memref<128x16xi32, #tpu.memory_space<vmem>>
      %dma_wait3A_1051 = arith.constant 0 : i32
      %dma_wait3A_1052 = arith.constant 0 : i32
      %dma_wait3A_1053 = tpu.memref_slice %arg3[%dma_wait3A_1051, %dma_wait3A_1052] : memref<1015808x16xi32, #tpu.memory_space<hbm>> -> memref<128x16xi32, #tpu.memory_space<hbm>>
      %dma_wait3A_1054 = arith.constant 0 : i32
      %dma_wait3A_1055 = arith.constant 0 : i32
      %dma_wait3A_1056 = tpu.memref_slice %arg6[%dma_wait3A_1046, %dma_wait3A_1054, %dma_wait3A_1055] : memref<20x128x16xi32, #tpu.memory_space<vmem>> -> memref<1x128x16xi32, #tpu.memory_space<vmem>>
      %dma_wait3A_1057 = tpu.memref_squeeze %dma_wait3A_1056 : memref<1x128x16xi32, #tpu.memory_space<vmem>> -> memref<128x16xi32, #tpu.memory_space<vmem>>
      %dma_wait3A_1058 = arith.constant 0 : i32
      %dma_wait3A_1059 = arith.constant 0 : i32
      %dma_wait3A_1060 = tpu.memref_slice %arg3[%dma_wait3A_1058, %dma_wait3A_1059] : memref<1015808x16xi32, #tpu.memory_space<hbm>> -> memref<128x16xi32, #tpu.memory_space<hbm>>
      tpu.wait_dma2 semaphore(%arg7 : memref<!tpu.dma_semaphore, #tpu.memory_space<semaphore_mem>>) src(%dma_wait3A_1060 : memref<128x16xi32, #tpu.memory_space<hbm>>) dst(%dma_wait3A_1057 : memref<128x16xi32, #tpu.memory_space<vmem>>)
      %dma_wait3A_1061 = arith.constant 18 : i32
      %dma_wait3A_1062 = arith.constant 0 : i32
      %dma_wait3A_1063 = arith.constant 0 : i32
      %dma_wait3A_1064 = tpu.memref_slice %arg6[%dma_wait3A_1061, %dma_wait3A_1062, %dma_wait3A_1063] : memref<20x128x16xi32, #tpu.memory_space<vmem>> -> memref<1x128x16xi32, #tpu.memory_space<vmem>>
      %dma_wait3A_1065 = tpu.memref_squeeze %dma_wait3A_1064 : memref<1x128x16xi32, #tpu.memory_space<vmem>> -> memref<128x16xi32, #tpu.memory_space<vmem>>
      %dma_wait3A_1066 = arith.constant 0 : i32
      %dma_wait3A_1067 = arith.constant 0 : i32
      %dma_wait3A_1068 = tpu.memref_slice %arg3[%dma_wait3A_1066, %dma_wait3A_1067] : memref<1015808x16xi32, #tpu.memory_space<hbm>> -> memref<128x16xi32, #tpu.memory_space<hbm>>
      %dma_wait3A_1069 = arith.constant 0 : i32
      %dma_wait3A_1070 = arith.constant 0 : i32
      %dma_wait3A_1071 = tpu.memref_slice %arg6[%dma_wait3A_1061, %dma_wait3A_1069, %dma_wait3A_1070] : memref<20x128x16xi32, #tpu.memory_space<vmem>> -> memref<1x128x16xi32, #tpu.memory_space<vmem>>
      %dma_wait3A_1072 = tpu.memref_squeeze %dma_wait3A_1071 : memref<1x128x16xi32, #tpu.memory_space<vmem>> -> memref<128x16xi32, #tpu.memory_space<vmem>>
      %dma_wait3A_1073 = arith.constant 0 : i32
      %dma_wait3A_1074 = arith.constant 0 : i32
      %dma_wait3A_1075 = tpu.memref_slice %arg3[%dma_wait3A_1073, %dma_wait3A_1074] : memref<1015808x16xi32, #tpu.memory_space<hbm>> -> memref<128x16xi32, #tpu.memory_space<hbm>>
      tpu.wait_dma2 semaphore(%arg7 : memref<!tpu.dma_semaphore, #tpu.memory_space<semaphore_mem>>) src(%dma_wait3A_1075 : memref<128x16xi32, #tpu.memory_space<hbm>>) dst(%dma_wait3A_1072 : memref<128x16xi32, #tpu.memory_space<vmem>>)
      %dma_wait3A_1076 = arith.constant 19 : i32
      %dma_wait3A_1077 = arith.constant 0 : i32
      %dma_wait3A_1078 = arith.constant 0 : i32
      %dma_wait3A_1079 = tpu.memref_slice %arg6[%dma_wait3A_1076, %dma_wait3A_1077, %dma_wait3A_1078] : memref<20x128x16xi32, #tpu.memory_space<vmem>> -> memref<1x128x16xi32, #tpu.memory_space<vmem>>
      %dma_wait3A_1080 = tpu.memref_squeeze %dma_wait3A_1079 : memref<1x128x16xi32, #tpu.memory_space<vmem>> -> memref<128x16xi32, #tpu.memory_space<vmem>>
      %dma_wait3A_1081 = arith.constant 0 : i32
      %dma_wait3A_1082 = arith.constant 0 : i32
      %dma_wait3A_1083 = tpu.memref_slice %arg3[%dma_wait3A_1081, %dma_wait3A_1082] : memref<1015808x16xi32, #tpu.memory_space<hbm>> -> memref<128x16xi32, #tpu.memory_space<hbm>>
      %dma_wait3A_1084 = arith.constant 0 : i32
      %dma_wait3A_1085 = arith.constant 0 : i32
      %dma_wait3A_1086 = tpu.memref_slice %arg6[%dma_wait3A_1076, %dma_wait3A_1084, %dma_wait3A_1085] : memref<20x128x16xi32, #tpu.memory_space<vmem>> -> memref<1x128x16xi32, #tpu.memory_space<vmem>>
      %dma_wait3A_1087 = tpu.memref_squeeze %dma_wait3A_1086 : memref<1x128x16xi32, #tpu.memory_space<vmem>> -> memref<128x16xi32, #tpu.memory_space<vmem>>
      %dma_wait3A_1088 = arith.constant 0 : i32
      %dma_wait3A_1089 = arith.constant 0 : i32
      %dma_wait3A_1090 = tpu.memref_slice %arg3[%dma_wait3A_1088, %dma_wait3A_1089] : memref<1015808x16xi32, #tpu.memory_space<hbm>> -> memref<128x16xi32, #tpu.memory_space<hbm>>
      tpu.wait_dma2 semaphore(%arg7 : memref<!tpu.dma_semaphore, #tpu.memory_space<semaphore_mem>>) src(%dma_wait3A_1090 : memref<128x16xi32, #tpu.memory_space<hbm>>) dst(%dma_wait3A_1087 : memref<128x16xi32, #tpu.memory_space<vmem>>)
      %mul3A_1091 = arith.constant 10 : i32
      %mul3A_1092 = arith.muli %add3A_282, %mul3A_1091 : i32
      %add3A_1093 = arith.constant 0 : i32
      %add3A_1094 = arith.addi %mul3A_1092, %add3A_1093 : i32
      %mul3A_1095 = arith.constant 128 : i32
      %mul3A_1096 = arith.muli %add3A_1094, %mul3A_1095 : i32
      %add3A_1097 = arith.addi %mul3A_2, %mul3A_1096 : i32
      %dma_start3A_1098 = arith.constant 10 : i32
      %dma_start3A_1099 = arith.constant 0 : i32
      %dma_start3A_1100 = arith.constant 0 : i32
      %dma_start3A_1101 = tpu.memref_slice %arg6[%dma_start3A_1098, %dma_start3A_1099, %dma_start3A_1100] : memref<20x128x16xi32, #tpu.memory_space<vmem>> -> memref<1x128x16xi32, #tpu.memory_space<vmem>>
      %dma_start3A_1102 = tpu.memref_squeeze %dma_start3A_1101 : memref<1x128x16xi32, #tpu.memory_space<vmem>> -> memref<128x16xi32, #tpu.memory_space<vmem>>
      %dma_start3A_1103 = arith.constant 0 : i32
      %dma_start3A_1104 = tpu.memref_slice %arg4[%add3A_1097, %dma_start3A_1103] : memref<819200x16xi32, #tpu.memory_space<hbm>> -> memref<128x16xi32, #tpu.memory_space<hbm>>
      %dma_start3A_1105 = arith.constant 0 : i32
      %dma_start3A_1106 = tpu.memref_slice %arg4[%add3A_1097, %dma_start3A_1105] : memref<819200x16xi32, #tpu.memory_space<hbm>> -> memref<128x16xi32, #tpu.memory_space<hbm>>
      %dma_start3A_1107 = arith.constant 0 : i32
      %dma_start3A_1108 = arith.constant 0 : i32
      %dma_start3A_1109 = tpu.memref_slice %arg6[%dma_start3A_1098, %dma_start3A_1107, %dma_start3A_1108] : memref<20x128x16xi32, #tpu.memory_space<vmem>> -> memref<1x128x16xi32, #tpu.memory_space<vmem>>
      %dma_start3A_1110 = tpu.memref_squeeze %dma_start3A_1109 : memref<1x128x16xi32, #tpu.memory_space<vmem>> -> memref<128x16xi32, #tpu.memory_space<vmem>>
      tpu.enqueue_dma source(%dma_start3A_1110 : memref<128x16xi32, #tpu.memory_space<vmem>>) target(%dma_start3A_1106 : memref<128x16xi32, #tpu.memory_space<hbm>>) target_semaphore(%arg8 : memref<!tpu.dma_semaphore, #tpu.memory_space<semaphore_mem>>)
      %mul3A_1111 = arith.constant 10 : i32
      %mul3A_1112 = arith.muli %add3A_282, %mul3A_1111 : i32
      %add3A_1113 = arith.constant 1 : i32
      %add3A_1114 = arith.addi %mul3A_1112, %add3A_1113 : i32
      %mul3A_1115 = arith.constant 128 : i32
      %mul3A_1116 = arith.muli %add3A_1114, %mul3A_1115 : i32
      %add3A_1117 = arith.addi %mul3A_2, %mul3A_1116 : i32
      %dma_start3A_1118 = arith.constant 11 : i32
      %dma_start3A_1119 = arith.constant 0 : i32
      %dma_start3A_1120 = arith.constant 0 : i32
      %dma_start3A_1121 = tpu.memref_slice %arg6[%dma_start3A_1118, %dma_start3A_1119, %dma_start3A_1120] : memref<20x128x16xi32, #tpu.memory_space<vmem>> -> memref<1x128x16xi32, #tpu.memory_space<vmem>>
      %dma_start3A_1122 = tpu.memref_squeeze %dma_start3A_1121 : memref<1x128x16xi32, #tpu.memory_space<vmem>> -> memref<128x16xi32, #tpu.memory_space<vmem>>
      %dma_start3A_1123 = arith.constant 0 : i32
      %dma_start3A_1124 = tpu.memref_slice %arg4[%add3A_1117, %dma_start3A_1123] : memref<819200x16xi32, #tpu.memory_space<hbm>> -> memref<128x16xi32, #tpu.memory_space<hbm>>
      %dma_start3A_1125 = arith.constant 0 : i32
      %dma_start3A_1126 = tpu.memref_slice %arg4[%add3A_1117, %dma_start3A_1125] : memref<819200x16xi32, #tpu.memory_space<hbm>> -> memref<128x16xi32, #tpu.memory_space<hbm>>
      %dma_start3A_1127 = arith.constant 0 : i32
      %dma_start3A_1128 = arith.constant 0 : i32
      %dma_start3A_1129 = tpu.memref_slice %arg6[%dma_start3A_1118, %dma_start3A_1127, %dma_start3A_1128] : memref<20x128x16xi32, #tpu.memory_space<vmem>> -> memref<1x128x16xi32, #tpu.memory_space<vmem>>
      %dma_start3A_1130 = tpu.memref_squeeze %dma_start3A_1129 : memref<1x128x16xi32, #tpu.memory_space<vmem>> -> memref<128x16xi32, #tpu.memory_space<vmem>>
      tpu.enqueue_dma source(%dma_start3A_1130 : memref<128x16xi32, #tpu.memory_space<vmem>>) target(%dma_start3A_1126 : memref<128x16xi32, #tpu.memory_space<hbm>>) target_semaphore(%arg8 : memref<!tpu.dma_semaphore, #tpu.memory_space<semaphore_mem>>)
      %mul3A_1131 = arith.constant 10 : i32
      %mul3A_1132 = arith.muli %add3A_282, %mul3A_1131 : i32
      %add3A_1133 = arith.constant 2 : i32
      %add3A_1134 = arith.addi %mul3A_1132, %add3A_1133 : i32
      %mul3A_1135 = arith.constant 128 : i32
      %mul3A_1136 = arith.muli %add3A_1134, %mul3A_1135 : i32
      %add3A_1137 = arith.addi %mul3A_2, %mul3A_1136 : i32
      %dma_start3A_1138 = arith.constant 12 : i32
      %dma_start3A_1139 = arith.constant 0 : i32
      %dma_start3A_1140 = arith.constant 0 : i32
      %dma_start3A_1141 = tpu.memref_slice %arg6[%dma_start3A_1138, %dma_start3A_1139, %dma_start3A_1140] : memref<20x128x16xi32, #tpu.memory_space<vmem>> -> memref<1x128x16xi32, #tpu.memory_space<vmem>>
      %dma_start3A_1142 = tpu.memref_squeeze %dma_start3A_1141 : memref<1x128x16xi32, #tpu.memory_space<vmem>> -> memref<128x16xi32, #tpu.memory_space<vmem>>
      %dma_start3A_1143 = arith.constant 0 : i32
      %dma_start3A_1144 = tpu.memref_slice %arg4[%add3A_1137, %dma_start3A_1143] : memref<819200x16xi32, #tpu.memory_space<hbm>> -> memref<128x16xi32, #tpu.memory_space<hbm>>
      %dma_start3A_1145 = arith.constant 0 : i32
      %dma_start3A_1146 = tpu.memref_slice %arg4[%add3A_1137, %dma_start3A_1145] : memref<819200x16xi32, #tpu.memory_space<hbm>> -> memref<128x16xi32, #tpu.memory_space<hbm>>
      %dma_start3A_1147 = arith.constant 0 : i32
      %dma_start3A_1148 = arith.constant 0 : i32
      %dma_start3A_1149 = tpu.memref_slice %arg6[%dma_start3A_1138, %dma_start3A_1147, %dma_start3A_1148] : memref<20x128x16xi32, #tpu.memory_space<vmem>> -> memref<1x128x16xi32, #tpu.memory_space<vmem>>
      %dma_start3A_1150 = tpu.memref_squeeze %dma_start3A_1149 : memref<1x128x16xi32, #tpu.memory_space<vmem>> -> memref<128x16xi32, #tpu.memory_space<vmem>>
      tpu.enqueue_dma source(%dma_start3A_1150 : memref<128x16xi32, #tpu.memory_space<vmem>>) target(%dma_start3A_1146 : memref<128x16xi32, #tpu.memory_space<hbm>>) target_semaphore(%arg8 : memref<!tpu.dma_semaphore, #tpu.memory_space<semaphore_mem>>)
      %mul3A_1151 = arith.constant 10 : i32
      %mul3A_1152 = arith.muli %add3A_282, %mul3A_1151 : i32
      %add3A_1153 = arith.constant 3 : i32
      %add3A_1154 = arith.addi %mul3A_1152, %add3A_1153 : i32
      %mul3A_1155 = arith.constant 128 : i32
      %mul3A_1156 = arith.muli %add3A_1154, %mul3A_1155 : i32
      %add3A_1157 = arith.addi %mul3A_2, %mul3A_1156 : i32
      %dma_start3A_1158 = arith.constant 13 : i32
      %dma_start3A_1159 = arith.constant 0 : i32
      %dma_start3A_1160 = arith.constant 0 : i32
      %dma_start3A_1161 = tpu.memref_slice %arg6[%dma_start3A_1158, %dma_start3A_1159, %dma_start3A_1160] : memref<20x128x16xi32, #tpu.memory_space<vmem>> -> memref<1x128x16xi32, #tpu.memory_space<vmem>>
      %dma_start3A_1162 = tpu.memref_squeeze %dma_start3A_1161 : memref<1x128x16xi32, #tpu.memory_space<vmem>> -> memref<128x16xi32, #tpu.memory_space<vmem>>
      %dma_start3A_1163 = arith.constant 0 : i32
      %dma_start3A_1164 = tpu.memref_slice %arg4[%add3A_1157, %dma_start3A_1163] : memref<819200x16xi32, #tpu.memory_space<hbm>> -> memref<128x16xi32, #tpu.memory_space<hbm>>
      %dma_start3A_1165 = arith.constant 0 : i32
      %dma_start3A_1166 = tpu.memref_slice %arg4[%add3A_1157, %dma_start3A_1165] : memref<819200x16xi32, #tpu.memory_space<hbm>> -> memref<128x16xi32, #tpu.memory_space<hbm>>
      %dma_start3A_1167 = arith.constant 0 : i32
      %dma_start3A_1168 = arith.constant 0 : i32
      %dma_start3A_1169 = tpu.memref_slice %arg6[%dma_start3A_1158, %dma_start3A_1167, %dma_start3A_1168] : memref<20x128x16xi32, #tpu.memory_space<vmem>> -> memref<1x128x16xi32, #tpu.memory_space<vmem>>
      %dma_start3A_1170 = tpu.memref_squeeze %dma_start3A_1169 : memref<1x128x16xi32, #tpu.memory_space<vmem>> -> memref<128x16xi32, #tpu.memory_space<vmem>>
      tpu.enqueue_dma source(%dma_start3A_1170 : memref<128x16xi32, #tpu.memory_space<vmem>>) target(%dma_start3A_1166 : memref<128x16xi32, #tpu.memory_space<hbm>>) target_semaphore(%arg8 : memref<!tpu.dma_semaphore, #tpu.memory_space<semaphore_mem>>)
      %mul3A_1171 = arith.constant 10 : i32
      %mul3A_1172 = arith.muli %add3A_282, %mul3A_1171 : i32
      %add3A_1173 = arith.constant 4 : i32
      %add3A_1174 = arith.addi %mul3A_1172, %add3A_1173 : i32
      %mul3A_1175 = arith.constant 128 : i32
      %mul3A_1176 = arith.muli %add3A_1174, %mul3A_1175 : i32
      %add3A_1177 = arith.addi %mul3A_2, %mul3A_1176 : i32
      %dma_start3A_1178 = arith.constant 14 : i32
      %dma_start3A_1179 = arith.constant 0 : i32
      %dma_start3A_1180 = arith.constant 0 : i32
      %dma_start3A_1181 = tpu.memref_slice %arg6[%dma_start3A_1178, %dma_start3A_1179, %dma_start3A_1180] : memref<20x128x16xi32, #tpu.memory_space<vmem>> -> memref<1x128x16xi32, #tpu.memory_space<vmem>>
      %dma_start3A_1182 = tpu.memref_squeeze %dma_start3A_1181 : memref<1x128x16xi32, #tpu.memory_space<vmem>> -> memref<128x16xi32, #tpu.memory_space<vmem>>
      %dma_start3A_1183 = arith.constant 0 : i32
      %dma_start3A_1184 = tpu.memref_slice %arg4[%add3A_1177, %dma_start3A_1183] : memref<819200x16xi32, #tpu.memory_space<hbm>> -> memref<128x16xi32, #tpu.memory_space<hbm>>
      %dma_start3A_1185 = arith.constant 0 : i32
      %dma_start3A_1186 = tpu.memref_slice %arg4[%add3A_1177, %dma_start3A_1185] : memref<819200x16xi32, #tpu.memory_space<hbm>> -> memref<128x16xi32, #tpu.memory_space<hbm>>
      %dma_start3A_1187 = arith.constant 0 : i32
      %dma_start3A_1188 = arith.constant 0 : i32
      %dma_start3A_1189 = tpu.memref_slice %arg6[%dma_start3A_1178, %dma_start3A_1187, %dma_start3A_1188] : memref<20x128x16xi32, #tpu.memory_space<vmem>> -> memref<1x128x16xi32, #tpu.memory_space<vmem>>
      %dma_start3A_1190 = tpu.memref_squeeze %dma_start3A_1189 : memref<1x128x16xi32, #tpu.memory_space<vmem>> -> memref<128x16xi32, #tpu.memory_space<vmem>>
      tpu.enqueue_dma source(%dma_start3A_1190 : memref<128x16xi32, #tpu.memory_space<vmem>>) target(%dma_start3A_1186 : memref<128x16xi32, #tpu.memory_space<hbm>>) target_semaphore(%arg8 : memref<!tpu.dma_semaphore, #tpu.memory_space<semaphore_mem>>)
      %mul3A_1191 = arith.constant 10 : i32
      %mul3A_1192 = arith.muli %add3A_282, %mul3A_1191 : i32
      %add3A_1193 = arith.constant 5 : i32
      %add3A_1194 = arith.addi %mul3A_1192, %add3A_1193 : i32
      %mul3A_1195 = arith.constant 128 : i32
      %mul3A_1196 = arith.muli %add3A_1194, %mul3A_1195 : i32
      %add3A_1197 = arith.addi %mul3A_2, %mul3A_1196 : i32
      %dma_start3A_1198 = arith.constant 15 : i32
      %dma_start3A_1199 = arith.constant 0 : i32
      %dma_start3A_1200 = arith.constant 0 : i32
      %dma_start3A_1201 = tpu.memref_slice %arg6[%dma_start3A_1198, %dma_start3A_1199, %dma_start3A_1200] : memref<20x128x16xi32, #tpu.memory_space<vmem>> -> memref<1x128x16xi32, #tpu.memory_space<vmem>>
      %dma_start3A_1202 = tpu.memref_squeeze %dma_start3A_1201 : memref<1x128x16xi32, #tpu.memory_space<vmem>> -> memref<128x16xi32, #tpu.memory_space<vmem>>
      %dma_start3A_1203 = arith.constant 0 : i32
      %dma_start3A_1204 = tpu.memref_slice %arg4[%add3A_1197, %dma_start3A_1203] : memref<819200x16xi32, #tpu.memory_space<hbm>> -> memref<128x16xi32, #tpu.memory_space<hbm>>
      %dma_start3A_1205 = arith.constant 0 : i32
      %dma_start3A_1206 = tpu.memref_slice %arg4[%add3A_1197, %dma_start3A_1205] : memref<819200x16xi32, #tpu.memory_space<hbm>> -> memref<128x16xi32, #tpu.memory_space<hbm>>
      %dma_start3A_1207 = arith.constant 0 : i32
      %dma_start3A_1208 = arith.constant 0 : i32
      %dma_start3A_1209 = tpu.memref_slice %arg6[%dma_start3A_1198, %dma_start3A_1207, %dma_start3A_1208] : memref<20x128x16xi32, #tpu.memory_space<vmem>> -> memref<1x128x16xi32, #tpu.memory_space<vmem>>
      %dma_start3A_1210 = tpu.memref_squeeze %dma_start3A_1209 : memref<1x128x16xi32, #tpu.memory_space<vmem>> -> memref<128x16xi32, #tpu.memory_space<vmem>>
      tpu.enqueue_dma source(%dma_start3A_1210 : memref<128x16xi32, #tpu.memory_space<vmem>>) target(%dma_start3A_1206 : memref<128x16xi32, #tpu.memory_space<hbm>>) target_semaphore(%arg8 : memref<!tpu.dma_semaphore, #tpu.memory_space<semaphore_mem>>)
      %mul3A_1211 = arith.constant 10 : i32
      %mul3A_1212 = arith.muli %add3A_282, %mul3A_1211 : i32
      %add3A_1213 = arith.constant 6 : i32
      %add3A_1214 = arith.addi %mul3A_1212, %add3A_1213 : i32
      %mul3A_1215 = arith.constant 128 : i32
      %mul3A_1216 = arith.muli %add3A_1214, %mul3A_1215 : i32
      %add3A_1217 = arith.addi %mul3A_2, %mul3A_1216 : i32
      %dma_start3A_1218 = arith.constant 16 : i32
      %dma_start3A_1219 = arith.constant 0 : i32
      %dma_start3A_1220 = arith.constant 0 : i32
      %dma_start3A_1221 = tpu.memref_slice %arg6[%dma_start3A_1218, %dma_start3A_1219, %dma_start3A_1220] : memref<20x128x16xi32, #tpu.memory_space<vmem>> -> memref<1x128x16xi32, #tpu.memory_space<vmem>>
      %dma_start3A_1222 = tpu.memref_squeeze %dma_start3A_1221 : memref<1x128x16xi32, #tpu.memory_space<vmem>> -> memref<128x16xi32, #tpu.memory_space<vmem>>
      %dma_start3A_1223 = arith.constant 0 : i32
      %dma_start3A_1224 = tpu.memref_slice %arg4[%add3A_1217, %dma_start3A_1223] : memref<819200x16xi32, #tpu.memory_space<hbm>> -> memref<128x16xi32, #tpu.memory_space<hbm>>
      %dma_start3A_1225 = arith.constant 0 : i32
      %dma_start3A_1226 = tpu.memref_slice %arg4[%add3A_1217, %dma_start3A_1225] : memref<819200x16xi32, #tpu.memory_space<hbm>> -> memref<128x16xi32, #tpu.memory_space<hbm>>
      %dma_start3A_1227 = arith.constant 0 : i32
      %dma_start3A_1228 = arith.constant 0 : i32
      %dma_start3A_1229 = tpu.memref_slice %arg6[%dma_start3A_1218, %dma_start3A_1227, %dma_start3A_1228] : memref<20x128x16xi32, #tpu.memory_space<vmem>> -> memref<1x128x16xi32, #tpu.memory_space<vmem>>
      %dma_start3A_1230 = tpu.memref_squeeze %dma_start3A_1229 : memref<1x128x16xi32, #tpu.memory_space<vmem>> -> memref<128x16xi32, #tpu.memory_space<vmem>>
      tpu.enqueue_dma source(%dma_start3A_1230 : memref<128x16xi32, #tpu.memory_space<vmem>>) target(%dma_start3A_1226 : memref<128x16xi32, #tpu.memory_space<hbm>>) target_semaphore(%arg8 : memref<!tpu.dma_semaphore, #tpu.memory_space<semaphore_mem>>)
      %mul3A_1231 = arith.constant 10 : i32
      %mul3A_1232 = arith.muli %add3A_282, %mul3A_1231 : i32
      %add3A_1233 = arith.constant 7 : i32
      %add3A_1234 = arith.addi %mul3A_1232, %add3A_1233 : i32
      %mul3A_1235 = arith.constant 128 : i32
      %mul3A_1236 = arith.muli %add3A_1234, %mul3A_1235 : i32
      %add3A_1237 = arith.addi %mul3A_2, %mul3A_1236 : i32
      %dma_start3A_1238 = arith.constant 17 : i32
      %dma_start3A_1239 = arith.constant 0 : i32
      %dma_start3A_1240 = arith.constant 0 : i32
      %dma_start3A_1241 = tpu.memref_slice %arg6[%dma_start3A_1238, %dma_start3A_1239, %dma_start3A_1240] : memref<20x128x16xi32, #tpu.memory_space<vmem>> -> memref<1x128x16xi32, #tpu.memory_space<vmem>>
      %dma_start3A_1242 = tpu.memref_squeeze %dma_start3A_1241 : memref<1x128x16xi32, #tpu.memory_space<vmem>> -> memref<128x16xi32, #tpu.memory_space<vmem>>
      %dma_start3A_1243 = arith.constant 0 : i32
      %dma_start3A_1244 = tpu.memref_slice %arg4[%add3A_1237, %dma_start3A_1243] : memref<819200x16xi32, #tpu.memory_space<hbm>> -> memref<128x16xi32, #tpu.memory_space<hbm>>
      %dma_start3A_1245 = arith.constant 0 : i32
      %dma_start3A_1246 = tpu.memref_slice %arg4[%add3A_1237, %dma_start3A_1245] : memref<819200x16xi32, #tpu.memory_space<hbm>> -> memref<128x16xi32, #tpu.memory_space<hbm>>
      %dma_start3A_1247 = arith.constant 0 : i32
      %dma_start3A_1248 = arith.constant 0 : i32
      %dma_start3A_1249 = tpu.memref_slice %arg6[%dma_start3A_1238, %dma_start3A_1247, %dma_start3A_1248] : memref<20x128x16xi32, #tpu.memory_space<vmem>> -> memref<1x128x16xi32, #tpu.memory_space<vmem>>
      %dma_start3A_1250 = tpu.memref_squeeze %dma_start3A_1249 : memref<1x128x16xi32, #tpu.memory_space<vmem>> -> memref<128x16xi32, #tpu.memory_space<vmem>>
      tpu.enqueue_dma source(%dma_start3A_1250 : memref<128x16xi32, #tpu.memory_space<vmem>>) target(%dma_start3A_1246 : memref<128x16xi32, #tpu.memory_space<hbm>>) target_semaphore(%arg8 : memref<!tpu.dma_semaphore, #tpu.memory_space<semaphore_mem>>)
      %mul3A_1251 = arith.constant 10 : i32
      %mul3A_1252 = arith.muli %add3A_282, %mul3A_1251 : i32
      %add3A_1253 = arith.constant 8 : i32
      %add3A_1254 = arith.addi %mul3A_1252, %add3A_1253 : i32
      %mul3A_1255 = arith.constant 128 : i32
      %mul3A_1256 = arith.muli %add3A_1254, %mul3A_1255 : i32
      %add3A_1257 = arith.addi %mul3A_2, %mul3A_1256 : i32
      %dma_start3A_1258 = arith.constant 18 : i32
      %dma_start3A_1259 = arith.constant 0 : i32
      %dma_start3A_1260 = arith.constant 0 : i32
      %dma_start3A_1261 = tpu.memref_slice %arg6[%dma_start3A_1258, %dma_start3A_1259, %dma_start3A_1260] : memref<20x128x16xi32, #tpu.memory_space<vmem>> -> memref<1x128x16xi32, #tpu.memory_space<vmem>>
      %dma_start3A_1262 = tpu.memref_squeeze %dma_start3A_1261 : memref<1x128x16xi32, #tpu.memory_space<vmem>> -> memref<128x16xi32, #tpu.memory_space<vmem>>
      %dma_start3A_1263 = arith.constant 0 : i32
      %dma_start3A_1264 = tpu.memref_slice %arg4[%add3A_1257, %dma_start3A_1263] : memref<819200x16xi32, #tpu.memory_space<hbm>> -> memref<128x16xi32, #tpu.memory_space<hbm>>
      %dma_start3A_1265 = arith.constant 0 : i32
      %dma_start3A_1266 = tpu.memref_slice %arg4[%add3A_1257, %dma_start3A_1265] : memref<819200x16xi32, #tpu.memory_space<hbm>> -> memref<128x16xi32, #tpu.memory_space<hbm>>
      %dma_start3A_1267 = arith.constant 0 : i32
      %dma_start3A_1268 = arith.constant 0 : i32
      %dma_start3A_1269 = tpu.memref_slice %arg6[%dma_start3A_1258, %dma_start3A_1267, %dma_start3A_1268] : memref<20x128x16xi32, #tpu.memory_space<vmem>> -> memref<1x128x16xi32, #tpu.memory_space<vmem>>
      %dma_start3A_1270 = tpu.memref_squeeze %dma_start3A_1269 : memref<1x128x16xi32, #tpu.memory_space<vmem>> -> memref<128x16xi32, #tpu.memory_space<vmem>>
      tpu.enqueue_dma source(%dma_start3A_1270 : memref<128x16xi32, #tpu.memory_space<vmem>>) target(%dma_start3A_1266 : memref<128x16xi32, #tpu.memory_space<hbm>>) target_semaphore(%arg8 : memref<!tpu.dma_semaphore, #tpu.memory_space<semaphore_mem>>)
      %mul3A_1271 = arith.constant 10 : i32
      %mul3A_1272 = arith.muli %add3A_282, %mul3A_1271 : i32
      %add3A_1273 = arith.constant 9 : i32
      %add3A_1274 = arith.addi %mul3A_1272, %add3A_1273 : i32
      %mul3A_1275 = arith.constant 128 : i32
      %mul3A_1276 = arith.muli %add3A_1274, %mul3A_1275 : i32
      %add3A_1277 = arith.addi %mul3A_2, %mul3A_1276 : i32
      %dma_start3A_1278 = arith.constant 19 : i32
      %dma_start3A_1279 = arith.constant 0 : i32
      %dma_start3A_1280 = arith.constant 0 : i32
      %dma_start3A_1281 = tpu.memref_slice %arg6[%dma_start3A_1278, %dma_start3A_1279, %dma_start3A_1280] : memref<20x128x16xi32, #tpu.memory_space<vmem>> -> memref<1x128x16xi32, #tpu.memory_space<vmem>>
      %dma_start3A_1282 = tpu.memref_squeeze %dma_start3A_1281 : memref<1x128x16xi32, #tpu.memory_space<vmem>> -> memref<128x16xi32, #tpu.memory_space<vmem>>
      %dma_start3A_1283 = arith.constant 0 : i32
      %dma_start3A_1284 = tpu.memref_slice %arg4[%add3A_1277, %dma_start3A_1283] : memref<819200x16xi32, #tpu.memory_space<hbm>> -> memref<128x16xi32, #tpu.memory_space<hbm>>
      %dma_start3A_1285 = arith.constant 0 : i32
      %dma_start3A_1286 = tpu.memref_slice %arg4[%add3A_1277, %dma_start3A_1285] : memref<819200x16xi32, #tpu.memory_space<hbm>> -> memref<128x16xi32, #tpu.memory_space<hbm>>
      %dma_start3A_1287 = arith.constant 0 : i32
      %dma_start3A_1288 = arith.constant 0 : i32
      %dma_start3A_1289 = tpu.memref_slice %arg6[%dma_start3A_1278, %dma_start3A_1287, %dma_start3A_1288] : memref<20x128x16xi32, #tpu.memory_space<vmem>> -> memref<1x128x16xi32, #tpu.memory_space<vmem>>
      %dma_start3A_1290 = tpu.memref_squeeze %dma_start3A_1289 : memref<1x128x16xi32, #tpu.memory_space<vmem>> -> memref<128x16xi32, #tpu.memory_space<vmem>>
      tpu.enqueue_dma source(%dma_start3A_1290 : memref<128x16xi32, #tpu.memory_space<vmem>>) target(%dma_start3A_1286 : memref<128x16xi32, #tpu.memory_space<hbm>>) target_semaphore(%arg8 : memref<!tpu.dma_semaphore, #tpu.memory_space<semaphore_mem>>)
    }
    %scan3A_126 = arith.constant 10 : i32
    %dma_wait3A = arith.constant 10 : i32
    %dma_wait3A_127 = arith.constant 0 : i32
    %dma_wait3A_128 = arith.constant 0 : i32
    %dma_wait3A_129 = tpu.memref_slice %arg6[%dma_wait3A, %dma_wait3A_127, %dma_wait3A_128] : memref<20x128x16xi32, #tpu.memory_space<vmem>> -> memref<1x128x16xi32, #tpu.memory_space<vmem>>
    %dma_wait3A_130 = tpu.memref_squeeze %dma_wait3A_129 : memref<1x128x16xi32, #tpu.memory_space<vmem>> -> memref<128x16xi32, #tpu.memory_space<vmem>>
    %dma_wait3A_131 = arith.constant 0 : i32
    %dma_wait3A_132 = arith.constant 0 : i32
    %dma_wait3A_133 = tpu.memref_slice %arg4[%dma_wait3A_131, %dma_wait3A_132] : memref<819200x16xi32, #tpu.memory_space<hbm>> -> memref<128x16xi32, #tpu.memory_space<hbm>>
    %dma_wait3A_134 = arith.constant 0 : i32
    %dma_wait3A_135 = arith.constant 0 : i32
    %dma_wait3A_136 = tpu.memref_slice %arg4[%dma_wait3A_134, %dma_wait3A_135] : memref<819200x16xi32, #tpu.memory_space<hbm>> -> memref<128x16xi32, #tpu.memory_space<hbm>>
    %dma_wait3A_137 = arith.constant 0 : i32
    %dma_wait3A_138 = arith.constant 0 : i32
    %dma_wait3A_139 = tpu.memref_slice %arg6[%dma_wait3A, %dma_wait3A_137, %dma_wait3A_138] : memref<20x128x16xi32, #tpu.memory_space<vmem>> -> memref<1x128x16xi32, #tpu.memory_space<vmem>>
    %dma_wait3A_140 = tpu.memref_squeeze %dma_wait3A_139 : memref<1x128x16xi32, #tpu.memory_space<vmem>> -> memref<128x16xi32, #tpu.memory_space<vmem>>
    tpu.wait_dma2 semaphore(%arg8 : memref<!tpu.dma_semaphore, #tpu.memory_space<semaphore_mem>>) src(%dma_wait3A_140 : memref<128x16xi32, #tpu.memory_space<vmem>>) dst(%dma_wait3A_136 : memref<128x16xi32, #tpu.memory_space<hbm>>)
    %dma_wait3A_141 = arith.constant 11 : i32
    %dma_wait3A_142 = arith.constant 0 : i32
    %dma_wait3A_143 = arith.constant 0 : i32
    %dma_wait3A_144 = tpu.memref_slice %arg6[%dma_wait3A_141, %dma_wait3A_142, %dma_wait3A_143] : memref<20x128x16xi32, #tpu.memory_space<vmem>> -> memref<1x128x16xi32, #tpu.memory_space<vmem>>
    %dma_wait3A_145 = tpu.memref_squeeze %dma_wait3A_144 : memref<1x128x16xi32, #tpu.memory_space<vmem>> -> memref<128x16xi32, #tpu.memory_space<vmem>>
    %dma_wait3A_146 = arith.constant 0 : i32
    %dma_wait3A_147 = arith.constant 0 : i32
    %dma_wait3A_148 = tpu.memref_slice %arg4[%dma_wait3A_146, %dma_wait3A_147] : memref<819200x16xi32, #tpu.memory_space<hbm>> -> memref<128x16xi32, #tpu.memory_space<hbm>>
    %dma_wait3A_149 = arith.constant 0 : i32
    %dma_wait3A_150 = arith.constant 0 : i32
    %dma_wait3A_151 = tpu.memref_slice %arg4[%dma_wait3A_149, %dma_wait3A_150] : memref<819200x16xi32, #tpu.memory_space<hbm>> -> memref<128x16xi32, #tpu.memory_space<hbm>>
    %dma_wait3A_152 = arith.constant 0 : i32
    %dma_wait3A_153 = arith.constant 0 : i32
    %dma_wait3A_154 = tpu.memref_slice %arg6[%dma_wait3A_141, %dma_wait3A_152, %dma_wait3A_153] : memref<20x128x16xi32, #tpu.memory_space<vmem>> -> memref<1x128x16xi32, #tpu.memory_space<vmem>>
    %dma_wait3A_155 = tpu.memref_squeeze %dma_wait3A_154 : memref<1x128x16xi32, #tpu.memory_space<vmem>> -> memref<128x16xi32, #tpu.memory_space<vmem>>
    tpu.wait_dma2 semaphore(%arg8 : memref<!tpu.dma_semaphore, #tpu.memory_space<semaphore_mem>>) src(%dma_wait3A_155 : memref<128x16xi32, #tpu.memory_space<vmem>>) dst(%dma_wait3A_151 : memref<128x16xi32, #tpu.memory_space<hbm>>)
    %dma_wait3A_156 = arith.constant 12 : i32
    %dma_wait3A_157 = arith.constant 0 : i32
    %dma_wait3A_158 = arith.constant 0 : i32
    %dma_wait3A_159 = tpu.memref_slice %arg6[%dma_wait3A_156, %dma_wait3A_157, %dma_wait3A_158] : memref<20x128x16xi32, #tpu.memory_space<vmem>> -> memref<1x128x16xi32, #tpu.memory_space<vmem>>
    %dma_wait3A_160 = tpu.memref_squeeze %dma_wait3A_159 : memref<1x128x16xi32, #tpu.memory_space<vmem>> -> memref<128x16xi32, #tpu.memory_space<vmem>>
    %dma_wait3A_161 = arith.constant 0 : i32
    %dma_wait3A_162 = arith.constant 0 : i32
    %dma_wait3A_163 = tpu.memref_slice %arg4[%dma_wait3A_161, %dma_wait3A_162] : memref<819200x16xi32, #tpu.memory_space<hbm>> -> memref<128x16xi32, #tpu.memory_space<hbm>>
    %dma_wait3A_164 = arith.constant 0 : i32
    %dma_wait3A_165 = arith.constant 0 : i32
    %dma_wait3A_166 = tpu.memref_slice %arg4[%dma_wait3A_164, %dma_wait3A_165] : memref<819200x16xi32, #tpu.memory_space<hbm>> -> memref<128x16xi32, #tpu.memory_space<hbm>>
    %dma_wait3A_167 = arith.constant 0 : i32
    %dma_wait3A_168 = arith.constant 0 : i32
    %dma_wait3A_169 = tpu.memref_slice %arg6[%dma_wait3A_156, %dma_wait3A_167, %dma_wait3A_168] : memref<20x128x16xi32, #tpu.memory_space<vmem>> -> memref<1x128x16xi32, #tpu.memory_space<vmem>>
    %dma_wait3A_170 = tpu.memref_squeeze %dma_wait3A_169 : memref<1x128x16xi32, #tpu.memory_space<vmem>> -> memref<128x16xi32, #tpu.memory_space<vmem>>
    tpu.wait_dma2 semaphore(%arg8 : memref<!tpu.dma_semaphore, #tpu.memory_space<semaphore_mem>>) src(%dma_wait3A_170 : memref<128x16xi32, #tpu.memory_space<vmem>>) dst(%dma_wait3A_166 : memref<128x16xi32, #tpu.memory_space<hbm>>)
    %dma_wait3A_171 = arith.constant 13 : i32
    %dma_wait3A_172 = arith.constant 0 : i32
    %dma_wait3A_173 = arith.constant 0 : i32
    %dma_wait3A_174 = tpu.memref_slice %arg6[%dma_wait3A_171, %dma_wait3A_172, %dma_wait3A_173] : memref<20x128x16xi32, #tpu.memory_space<vmem>> -> memref<1x128x16xi32, #tpu.memory_space<vmem>>
    %dma_wait3A_175 = tpu.memref_squeeze %dma_wait3A_174 : memref<1x128x16xi32, #tpu.memory_space<vmem>> -> memref<128x16xi32, #tpu.memory_space<vmem>>
    %dma_wait3A_176 = arith.constant 0 : i32
    %dma_wait3A_177 = arith.constant 0 : i32
    %dma_wait3A_178 = tpu.memref_slice %arg4[%dma_wait3A_176, %dma_wait3A_177] : memref<819200x16xi32, #tpu.memory_space<hbm>> -> memref<128x16xi32, #tpu.memory_space<hbm>>
    %dma_wait3A_179 = arith.constant 0 : i32
    %dma_wait3A_180 = arith.constant 0 : i32
    %dma_wait3A_181 = tpu.memref_slice %arg4[%dma_wait3A_179, %dma_wait3A_180] : memref<819200x16xi32, #tpu.memory_space<hbm>> -> memref<128x16xi32, #tpu.memory_space<hbm>>
    %dma_wait3A_182 = arith.constant 0 : i32
    %dma_wait3A_183 = arith.constant 0 : i32
    %dma_wait3A_184 = tpu.memref_slice %arg6[%dma_wait3A_171, %dma_wait3A_182, %dma_wait3A_183] : memref<20x128x16xi32, #tpu.memory_space<vmem>> -> memref<1x128x16xi32, #tpu.memory_space<vmem>>
    %dma_wait3A_185 = tpu.memref_squeeze %dma_wait3A_184 : memref<1x128x16xi32, #tpu.memory_space<vmem>> -> memref<128x16xi32, #tpu.memory_space<vmem>>
    tpu.wait_dma2 semaphore(%arg8 : memref<!tpu.dma_semaphore, #tpu.memory_space<semaphore_mem>>) src(%dma_wait3A_185 : memref<128x16xi32, #tpu.memory_space<vmem>>) dst(%dma_wait3A_181 : memref<128x16xi32, #tpu.memory_space<hbm>>)
    %dma_wait3A_186 = arith.constant 14 : i32
    %dma_wait3A_187 = arith.constant 0 : i32
    %dma_wait3A_188 = arith.constant 0 : i32
    %dma_wait3A_189 = tpu.memref_slice %arg6[%dma_wait3A_186, %dma_wait3A_187, %dma_wait3A_188] : memref<20x128x16xi32, #tpu.memory_space<vmem>> -> memref<1x128x16xi32, #tpu.memory_space<vmem>>
    %dma_wait3A_190 = tpu.memref_squeeze %dma_wait3A_189 : memref<1x128x16xi32, #tpu.memory_space<vmem>> -> memref<128x16xi32, #tpu.memory_space<vmem>>
    %dma_wait3A_191 = arith.constant 0 : i32
    %dma_wait3A_192 = arith.constant 0 : i32
    %dma_wait3A_193 = tpu.memref_slice %arg4[%dma_wait3A_191, %dma_wait3A_192] : memref<819200x16xi32, #tpu.memory_space<hbm>> -> memref<128x16xi32, #tpu.memory_space<hbm>>
    %dma_wait3A_194 = arith.constant 0 : i32
    %dma_wait3A_195 = arith.constant 0 : i32
    %dma_wait3A_196 = tpu.memref_slice %arg4[%dma_wait3A_194, %dma_wait3A_195] : memref<819200x16xi32, #tpu.memory_space<hbm>> -> memref<128x16xi32, #tpu.memory_space<hbm>>
    %dma_wait3A_197 = arith.constant 0 : i32
    %dma_wait3A_198 = arith.constant 0 : i32
    %dma_wait3A_199 = tpu.memref_slice %arg6[%dma_wait3A_186, %dma_wait3A_197, %dma_wait3A_198] : memref<20x128x16xi32, #tpu.memory_space<vmem>> -> memref<1x128x16xi32, #tpu.memory_space<vmem>>
    %dma_wait3A_200 = tpu.memref_squeeze %dma_wait3A_199 : memref<1x128x16xi32, #tpu.memory_space<vmem>> -> memref<128x16xi32, #tpu.memory_space<vmem>>
    tpu.wait_dma2 semaphore(%arg8 : memref<!tpu.dma_semaphore, #tpu.memory_space<semaphore_mem>>) src(%dma_wait3A_200 : memref<128x16xi32, #tpu.memory_space<vmem>>) dst(%dma_wait3A_196 : memref<128x16xi32, #tpu.memory_space<hbm>>)
    %dma_wait3A_201 = arith.constant 15 : i32
    %dma_wait3A_202 = arith.constant 0 : i32
    %dma_wait3A_203 = arith.constant 0 : i32
    %dma_wait3A_204 = tpu.memref_slice %arg6[%dma_wait3A_201, %dma_wait3A_202, %dma_wait3A_203] : memref<20x128x16xi32, #tpu.memory_space<vmem>> -> memref<1x128x16xi32, #tpu.memory_space<vmem>>
    %dma_wait3A_205 = tpu.memref_squeeze %dma_wait3A_204 : memref<1x128x16xi32, #tpu.memory_space<vmem>> -> memref<128x16xi32, #tpu.memory_space<vmem>>
    %dma_wait3A_206 = arith.constant 0 : i32
    %dma_wait3A_207 = arith.constant 0 : i32
    %dma_wait3A_208 = tpu.memref_slice %arg4[%dma_wait3A_206, %dma_wait3A_207] : memref<819200x16xi32, #tpu.memory_space<hbm>> -> memref<128x16xi32, #tpu.memory_space<hbm>>
    %dma_wait3A_209 = arith.constant 0 : i32
    %dma_wait3A_210 = arith.constant 0 : i32
    %dma_wait3A_211 = tpu.memref_slice %arg4[%dma_wait3A_209, %dma_wait3A_210] : memref<819200x16xi32, #tpu.memory_space<hbm>> -> memref<128x16xi32, #tpu.memory_space<hbm>>
    %dma_wait3A_212 = arith.constant 0 : i32
    %dma_wait3A_213 = arith.constant 0 : i32
    %dma_wait3A_214 = tpu.memref_slice %arg6[%dma_wait3A_201, %dma_wait3A_212, %dma_wait3A_213] : memref<20x128x16xi32, #tpu.memory_space<vmem>> -> memref<1x128x16xi32, #tpu.memory_space<vmem>>
    %dma_wait3A_215 = tpu.memref_squeeze %dma_wait3A_214 : memref<1x128x16xi32, #tpu.memory_space<vmem>> -> memref<128x16xi32, #tpu.memory_space<vmem>>
    tpu.wait_dma2 semaphore(%arg8 : memref<!tpu.dma_semaphore, #tpu.memory_space<semaphore_mem>>) src(%dma_wait3A_215 : memref<128x16xi32, #tpu.memory_space<vmem>>) dst(%dma_wait3A_211 : memref<128x16xi32, #tpu.memory_space<hbm>>)
    %dma_wait3A_216 = arith.constant 16 : i32
    %dma_wait3A_217 = arith.constant 0 : i32
    %dma_wait3A_218 = arith.constant 0 : i32
    %dma_wait3A_219 = tpu.memref_slice %arg6[%dma_wait3A_216, %dma_wait3A_217, %dma_wait3A_218] : memref<20x128x16xi32, #tpu.memory_space<vmem>> -> memref<1x128x16xi32, #tpu.memory_space<vmem>>
    %dma_wait3A_220 = tpu.memref_squeeze %dma_wait3A_219 : memref<1x128x16xi32, #tpu.memory_space<vmem>> -> memref<128x16xi32, #tpu.memory_space<vmem>>
    %dma_wait3A_221 = arith.constant 0 : i32
    %dma_wait3A_222 = arith.constant 0 : i32
    %dma_wait3A_223 = tpu.memref_slice %arg4[%dma_wait3A_221, %dma_wait3A_222] : memref<819200x16xi32, #tpu.memory_space<hbm>> -> memref<128x16xi32, #tpu.memory_space<hbm>>
    %dma_wait3A_224 = arith.constant 0 : i32
    %dma_wait3A_225 = arith.constant 0 : i32
    %dma_wait3A_226 = tpu.memref_slice %arg4[%dma_wait3A_224, %dma_wait3A_225] : memref<819200x16xi32, #tpu.memory_space<hbm>> -> memref<128x16xi32, #tpu.memory_space<hbm>>
    %dma_wait3A_227 = arith.constant 0 : i32
    %dma_wait3A_228 = arith.constant 0 : i32
    %dma_wait3A_229 = tpu.memref_slice %arg6[%dma_wait3A_216, %dma_wait3A_227, %dma_wait3A_228] : memref<20x128x16xi32, #tpu.memory_space<vmem>> -> memref<1x128x16xi32, #tpu.memory_space<vmem>>
    %dma_wait3A_230 = tpu.memref_squeeze %dma_wait3A_229 : memref<1x128x16xi32, #tpu.memory_space<vmem>> -> memref<128x16xi32, #tpu.memory_space<vmem>>
    tpu.wait_dma2 semaphore(%arg8 : memref<!tpu.dma_semaphore, #tpu.memory_space<semaphore_mem>>) src(%dma_wait3A_230 : memref<128x16xi32, #tpu.memory_space<vmem>>) dst(%dma_wait3A_226 : memref<128x16xi32, #tpu.memory_space<hbm>>)
    %dma_wait3A_231 = arith.constant 17 : i32
    %dma_wait3A_232 = arith.constant 0 : i32
    %dma_wait3A_233 = arith.constant 0 : i32
    %dma_wait3A_234 = tpu.memref_slice %arg6[%dma_wait3A_231, %dma_wait3A_232, %dma_wait3A_233] : memref<20x128x16xi32, #tpu.memory_space<vmem>> -> memref<1x128x16xi32, #tpu.memory_space<vmem>>
    %dma_wait3A_235 = tpu.memref_squeeze %dma_wait3A_234 : memref<1x128x16xi32, #tpu.memory_space<vmem>> -> memref<128x16xi32, #tpu.memory_space<vmem>>
    %dma_wait3A_236 = arith.constant 0 : i32
    %dma_wait3A_237 = arith.constant 0 : i32
    %dma_wait3A_238 = tpu.memref_slice %arg4[%dma_wait3A_236, %dma_wait3A_237] : memref<819200x16xi32, #tpu.memory_space<hbm>> -> memref<128x16xi32, #tpu.memory_space<hbm>>
    %dma_wait3A_239 = arith.constant 0 : i32
    %dma_wait3A_240 = arith.constant 0 : i32
    %dma_wait3A_241 = tpu.memref_slice %arg4[%dma_wait3A_239, %dma_wait3A_240] : memref<819200x16xi32, #tpu.memory_space<hbm>> -> memref<128x16xi32, #tpu.memory_space<hbm>>
    %dma_wait3A_242 = arith.constant 0 : i32
    %dma_wait3A_243 = arith.constant 0 : i32
    %dma_wait3A_244 = tpu.memref_slice %arg6[%dma_wait3A_231, %dma_wait3A_242, %dma_wait3A_243] : memref<20x128x16xi32, #tpu.memory_space<vmem>> -> memref<1x128x16xi32, #tpu.memory_space<vmem>>
    %dma_wait3A_245 = tpu.memref_squeeze %dma_wait3A_244 : memref<1x128x16xi32, #tpu.memory_space<vmem>> -> memref<128x16xi32, #tpu.memory_space<vmem>>
    tpu.wait_dma2 semaphore(%arg8 : memref<!tpu.dma_semaphore, #tpu.memory_space<semaphore_mem>>) src(%dma_wait3A_245 : memref<128x16xi32, #tpu.memory_space<vmem>>) dst(%dma_wait3A_241 : memref<128x16xi32, #tpu.memory_space<hbm>>)
    %dma_wait3A_246 = arith.constant 18 : i32
    %dma_wait3A_247 = arith.constant 0 : i32
    %dma_wait3A_248 = arith.constant 0 : i32
    %dma_wait3A_249 = tpu.memref_slice %arg6[%dma_wait3A_246, %dma_wait3A_247, %dma_wait3A_248] : memref<20x128x16xi32, #tpu.memory_space<vmem>> -> memref<1x128x16xi32, #tpu.memory_space<vmem>>
    %dma_wait3A_250 = tpu.memref_squeeze %dma_wait3A_249 : memref<1x128x16xi32, #tpu.memory_space<vmem>> -> memref<128x16xi32, #tpu.memory_space<vmem>>
    %dma_wait3A_251 = arith.constant 0 : i32
    %dma_wait3A_252 = arith.constant 0 : i32
    %dma_wait3A_253 = tpu.memref_slice %arg4[%dma_wait3A_251, %dma_wait3A_252] : memref<819200x16xi32, #tpu.memory_space<hbm>> -> memref<128x16xi32, #tpu.memory_space<hbm>>
    %dma_wait3A_254 = arith.constant 0 : i32
    %dma_wait3A_255 = arith.constant 0 : i32
    %dma_wait3A_256 = tpu.memref_slice %arg4[%dma_wait3A_254, %dma_wait3A_255] : memref<819200x16xi32, #tpu.memory_space<hbm>> -> memref<128x16xi32, #tpu.memory_space<hbm>>
    %dma_wait3A_257 = arith.constant 0 : i32
    %dma_wait3A_258 = arith.constant 0 : i32
    %dma_wait3A_259 = tpu.memref_slice %arg6[%dma_wait3A_246, %dma_wait3A_257, %dma_wait3A_258] : memref<20x128x16xi32, #tpu.memory_space<vmem>> -> memref<1x128x16xi32, #tpu.memory_space<vmem>>
    %dma_wait3A_260 = tpu.memref_squeeze %dma_wait3A_259 : memref<1x128x16xi32, #tpu.memory_space<vmem>> -> memref<128x16xi32, #tpu.memory_space<vmem>>
    tpu.wait_dma2 semaphore(%arg8 : memref<!tpu.dma_semaphore, #tpu.memory_space<semaphore_mem>>) src(%dma_wait3A_260 : memref<128x16xi32, #tpu.memory_space<vmem>>) dst(%dma_wait3A_256 : memref<128x16xi32, #tpu.memory_space<hbm>>)
    %dma_wait3A_261 = arith.constant 19 : i32
    %dma_wait3A_262 = arith.constant 0 : i32
    %dma_wait3A_263 = arith.constant 0 : i32
    %dma_wait3A_264 = tpu.memref_slice %arg6[%dma_wait3A_261, %dma_wait3A_262, %dma_wait3A_263] : memref<20x128x16xi32, #tpu.memory_space<vmem>> -> memref<1x128x16xi32, #tpu.memory_space<vmem>>
    %dma_wait3A_265 = tpu.memref_squeeze %dma_wait3A_264 : memref<1x128x16xi32, #tpu.memory_space<vmem>> -> memref<128x16xi32, #tpu.memory_space<vmem>>
    %dma_wait3A_266 = arith.constant 0 : i32
    %dma_wait3A_267 = arith.constant 0 : i32
    %dma_wait3A_268 = tpu.memref_slice %arg4[%dma_wait3A_266, %dma_wait3A_267] : memref<819200x16xi32, #tpu.memory_space<hbm>> -> memref<128x16xi32, #tpu.memory_space<hbm>>
    %dma_wait3A_269 = arith.constant 0 : i32
    %dma_wait3A_270 = arith.constant 0 : i32
    %dma_wait3A_271 = tpu.memref_slice %arg4[%dma_wait3A_269, %dma_wait3A_270] : memref<819200x16xi32, #tpu.memory_space<hbm>> -> memref<128x16xi32, #tpu.memory_space<hbm>>
    %dma_wait3A_272 = arith.constant 0 : i32
    %dma_wait3A_273 = arith.constant 0 : i32
    %dma_wait3A_274 = tpu.memref_slice %arg6[%dma_wait3A_261, %dma_wait3A_272, %dma_wait3A_273] : memref<20x128x16xi32, #tpu.memory_space<vmem>> -> memref<1x128x16xi32, #tpu.memory_space<vmem>>
    %dma_wait3A_275 = tpu.memref_squeeze %dma_wait3A_274 : memref<1x128x16xi32, #tpu.memory_space<vmem>> -> memref<128x16xi32, #tpu.memory_space<vmem>>
    tpu.wait_dma2 semaphore(%arg8 : memref<!tpu.dma_semaphore, #tpu.memory_space<semaphore_mem>>) src(%dma_wait3A_275 : memref<128x16xi32, #tpu.memory_space<vmem>>) dst(%dma_wait3A_271 : memref<128x16xi32, #tpu.memory_space<hbm>>)
    return
  }
}

module attributes {stable_mosaic.version = 14 : i64} {
  func.func @body(%arg0: i32, %arg1: memref<32x2048xf32, #tpu.memory_space<vmem>>, %arg2: memref<32x2048xf32, #tpu.memory_space<vmem>>, %arg3: memref<32x2048xf32, #tpu.memory_space<vmem>>, %arg4: memref<32x2048xf32, #tpu.memory_space<vmem>>, %arg5: memref<32x2048xf32, #tpu.memory_space<vmem>>, %arg6: memref<32x2048xf32, #tpu.memory_space<vmem>>, %arg7: memref<32x2048xf32, #tpu.memory_space<vmem>>, %arg8: memref<32x2048xf32, #tpu.memory_space<vmem>>, %arg9: memref<2048x128xi32, #tpu.memory_space<vmem>>) attributes {dimension_semantics = [#tpu.dimension_semantics<arbitrary>], iteration_bounds = array<i64: 62>, scalar_prefetch = 0 : i64, scratch_operands = 0 : i64, tpu.core_type = #tpu.core_type<tc>, window_params = [{transform_indices = @transform_0, window_bounds = array<i64: 32, 2048>}, {transform_indices = @transform_1, window_bounds = array<i64: 32, 2048>}, {transform_indices = @transform_2, window_bounds = array<i64: 32, 2048>}, {transform_indices = @transform_3, window_bounds = array<i64: 32, 2048>}, {transform_indices = @transform_4, window_bounds = array<i64: 32, 2048>}, {transform_indices = @transform_5, window_bounds = array<i64: 32, 2048>}, {transform_indices = @transform_6, window_bounds = array<i64: 32, 2048>}, {transform_indices = @transform_7, window_bounds = array<i64: 32, 2048>}, {transform_indices = @transform_8, window_bounds = array<i64: 2048, 128>}]} {
    %get3A = arith.constant 0 : index
    %get3A_0 = arith.constant 0 : index
    %get3A_1 = vector.load %arg1[%get3A, %get3A_0] : memref<32x2048xf32, #tpu.memory_space<vmem>>, vector<32x2048xf32>
    %slice3A = vector.extract_strided_slice %get3A_1 {offsets = [0, 0], sizes = [16, 2048], strides = [1, 1]} : vector<32x2048xf32> to vector<16x2048xf32>
    %get3A_2 = arith.constant 0 : index
    %get3A_3 = arith.constant 0 : index
    %get3A_4 = vector.load %arg2[%get3A_2, %get3A_3] : memref<32x2048xf32, #tpu.memory_space<vmem>>, vector<32x2048xf32>
    %slice3A_5 = vector.extract_strided_slice %get3A_4 {offsets = [0, 0], sizes = [16, 2048], strides = [1, 1]} : vector<32x2048xf32> to vector<16x2048xf32>
    %get3A_6 = arith.constant 0 : index
    %get3A_7 = arith.constant 0 : index
    %get3A_8 = vector.load %arg3[%get3A_6, %get3A_7] : memref<32x2048xf32, #tpu.memory_space<vmem>>, vector<32x2048xf32>
    %slice3A_9 = vector.extract_strided_slice %get3A_8 {offsets = [0, 0], sizes = [16, 2048], strides = [1, 1]} : vector<32x2048xf32> to vector<16x2048xf32>
    %get3A_10 = arith.constant 0 : index
    %get3A_11 = arith.constant 0 : index
    %get3A_12 = vector.load %arg4[%get3A_10, %get3A_11] : memref<32x2048xf32, #tpu.memory_space<vmem>>, vector<32x2048xf32>
    %slice3A_13 = vector.extract_strided_slice %get3A_12 {offsets = [0, 0], sizes = [16, 2048], strides = [1, 1]} : vector<32x2048xf32> to vector<16x2048xf32>
    %get3A_14 = arith.constant 0 : index
    %get3A_15 = arith.constant 0 : index
    %get3A_16 = vector.load %arg5[%get3A_14, %get3A_15] : memref<32x2048xf32, #tpu.memory_space<vmem>>, vector<32x2048xf32>
    %slice3A_17 = vector.extract_strided_slice %get3A_16 {offsets = [0, 0], sizes = [16, 2048], strides = [1, 1]} : vector<32x2048xf32> to vector<16x2048xf32>
    %get3A_18 = arith.constant 0 : index
    %get3A_19 = arith.constant 0 : index
    %get3A_20 = vector.load %arg6[%get3A_18, %get3A_19] : memref<32x2048xf32, #tpu.memory_space<vmem>>, vector<32x2048xf32>
    %slice3A_21 = vector.extract_strided_slice %get3A_20 {offsets = [0, 0], sizes = [16, 2048], strides = [1, 1]} : vector<32x2048xf32> to vector<16x2048xf32>
    %get3A_22 = arith.constant 0 : index
    %get3A_23 = arith.constant 0 : index
    %get3A_24 = vector.load %arg7[%get3A_22, %get3A_23] : memref<32x2048xf32, #tpu.memory_space<vmem>>, vector<32x2048xf32>
    %slice3A_25 = vector.extract_strided_slice %get3A_24 {offsets = [0, 0], sizes = [16, 2048], strides = [1, 1]} : vector<32x2048xf32> to vector<16x2048xf32>
    %get3A_26 = arith.constant 0 : index
    %get3A_27 = arith.constant 0 : index
    %get3A_28 = vector.load %arg8[%get3A_26, %get3A_27] : memref<32x2048xf32, #tpu.memory_space<vmem>>, vector<32x2048xf32>
    %slice3A_29 = vector.extract_strided_slice %get3A_28 {offsets = [0, 0], sizes = [16, 2048], strides = [1, 1]} : vector<32x2048xf32> to vector<16x2048xf32>
    %get3A_30 = arith.constant 0 : index
    %get3A_31 = arith.constant 0 : index
    %get3A_32 = vector.load %arg1[%get3A_30, %get3A_31] : memref<32x2048xf32, #tpu.memory_space<vmem>>, vector<32x2048xf32>
    %slice3A_33 = vector.extract_strided_slice %get3A_32 {offsets = [16, 0], sizes = [16, 2048], strides = [1, 1]} : vector<32x2048xf32> to vector<16x2048xf32>
    %get3A_34 = arith.constant 0 : index
    %get3A_35 = arith.constant 0 : index
    %get3A_36 = vector.load %arg2[%get3A_34, %get3A_35] : memref<32x2048xf32, #tpu.memory_space<vmem>>, vector<32x2048xf32>
    %slice3A_37 = vector.extract_strided_slice %get3A_36 {offsets = [16, 0], sizes = [16, 2048], strides = [1, 1]} : vector<32x2048xf32> to vector<16x2048xf32>
    %get3A_38 = arith.constant 0 : index
    %get3A_39 = arith.constant 0 : index
    %get3A_40 = vector.load %arg3[%get3A_38, %get3A_39] : memref<32x2048xf32, #tpu.memory_space<vmem>>, vector<32x2048xf32>
    %slice3A_41 = vector.extract_strided_slice %get3A_40 {offsets = [16, 0], sizes = [16, 2048], strides = [1, 1]} : vector<32x2048xf32> to vector<16x2048xf32>
    %get3A_42 = arith.constant 0 : index
    %get3A_43 = arith.constant 0 : index
    %get3A_44 = vector.load %arg4[%get3A_42, %get3A_43] : memref<32x2048xf32, #tpu.memory_space<vmem>>, vector<32x2048xf32>
    %slice3A_45 = vector.extract_strided_slice %get3A_44 {offsets = [16, 0], sizes = [16, 2048], strides = [1, 1]} : vector<32x2048xf32> to vector<16x2048xf32>
    %get3A_46 = arith.constant 0 : index
    %get3A_47 = arith.constant 0 : index
    %get3A_48 = vector.load %arg5[%get3A_46, %get3A_47] : memref<32x2048xf32, #tpu.memory_space<vmem>>, vector<32x2048xf32>
    %slice3A_49 = vector.extract_strided_slice %get3A_48 {offsets = [16, 0], sizes = [16, 2048], strides = [1, 1]} : vector<32x2048xf32> to vector<16x2048xf32>
    %get3A_50 = arith.constant 0 : index
    %get3A_51 = arith.constant 0 : index
    %get3A_52 = vector.load %arg6[%get3A_50, %get3A_51] : memref<32x2048xf32, #tpu.memory_space<vmem>>, vector<32x2048xf32>
    %slice3A_53 = vector.extract_strided_slice %get3A_52 {offsets = [16, 0], sizes = [16, 2048], strides = [1, 1]} : vector<32x2048xf32> to vector<16x2048xf32>
    %get3A_54 = arith.constant 0 : index
    %get3A_55 = arith.constant 0 : index
    %get3A_56 = vector.load %arg7[%get3A_54, %get3A_55] : memref<32x2048xf32, #tpu.memory_space<vmem>>, vector<32x2048xf32>
    %slice3A_57 = vector.extract_strided_slice %get3A_56 {offsets = [16, 0], sizes = [16, 2048], strides = [1, 1]} : vector<32x2048xf32> to vector<16x2048xf32>
    %get3A_58 = arith.constant 0 : index
    %get3A_59 = arith.constant 0 : index
    %get3A_60 = vector.load %arg8[%get3A_58, %get3A_59] : memref<32x2048xf32, #tpu.memory_space<vmem>>, vector<32x2048xf32>
    %slice3A_61 = vector.extract_strided_slice %get3A_60 {offsets = [16, 0], sizes = [16, 2048], strides = [1, 1]} : vector<32x2048xf32> to vector<16x2048xf32>
    %concatenate3A = tpu.concatenate %slice3A, %slice3A_5, %slice3A_9, %slice3A_13, %slice3A_17, %slice3A_21, %slice3A_25, %slice3A_29, %slice3A_33, %slice3A_37, %slice3A_41, %slice3A_45, %slice3A_49, %slice3A_53, %slice3A_57, %slice3A_61 in 0 : vector<16x2048xf32>, vector<16x2048xf32>, vector<16x2048xf32>, vector<16x2048xf32>, vector<16x2048xf32>, vector<16x2048xf32>, vector<16x2048xf32>, vector<16x2048xf32>, vector<16x2048xf32>, vector<16x2048xf32>, vector<16x2048xf32>, vector<16x2048xf32>, vector<16x2048xf32>, vector<16x2048xf32>, vector<16x2048xf32>, vector<16x2048xf32> -> vector<256x2048xf32>
    %transpose3A = tpu.transpose %concatenate3A, [1, 0] : vector<256x2048xf32> -> vector<2048x256xf32>
    %slice3A_62 = vector.extract_strided_slice %transpose3A {offsets = [0, 0], sizes = [2048, 128], strides = [1, 1]} : vector<2048x256xf32> to vector<2048x128xf32>
    %bitcast_convert_type3A = tpu.bitcast %slice3A_62 : vector<2048x128xf32> -> vector<2048x128xi32>
    %slice3A_63 = vector.extract_strided_slice %transpose3A {offsets = [0, 128], sizes = [2048, 128], strides = [1, 1]} : vector<2048x256xf32> to vector<2048x128xf32>
    %bitcast_convert_type3A_64 = tpu.bitcast %slice3A_63 : vector<2048x128xf32> -> vector<2048x128xi32>
    %add3A = arith.constant 32767 : i32
    %add3A_65 = vector.broadcast %add3A : i32 to vector<2048x128xi32>
    %add3A_66 = arith.addi %bitcast_convert_type3A, %add3A_65 : vector<2048x128xi32>
    %shift_right_arithmetic3A = arith.constant 16 : i32
    %shift_right_arithmetic3A_67 = vector.broadcast %shift_right_arithmetic3A : i32 to vector<2048x128xi32>
    %shift_right_arithmetic3A_68 = arith.shrsi %bitcast_convert_type3A, %shift_right_arithmetic3A_67 : vector<2048x128xi32>
    %and3A = arith.constant 1 : i32
    %and3A_69 = vector.broadcast %and3A : i32 to vector<2048x128xi32>
    %and3A_70 = arith.andi %shift_right_arithmetic3A_68, %and3A_69 : vector<2048x128xi32>
    %add3A_71 = arith.addi %add3A_66, %and3A_70 : vector<2048x128xi32>
    %shift_right_arithmetic3A_72 = arith.constant 16 : i32
    %shift_right_arithmetic3A_73 = vector.broadcast %shift_right_arithmetic3A_72 : i32 to vector<2048x128xi32>
    %shift_right_arithmetic3A_74 = arith.shrsi %add3A_71, %shift_right_arithmetic3A_73 : vector<2048x128xi32>
    %and3A_75 = arith.constant 65535 : i32
    %and3A_76 = vector.broadcast %and3A_75 : i32 to vector<2048x128xi32>
    %and3A_77 = arith.andi %shift_right_arithmetic3A_74, %and3A_76 : vector<2048x128xi32>
    %add3A_78 = arith.constant 32767 : i32
    %add3A_79 = vector.broadcast %add3A_78 : i32 to vector<2048x128xi32>
    %add3A_80 = arith.addi %bitcast_convert_type3A_64, %add3A_79 : vector<2048x128xi32>
    %shift_right_arithmetic3A_81 = arith.constant 16 : i32
    %shift_right_arithmetic3A_82 = vector.broadcast %shift_right_arithmetic3A_81 : i32 to vector<2048x128xi32>
    %shift_right_arithmetic3A_83 = arith.shrsi %bitcast_convert_type3A_64, %shift_right_arithmetic3A_82 : vector<2048x128xi32>
    %and3A_84 = arith.constant 1 : i32
    %and3A_85 = vector.broadcast %and3A_84 : i32 to vector<2048x128xi32>
    %and3A_86 = arith.andi %shift_right_arithmetic3A_83, %and3A_85 : vector<2048x128xi32>
    %add3A_87 = arith.addi %add3A_80, %and3A_86 : vector<2048x128xi32>
    %shift_right_arithmetic3A_88 = arith.constant 16 : i32
    %shift_right_arithmetic3A_89 = vector.broadcast %shift_right_arithmetic3A_88 : i32 to vector<2048x128xi32>
    %shift_right_arithmetic3A_90 = arith.shrsi %add3A_87, %shift_right_arithmetic3A_89 : vector<2048x128xi32>
    %and3A_91 = arith.constant 65535 : i32
    %and3A_92 = vector.broadcast %and3A_91 : i32 to vector<2048x128xi32>
    %and3A_93 = arith.andi %shift_right_arithmetic3A_90, %and3A_92 : vector<2048x128xi32>
    %shift_left3A = arith.constant 16 : i32
    %shift_left3A_94 = vector.broadcast %shift_left3A : i32 to vector<2048x128xi32>
    %shift_left3A_95 = arith.shli %and3A_93, %shift_left3A_94 : vector<2048x128xi32>
    %or3A = arith.ori %and3A_77, %shift_left3A_95 : vector<2048x128xi32>
    %swap3A = arith.constant 0 : index
    %swap3A_96 = arith.constant 0 : index
    %swap3A_97 = vector.load %arg9[%swap3A, %swap3A_96] : memref<2048x128xi32, #tpu.memory_space<vmem>>, vector<2048x128xi32>
    tpu.vector_store %arg9[%swap3A, %swap3A_96], %or3A {strides = array<i32>} : memref<2048x128xi32, #tpu.memory_space<vmem>>, vector<2048x128xi32>,
    return
  }
  func.func @transform_0(%arg0: i32) -> (i32, i32) {
    %mul3A = arith.constant 8 : i32
    %mul3A_0 = arith.muli %arg0, %mul3A : i32
    %add3A = arith.constant 0 : i32
    %add3A_1 = arith.addi %mul3A_0, %add3A : i32
    %min3A = arith.constant 488 : i32
    %min3A_2 = arith.minsi %add3A_1, %min3A : i32
    %c0_i32 = arith.constant 0 : i32
    %c0_i32_3 = arith.constant 0 : i32
    return %c0_i32, %min3A_2 : i32, i32
  }
  func.func @transform_1(%arg0: i32) -> (i32, i32) {
    %mul3A = arith.constant 8 : i32
    %mul3A_0 = arith.muli %arg0, %mul3A : i32
    %add3A = arith.constant 1 : i32
    %add3A_1 = arith.addi %mul3A_0, %add3A : i32
    %min3A = arith.constant 488 : i32
    %min3A_2 = arith.minsi %add3A_1, %min3A : i32
    %c0_i32 = arith.constant 0 : i32
    %c0_i32_3 = arith.constant 0 : i32
    return %c0_i32, %min3A_2 : i32, i32
  }
  func.func @transform_2(%arg0: i32) -> (i32, i32) {
    %mul3A = arith.constant 8 : i32
    %mul3A_0 = arith.muli %arg0, %mul3A : i32
    %add3A = arith.constant 2 : i32
    %add3A_1 = arith.addi %mul3A_0, %add3A : i32
    %min3A = arith.constant 488 : i32
    %min3A_2 = arith.minsi %add3A_1, %min3A : i32
    %c0_i32 = arith.constant 0 : i32
    %c0_i32_3 = arith.constant 0 : i32
    return %c0_i32, %min3A_2 : i32, i32
  }
  func.func @transform_3(%arg0: i32) -> (i32, i32) {
    %mul3A = arith.constant 8 : i32
    %mul3A_0 = arith.muli %arg0, %mul3A : i32
    %add3A = arith.constant 3 : i32
    %add3A_1 = arith.addi %mul3A_0, %add3A : i32
    %min3A = arith.constant 488 : i32
    %min3A_2 = arith.minsi %add3A_1, %min3A : i32
    %c0_i32 = arith.constant 0 : i32
    %c0_i32_3 = arith.constant 0 : i32
    return %c0_i32, %min3A_2 : i32, i32
  }
  func.func @transform_4(%arg0: i32) -> (i32, i32) {
    %mul3A = arith.constant 8 : i32
    %mul3A_0 = arith.muli %arg0, %mul3A : i32
    %add3A = arith.constant 4 : i32
    %add3A_1 = arith.addi %mul3A_0, %add3A : i32
    %min3A = arith.constant 488 : i32
    %min3A_2 = arith.minsi %add3A_1, %min3A : i32
    %c0_i32 = arith.constant 0 : i32
    %c0_i32_3 = arith.constant 0 : i32
    return %c0_i32, %min3A_2 : i32, i32
  }
  func.func @transform_5(%arg0: i32) -> (i32, i32) {
    %mul3A = arith.constant 8 : i32
    %mul3A_0 = arith.muli %arg0, %mul3A : i32
    %add3A = arith.constant 5 : i32
    %add3A_1 = arith.addi %mul3A_0, %add3A : i32
    %min3A = arith.constant 488 : i32
    %min3A_2 = arith.minsi %add3A_1, %min3A : i32
    %c0_i32 = arith.constant 0 : i32
    %c0_i32_3 = arith.constant 0 : i32
    return %c0_i32, %min3A_2 : i32, i32
  }
  func.func @transform_6(%arg0: i32) -> (i32, i32) {
    %mul3A = arith.constant 8 : i32
    %mul3A_0 = arith.muli %arg0, %mul3A : i32
    %add3A = arith.constant 6 : i32
    %add3A_1 = arith.addi %mul3A_0, %add3A : i32
    %min3A = arith.constant 488 : i32
    %min3A_2 = arith.minsi %add3A_1, %min3A : i32
    %c0_i32 = arith.constant 0 : i32
    %c0_i32_3 = arith.constant 0 : i32
    return %c0_i32, %min3A_2 : i32, i32
  }
  func.func @transform_7(%arg0: i32) -> (i32, i32) {
    %mul3A = arith.constant 8 : i32
    %mul3A_0 = arith.muli %arg0, %mul3A : i32
    %add3A = arith.constant 7 : i32
    %add3A_1 = arith.addi %mul3A_0, %add3A : i32
    %min3A = arith.constant 488 : i32
    %min3A_2 = arith.minsi %add3A_1, %min3A : i32
    %c0_i32 = arith.constant 0 : i32
    %c0_i32_3 = arith.constant 0 : i32
    return %c0_i32, %min3A_2 : i32, i32
  }
  func.func @transform_8(%arg0: i32) -> (i32, i32) {
    %c0_i32 = arith.constant 0 : i32
    %c0_i32_0 = arith.constant 0 : i32
    return %arg0, %c0_i32 : i32, i32
  }
}

module attributes {stable_mosaic.version = 14 : i64} {
  func.func @body(%arg0: i32, %arg1: i32, %arg2: memref<2048x128xi32, #tpu.memory_space<vmem>>, %arg3: memref<1x128x10xf32, #tpu.memory_space<vmem>>, %arg4: memref<1x128x10xf32, #tpu.memory_space<vmem>>, %arg5: memref<1x10xf32, #tpu.memory_space<vmem>>, %arg6: memref<2048x10xf32, #tpu.memory_space<vmem>>) attributes {dimension_semantics = [#tpu.dimension_semantics<arbitrary>, #tpu.dimension_semantics<arbitrary>], iteration_bounds = array<i64: 2, 25>, scalar_prefetch = 0 : i64, scratch_operands = 0 : i64, tpu.core_type = #tpu.core_type<tc>, window_params = [{transform_indices = @transform_0, window_bounds = array<i64: 2048, 128>}, {transform_indices = @transform_1, window_bounds = array<i64: 1, 128, 10>}, {transform_indices = @transform_2, window_bounds = array<i64: 1, 128, 10>}, {pipeline_mode = #tpu.pipeline_mode<synchronous>, transform_indices = @transform_3, window_bounds = array<i64: 1, 10>}, {transform_indices = @transform_4, window_bounds = array<i64: 2048, 10>}]} {
    %get3A = arith.constant 0 : index
    %get3A_0 = arith.constant 0 : index
    %get3A_1 = vector.load %arg2[%get3A, %get3A_0] : memref<2048x128xi32, #tpu.memory_space<vmem>>, vector<2048x128xi32>
    %shift_left3A = arith.constant 16 : i32
    %shift_left3A_2 = vector.broadcast %shift_left3A : i32 to vector<2048x128xi32>
    %shift_left3A_3 = arith.shli %get3A_1, %shift_left3A_2 : vector<2048x128xi32>
    %bitcast_convert_type3A = tpu.bitcast %shift_left3A_3 : vector<2048x128xi32> -> vector<2048x128xf32>
    %and3A = arith.constant -65536 : i32
    %and3A_4 = vector.broadcast %and3A : i32 to vector<2048x128xi32>
    %and3A_5 = arith.andi %get3A_1, %and3A_4 : vector<2048x128xi32>
    %bitcast_convert_type3A_6 = tpu.bitcast %and3A_5 : vector<2048x128xi32> -> vector<2048x128xf32>
    %integer_pow3A = arith.mulf %bitcast_convert_type3A, %bitcast_convert_type3A : vector<2048x128xf32>
    %integer_pow3A_7 = arith.mulf %bitcast_convert_type3A, %integer_pow3A : vector<2048x128xf32>
    %mul3A = arith.constant 4.471500e-02 : f32
    %mul3A_8 = vector.broadcast %mul3A : f32 to vector<2048x128xf32>
    %mul3A_9 = arith.mulf %mul3A_8, %integer_pow3A_7 : vector<2048x128xf32>
    %add3A = arith.addf %bitcast_convert_type3A, %mul3A_9 : vector<2048x128xf32>
    %mul3A_10 = arith.constant 0.797884583 : f32
    %mul3A_11 = vector.broadcast %mul3A_10 : f32 to vector<2048x128xf32>
    %mul3A_12 = arith.mulf %mul3A_11, %add3A : vector<2048x128xf32>
    %tanh3A = math.tanh %mul3A_12 : vector<2048x128xf32>
    %add3A_13 = arith.constant 1.000000e+00 : f32
    %add3A_14 = vector.broadcast %add3A_13 : f32 to vector<2048x128xf32>
    %add3A_15 = arith.addf %add3A_14, %tanh3A : vector<2048x128xf32>
    %mul3A_16 = arith.constant 5.000000e-01 : f32
    %mul3A_17 = vector.broadcast %mul3A_16 : f32 to vector<2048x128xf32>
    %mul3A_18 = arith.mulf %mul3A_17, %add3A_15 : vector<2048x128xf32>
    %mul3A_19 = arith.mulf %bitcast_convert_type3A, %mul3A_18 : vector<2048x128xf32>
    %get3A_20 = arith.constant 0 : index
    %get3A_21 = arith.constant 0 : index
    %get3A_22 = arith.constant 0 : index
    %get3A_23 = vector.load %arg3[%get3A_20, %get3A_21, %get3A_22] : memref<1x128x10xf32, #tpu.memory_space<vmem>>, vector<1x128x10xf32>
    %get3A_24 = vector.shape_cast %get3A_23 : vector<1x128x10xf32> to vector<128x10xf32>
    %dot_general3A = arith.constant dense<0.000000e+00> : vector<2048x10xf32>
    %dot_general3A_25 = tpu.matmul %mul3A_19, %get3A_24, %dot_general3A {dimension_numbers = #tpu.dot_dimension_numbers<[1], [0], [0], [1], [0, 0, 1, 1], [], []>, transpose_lhs_hint = false} : vector<2048x128xf32>, vector<128x10xf32>, vector<2048x10xf32> -> vector<2048x10xf32>
    %integer_pow3A_26 = arith.mulf %bitcast_convert_type3A_6, %bitcast_convert_type3A_6 : vector<2048x128xf32>
    %integer_pow3A_27 = arith.mulf %bitcast_convert_type3A_6, %integer_pow3A_26 : vector<2048x128xf32>
    %mul3A_28 = arith.constant 4.471500e-02 : f32
    %mul3A_29 = vector.broadcast %mul3A_28 : f32 to vector<2048x128xf32>
    %mul3A_30 = arith.mulf %mul3A_29, %integer_pow3A_27 : vector<2048x128xf32>
    %add3A_31 = arith.addf %bitcast_convert_type3A_6, %mul3A_30 : vector<2048x128xf32>
    %mul3A_32 = arith.constant 0.797884583 : f32
    %mul3A_33 = vector.broadcast %mul3A_32 : f32 to vector<2048x128xf32>
    %mul3A_34 = arith.mulf %mul3A_33, %add3A_31 : vector<2048x128xf32>
    %tanh3A_35 = math.tanh %mul3A_34 : vector<2048x128xf32>
    %add3A_36 = arith.constant 1.000000e+00 : f32
    %add3A_37 = vector.broadcast %add3A_36 : f32 to vector<2048x128xf32>
    %add3A_38 = arith.addf %add3A_37, %tanh3A_35 : vector<2048x128xf32>
    %mul3A_39 = arith.constant 5.000000e-01 : f32
    %mul3A_40 = vector.broadcast %mul3A_39 : f32 to vector<2048x128xf32>
    %mul3A_41 = arith.mulf %mul3A_40, %add3A_38 : vector<2048x128xf32>
    %mul3A_42 = arith.mulf %bitcast_convert_type3A_6, %mul3A_41 : vector<2048x128xf32>
    %get3A_43 = arith.constant 0 : index
    %get3A_44 = arith.constant 0 : index
    %get3A_45 = arith.constant 0 : index
    %get3A_46 = vector.load %arg4[%get3A_43, %get3A_44, %get3A_45] : memref<1x128x10xf32, #tpu.memory_space<vmem>>, vector<1x128x10xf32>
    %get3A_47 = vector.shape_cast %get3A_46 : vector<1x128x10xf32> to vector<128x10xf32>
    %dot_general3A_48 = arith.constant dense<0.000000e+00> : vector<2048x10xf32>
    %dot_general3A_49 = tpu.matmul %mul3A_42, %get3A_47, %dot_general3A_48 {dimension_numbers = #tpu.dot_dimension_numbers<[1], [0], [0], [1], [0, 0, 1, 1], [], []>, transpose_lhs_hint = false} : vector<2048x128xf32>, vector<128x10xf32>, vector<2048x10xf32> -> vector<2048x10xf32>
    %add3A_50 = arith.addf %dot_general3A_25, %dot_general3A_49 : vector<2048x10xf32>
    %eq3A = arith.constant 0 : i32
    %eq3A_51 = arith.cmpi eq, %arg1, %eq3A : i32
    %convert_element_type3A = arith.extui %eq3A_51 : i1 to i32
    %cond3A = arith.constant 0 : i32
    %cond3A_52 = arith.cmpi ne, %convert_element_type3A, %cond3A : i32
    scf.if %cond3A_52 {
      %get3A_57 = arith.constant 0 : index
      %get3A_58 = arith.constant 0 : index
      %get3A_59 = vector.load %arg5[%get3A_57, %get3A_58] : memref<1x10xf32, #tpu.memory_space<vmem>>, vector<1x10xf32>
      %add3A_60 = vector.broadcast %get3A_59 : vector<1x10xf32> to vector<2048x10xf32>
      %add3A_61 = arith.addf %add3A_50, %add3A_60 : vector<2048x10xf32>
      %swap3A = arith.constant 0 : index
      %swap3A_62 = arith.constant 0 : index
      %swap3A_63 = vector.load %arg6[%swap3A, %swap3A_62] : memref<2048x10xf32, #tpu.memory_space<vmem>>, vector<2048x10xf32>
      tpu.vector_store %arg6[%swap3A, %swap3A_62], %add3A_61 {strides = array<i32>} : memref<2048x10xf32, #tpu.memory_space<vmem>>, vector<2048x10xf32>,
    } else {
    }
    %gt3A = arith.constant 0 : i32
    %gt3A_53 = arith.cmpi sgt, %arg1, %gt3A : i32
    %convert_element_type3A_54 = arith.extui %gt3A_53 : i1 to i32
    %cond3A_55 = arith.constant 0 : i32
    %cond3A_56 = arith.cmpi ne, %convert_element_type3A_54, %cond3A_55 : i32
    scf.if %cond3A_56 {
      %get3A_57 = arith.constant 0 : index
      %get3A_58 = arith.constant 0 : index
      %get3A_59 = vector.load %arg6[%get3A_57, %get3A_58] : memref<2048x10xf32, #tpu.memory_space<vmem>>, vector<2048x10xf32>
      %add3A_60 = arith.addf %get3A_59, %add3A_50 : vector<2048x10xf32>
      %swap3A = arith.constant 0 : index
      %swap3A_61 = arith.constant 0 : index
      %swap3A_62 = vector.load %arg6[%swap3A, %swap3A_61] : memref<2048x10xf32, #tpu.memory_space<vmem>>, vector<2048x10xf32>
      tpu.vector_store %arg6[%swap3A, %swap3A_61], %add3A_60 {strides = array<i32>} : memref<2048x10xf32, #tpu.memory_space<vmem>>, vector<2048x10xf32>,
    } else {
    }
    return
  }
  func.func @transform_0(%arg0: i32, %arg1: i32) -> (i32, i32) {
    %mul3A = arith.constant 2 : i32
    %mul3A_0 = arith.muli %arg1, %mul3A : i32
    %add3A = arith.addi %mul3A_0, %arg0 : i32
    %c0_i32 = arith.constant 0 : i32
    %c0_i32_1 = arith.constant 0 : i32
    return %add3A, %c0_i32 : i32, i32
  }
  func.func @transform_1(%arg0: i32, %arg1: i32) -> (i32, i32, i32) {
    %c0_i32 = arith.constant 0 : i32
    %c0_i32_0 = arith.constant 0 : i32
    %c0_i32_1 = arith.constant 0 : i32
    return %arg1, %c0_i32, %c0_i32_0 : i32, i32, i32
  }
  func.func @transform_2(%arg0: i32, %arg1: i32) -> (i32, i32, i32) {
    %c0_i32 = arith.constant 0 : i32
    %c0_i32_0 = arith.constant 0 : i32
    %c0_i32_1 = arith.constant 0 : i32
    return %arg1, %c0_i32, %c0_i32_0 : i32, i32, i32
  }
  func.func @transform_3(%arg0: i32, %arg1: i32) -> (i32, i32) {
    %c0_i32 = arith.constant 0 : i32
    %c0_i32_0 = arith.constant 0 : i32
    %c0_i32_1 = arith.constant 0 : i32
    return %c0_i32, %c0_i32_0 : i32, i32
  }
  func.func @transform_4(%arg0: i32, %arg1: i32) -> (i32, i32) {
    %c0_i32 = arith.constant 0 : i32
    %c0_i32_0 = arith.constant 0 : i32
    return %arg0, %c0_i32 : i32, i32
  }
}

</mosaic_0001>

<sc_bundles>
// kernel: kernel.5.cloned.1.call-start
scs
__scs_entry_jumppad:
0x0: {  	(pc) =	sbr.rel $0x88, $3  }
0x1: {  	(tag) =	ssettag $0x0;
	lr =	simm.s32 $0x1  }
0x2: {  	[smem:$0x3F9D] =	sst lr;
	_ =	strace $0xD0000000  }
0x3: {  	_ = 	snop  }
0x4: {  	_ = 	snop  }
0x5: {  	_ = 	snop  }
0x6: {  	_ = 	snop  }
0x7: {  	_ = 	snop  }
__scs_overlays_trampoline_lowered:
0x8: {  	[smem:$0x3FAC] =	sst s0  }
0x9: {  	[smem:$0x3FAD] =	sst s1  }
0xa: {  	[smem:$0x3FAE] =	sst s2  }
0xb: {  	[smem:$0x3FAF] =	sst s3  }
0xc: {  	[smem:$0x3FB0] =	sst s4  }
0xd: {  	[smem:$0x3FB1] =	sst s5  }
0xe: {  	[smem:$0x3FB2] =	sst s6  }
0xf: {  	[smem:$0x3FB3] =	sst s7  }
0x10: {  	[smem:$0x3FB4] =	sst s8  }
0x11: {  	[smem:$0x3FB5] =	sst s9;
	s0 =	simm.s32 @!p0 $0x0  }
0x12: {  	s1 =	sld [smem:$0x3F9B];
	s0 =	simm.s32 @p0 $0x1  }
0x13: {  	[smem:$0x3FB6] =	sst s0;
	s0 =	simm.s32 @!p1 $0x0  }
0x14: {  	s2 =	sld [smem:$0x3F9A];
	s0 =	simm.s32 @p1 $0x1  }
0x15: {  	[smem:$0x3FB7] =	sst s0;
	s0 =	simm.s32 @!p2 $0x0  }
0x16: {  	s3 =	sld [smem:$0x3FDB];
	s0 =	simm.s32 @p2 $0x1  }
0x17: {  	s4 =	simm.s32 $0x1BF5;
	[smem:$0x3FB9] =	sst s0  }
0x18: {  	s0 =	sld [smem:$0x3F9C];
	_ =	swait.ge [sflag:s4], $0x0  }
0x19: {  	s7 =	sld [smem:$0x3F9D]  }
0x1a: {  	s8 =	sadd.s32 $0xFFFFE003, lr  }
0x1b: {  	s9 =	sadd.s32 $0xFFFFFEF7, lr;
	s5 =	simm.s32 $0xFFFFFFFF;
	p2 =	slt.u32 s8, $0xFFFFF086  }
0x1c: {  	p1 =	slt.u32 s9, $0xF7A;
	s5 =	simm.s32 @!p2 $0x0  }
0x1d: {  	s5 =	simm.s32 @p1 $0x1;
	p0 =	seq.s32 s7, s2  }
0x1e: {  	s7 =	smul.u32 @!p0 $0xF7A, s2;
	p2 =	seq.s32 @!p0 s5, $0x0  }
0x1f: {  	s9 =	smul.u32 $0xF7A, s1;
	s8 =	simm.s32 @!p0 $0x1BF5;
	p2 =	por !p2, p0  }
0x20: {  	[sflag:s8] =	ssyncset.s32 @!p0 $0xFFFFF086;
	s6 =	sadd.s32 @!p0 s3, s7;
	s7 =	simm.s32 @!p0 $0x108  }
0x21: {  	s3 =	sadd.s32 s3, s9;
	s6 =	sadd.s32 @!p0 $0x88, s6;
	s7 =	simm.s32 @p2 $0x1082  }
0x22: {  	[simem:s7], [sflag:s8] =	dma.local @!p0 [hbm:s6], $0xF7A  }
0x23: {  	s9 =	sor.u32 $0xD0000000, s2;
	s6 =	simm.s32 $0x108;
	_ =	swait.ge @!p0 [sflag:s8], $0x0  }
0x24: {  	s3 =	sadd.s32 $0x88, s3;
	s6 =	simm.s32 @!p1 $0x1082;
	[sflag:s4] =	ssyncset.s32 $0xFFFFF086  }
0x25: {  	[simem:s6], [sflag:s4] =	dma.local [hbm:s3], $0xF7A  }
0x26: {  	[smem:$0x3F9D] =	sst s1;
	(tag) =	ssettag s2;
	_ =	strace s9  }
0x27: {  	s1 =	sld [smem:$0x3FAD]  }
0x28: {  	s2 =	sld [smem:$0x3FAE]  }
0x29: {  	s4 =	sld [smem:$0x3FB0]  }
0x2a: {  	p0 =	seq.s32 s5, $0x0;
	s5 =	sld [smem:$0x3FB1]  }
0x2b: {  	s6 =	sld [smem:$0x3FB2]  }
0x2c: {  	s7 =	sld [smem:$0x3FB3]  }
0x2d: {  	s3 =	simm.s32 $0x108;
	s8 =	sld [smem:$0x3FB4]  }
0x2e: {  	s3 =	simm.s32 @!p0 $0x1082;
	s9 =	sld [smem:$0x3FB5]  }
0x2f: {  	lr =	sadd.s32 s0, s3;
	s0 =	sld [smem:$0x3FAC]  }
0x30: {  	s3 =	sld [smem:$0x3FAF]  }
0x31: {  	[smem:$0x3FB8] =	sst s10  }
0x32: {  	s10 =	sld [smem:$0x3FB6];
	_ =	sdelay $0x3  }
0x33: {  	p0 =	seq.s32 s10, $0x1;
	s10 =	sld [smem:$0x3FB8];
	_ =	sdelay $0x3  }
0x34: {  	[smem:$0x3FB8] =	sst s10  }
0x35: {  	s10 =	sld [smem:$0x3FB7];
	_ =	sdelay $0x3  }
0x36: {  	p1 =	seq.s32 s10, $0x1;
	s10 =	sld [smem:$0x3FB8];
	_ =	sdelay $0x3  }
0x37: {  	[smem:$0x3FB8] =	sst s10  }
0x38: {  	s10 =	sld [smem:$0x3FB9]  }
0x39: {  	_ = 	snop;
	(pc) =	sbr.ind lr, $3  }
0x3a: {  	_ = 	snop  }
0x3b: {  	_ = 	snop  }
0x3c: {  	p2 =	seq.s32 s10, $0x1;
	s10 =	sld [smem:$0x3FB8]  }
0x3d: {  	_ =	shalt  }
0x3e: {  	_ =	shalt  }
0x3f: {  	_ =	shalt  }
0x40: {  	_ =	shalt  }
0x41: {  	_ =	shalt  }
0x42: {  	_ =	shalt  }
0x43: {  	_ =	shalt  }
0x44: {  	_ =	shalt  }
0x45: {  	_ =	shalt  }
0x46: {  	_ =	shalt  }
0x47: {  	_ =	shalt  }
0x48: {  	_ =	shalt  }
0x49: {  	_ =	shalt  }
0x4a: {  	_ =	shalt  }
0x4b: {  	_ =	shalt  }
0x4c: {  	_ =	shalt  }
0x4d: {  	_ =	shalt  }
0x4e: {  	_ =	shalt  }
0x4f: {  	_ =	shalt  }
0x50: {  	_ =	shalt  }
0x51: {  	_ =	shalt  }
0x52: {  	_ =	shalt  }
0x53: {  	_ =	shalt  }
0x54: {  	_ =	shalt  }
0x55: {  	_ =	shalt  }
0x56: {  	_ =	shalt  }
0x57: {  	_ =	shalt  }
0x58: {  	_ =	shalt  }
0x59: {  	_ =	shalt  }
0x5a: {  	_ =	shalt  }
0x5b: {  	_ =	shalt  }
0x5c: {  	_ =	shalt  }
0x5d: {  	_ =	shalt  }
0x5e: {  	_ =	shalt  }
0x5f: {  	_ =	shalt  }
0x60: {  	_ =	shalt  }
0x61: {  	_ =	shalt  }
0x62: {  	_ =	shalt  }
0x63: {  	_ =	shalt  }
0x64: {  	_ =	shalt  }
0x65: {  	_ =	shalt  }
0x66: {  	_ =	shalt  }
0x67: {  	_ =	shalt  }
0x68: {  	_ =	shalt  }
0x69: {  	_ =	shalt  }
0x6a: {  	_ =	shalt  }
0x6b: {  	_ =	shalt  }
0x6c: {  	_ =	shalt  }
0x6d: {  	_ =	shalt  }
0x6e: {  	_ =	shalt  }
0x6f: {  	_ =	shalt  }
0x70: {  	_ =	shalt  }
0x71: {  	_ =	shalt  }
0x72: {  	_ =	shalt  }
0x73: {  	_ =	shalt  }
0x74: {  	_ =	shalt  }
0x75: {  	_ =	shalt  }
0x76: {  	_ =	shalt  }
0x77: {  	_ =	shalt  }
0x78: {  	_ =	shalt  }
0x79: {  	_ =	shalt  }
0x7a: {  	_ =	shalt  }
0x7b: {  	_ =	shalt  }
0x7c: {  	_ =	shalt  }
0x7d: {  	_ =	shalt  }
0x7e: {  	_ =	shalt  }
0x7f: {  	_ =	shalt  }
0x80: {  	_ =	shalt  }
0x81: {  	_ =	shalt  }
0x82: {  	_ =	shalt  }
0x83: {  	_ =	shalt  }
0x84: {  	_ =	shalt  }
0x85: {  	_ =	shalt  }
0x86: {  	_ =	shalt  }
0x87: {  	_ =	shalt  }
.Lfunc_end0:
.L_simem_size_0:
called_computation_lowered:
.L_overlay_start_0:
0x88: {  	s2 =	sld [smem:$0x3FD9]  }
0x89: {  	s3 =	sld [smem:$0x3FFE];
	_ =	sdelay $0x1  }
0x8a: {  	s1 =	srdreg.scid  }
0x8b: {  	s0 =	sand.u32 $0x1, s1  }
0x8c: {  	s16 =	sshll.u32 s0, $0xA;
	s2 =	sadd.s32 s3, s2  }
0x8d: {  	s2 =	sadd.s32 s2, s16  }
0x8e: {  	[smem:$0x3FC4] =	sst s2  }
0x8f: {  	_ = 	snop  }
0x90: {  	(tm) =	ssettm $0x1  }
0x91: {  	s17 =	sld [smem:$0x3FFB];
	_ =	sdelay $0x3  }
0x92: {  	_ =	strace s17  }
0x93: {  	s2 =	sld [smem:$0x3FFC];
	_ =	sdelay $0x3  }
0x94: {  	_ =	strace s2  }
0x95: {  	s2 =	sld [smem:$0x3FFD];
	_ =	sdelay $0x3  }
0x96: {  	_ =	strace s2  }
0x97: {  	_ =	strace $0x8FFFFFFF  }
0x98: {  	s18 =	sld [smem:$0x3FDB];
	_ =	sdelay $0x1  }
0x99: {  	s19 =	simm.s32 $_scs_section_size  }
0x9a: {  	s4 =	simm.s32 $_size__tile_overlayer_lowered;
	s5 =	simm.s32 $_tile_overlayer_lowered  }
0x9b: {  	s22 =	simm.s32 $0x1BFF;
	s21 =	sshll.u32 s5, $0x1;
	s2 =	sadd.s32 s19, s18  }
0x9c: {  	s6 =	simm.s32 $0x0;
	s20 =	sshll.u32 s4, $0x1;
	s4 =	sadd.s32 s21, s2  }
0x9d: {  	[timem:s6], [sflag:s22] =	dma.local [hbm:s4], s20  }
0x9e: {  	_ =	swait.ge [sflag:s22], s20  }
0x9f: {  	s3 =	ssub.s32 $0x0, s20;
	[sflag:s22] =	ssyncset.done $0x0  }
0xa0: {  	[sflag:s22] =	ssyncadd.s32 s3;
	_ =	sdelay $0x1  }
0xa1: {  	s23 =	simm.s32 $0x1B8B  }
0xa2: {  	_ =	swait.ge [sflag:s23], $0x1  }
0xa3: {  	[sflag:s23] =	ssyncset.done $0x0  }
0xa4: {  	s25 =	simm.s32 $0x1B8E;
	s24 =	sld [smem:$0x3FFE];
	[sflag:s23] =	ssyncadd.s32 $0xFFFFFFFF  }
0xa5: {  	s26 =	simm.s32 $execute0_lowered;
	[smem:$0x3FD2] =	sst s25  }
0xa6: {  	s4 =	sshll.u32 s26, $0x1;
	_ =	strace $0x80000046;
	[dreg:$0x1] =	wrdreg $0xFFFFFFFF  }
0xa7: {  	s28 =	simm.s32 $_size_execute0_lowered;
	s2 =	sadd.s32 s2, s4;
	[dreg:$0x0] =	wrdreg $0x0  }
0xa8: {  	s4 =	sshll.u32 s28, $0x1;
	[dreg:$0x2] =	wrdreg s2  }
0xa9: {  	[dreg:$0x3] =	wrdreg s4  }
0xaa: {  	[dreg:$0x4] =	wrdreg $0xC0  }
0xab: {  	_ =	task [dreg:s6], $0x5FFFF  }
0xac: {  	[dreg:$0x1] =	wrdreg $0xFFFFFFFF  }
0xad: {  	[dreg:$0x0] =	wrdreg $0x60  }
0xae: {  	[dreg:$0x2] =	wrdreg s24  }
0xaf: {  	[dreg:$0x3] =	wrdreg $0x9  }
0xb0: {  	_ =	task.clear_ibuf [dreg:s6], $0x4FFFF;
	_ =	strace $0x90000046  }
0xb1: {  	s29 =	simm.s32 $0x9;
	_ =	strace $0x80000048  }
0xb2: {  	_ =	swait.ge [sflag:s29], $0x1  }
0xb3: {  	[sflag:s29] =	ssyncadd.s32 $0xFFFFFFFF  }
0xb4: {  	_ =	strace $0x90000048  }
0xb5: {  	_ =	sfence  }
0xb6: {  	s30 =	sld [smem:$0x0];
	_ =	sdelay $0x2  }
0xb7: {  	s31 =	sshll.u32 s1, $0xD;
	s1 =	sshrl.u32 s1, $0x2  }
0xb8: {  	s3 =	sand.u32 $0x4000, s31;
	s1 =	sadd.s32 s1, s30  }
0xb9: {  	s0 =	sor.u32 s3, s0;
	s1 =	sshll.u32 s1, $0x11  }
0xba: {  	s0 =	sor.u32 s1, s0  }
0xbb: {  	s0 =	sadd.s32 $0x8F2B, s0  }
0xbc: {  	[sflag:s0] =	ssyncadd.remote.s32 $0x1  }
0xbd: {  	_ =	sfence.sel $0xFFFF  }
0xbe: {  	[dreg:$0x0] =	wrdreg $0xFFFFFFFF;
	(pc) =	sbr.abs _section_cstart, $3  }
0xbf: {  	[dreg:$0x1] =	wrdreg $0xFFFFFFFF  }
0xc0: {  	_ =	task.clear_ibuf [dreg:s6], $0x2FFFF;
	_ =	strace $0x9FFFFFFF  }
0xc1: {  	(tm) =	ssettm $0x7FFFFFFF  }
tec
execute0_lowered:
.L_overlay_start_1:
0x0: {  	(tag) =	ssettag $0x1  }
0x1: {  	s7 =	stileid.u32  }
0x2: {  	s0 =	srdreg.scid;
	s1 =	smul.u32 $0xC800, s7  }
0x3: {  	s0 =	sand.u32 $0x1, s0;
	s26 =	smul.u32 $0x19000, s7  }
0x4: {  	s3 =	smul.u32 $0x6400, s0  }
0x5: {  	s5 =	smul.u32 $0xC800, s0  }
0x6: {  	s4 =	rddreg [dreg:$0x0];
	s2 =	simm.s32 $0x0;
	s1 =	sadd.s32 s3, s1  }
0x7: {  	[smem:$0x7FF] =	sst s2;
	s3 =	sadd.s32 s5, s26;
	s1 =	sshll.u32 s1, $0x1  }
0x8: {  	_ =	strace $0x80000047;
	[dreg:$0x3] =	wrdreg s3;
	s6 =	sadd.s32 $0x900, s1  }
0x9: {  	s8 =	sor.u32 $0x700, s1;
	[dreg:$0x2] =	wrdreg s6  }
0xa: {  	s9 =	sor.u32 $0x600, s1;
	[dreg:$0x4] =	wrdreg s8  }
0xb: {  	s10 =	sor.u32 $0x500, s1;
	[dreg:$0x5] =	wrdreg s9  }
0xc: {  	s28 =	simm.s32 $0x1;
	s11 =	sor.u32 $0x400, s1;
	[dreg:$0x6] =	wrdreg s10  }
0xd: {  	s29 =	simm.s32 $0xB400;
	s12 =	sor.u32 $0x300, s1;
	[dreg:$0x7] =	wrdreg s11  }
0xe: {  	s30 =	simm.s32 $0xBC00;
	s14 =	sor.u32 $0x200, s1;
	[dreg:$0x8] =	wrdreg s12  }
0xf: {  	s31 =	simm.s32 $0xC400;
	s15 =	sor.u32 $0x100, s1;
	[dreg:$0x9] =	wrdreg s14  }
0x10: {  	s13 =	sshll.u32 s7, $0x1;
	s16 =	sadd.s32 $0xA00, s1;
	[dreg:$0xa] =	wrdreg s15  }
0x11: {  	s5 =	sor.u32 s0, s13;
	s17 =	sadd.s32 $0x1300, s1;
	[dreg:$0xb] =	wrdreg s16  }
0x12: {  	s0 =	ssub.s32 $0x2, s0;
	s18 =	sadd.s32 $0x1200, s1;
	[dreg:$0xc] =	wrdreg s17  }
0x13: {  	s13 =	simm.s32 $0xE400;
	s20 =	sadd.s32 $0x1100, s1;
	[dreg:$0xd] =	wrdreg s18  }
0x14: {  	s5 =	smul.u32 $0x6400, s5;
	s21 =	sadd.s32 $0xF00, s1;
	[dreg:$0xe] =	wrdreg s20  }
0x15: {  	s3 =	sadd.s32 $0x1A9A00, s4;
	s22 =	sadd.s32 $0xE00, s1;
	[dreg:$0xf] =	wrdreg s21  }
0x16: {  	s24 =	sshrl.u32 s0, $0x1;
	s23 =	sadd.s32 $0xD00, s1;
	[dreg:$0x10] =	wrdreg s22  }
0x17: {  	s25 =	sadd.s32 $0xC00, s1;
	s0 =	ssub.s32 s0, s24;
	[dreg:$0x11] =	wrdreg s23  }
0x18: {  	s1 =	sadd.s32 $0xB00, s1;
	s24 =	simm.s32 $0xA400;
	[dreg:$0x12] =	wrdreg s25  }
0x19: {  	s5 =	sshrl.u32 s5, $0x3;
	s0 =	smax.u32 s0, $0x1;
	[dreg:$0x13] =	wrdreg s1  }
0x1a: {  	s8 =	simm.s32 $0x80;
	s9 =	simm.s32 $0x6400;
	s10 =	simm.s32 $0x6C00  }
0x1b: {  	s12 =	simm.s32 $0x7400;
	s14 =	simm.s32 $0x7C00;
	s16 =	simm.s32 $0x8400  }
0x1c: {  	s18 =	simm.s32 $0x8C00;
	s20 =	simm.s32 $0x9400;
	s22 =	simm.s32 $0x9C00  }
0x1d: {  	s1 =	simm.s32 $0xCC00;
	s11 =	simm.s32 $0xDC00;
	s15 =	simm.s32 $0xEC00  }
0x1e: {  	s17 =	simm.s32 $0xF400;
	s21 =	simm.s32 $0x2;
	s19 =	sadd.s32 s5, s4  }
0x1f: {  	s4 =	sadd.s32 $0xA00, s4;
	[dreg:$0x16] =	wrdreg s0;
	s0 =	simm.s32 $0xD400  }
0x20: {  	s5 =	simm.s32 $0x0;
	[dreg:$0x14] =	wrdreg s4;
	s26 =	sadd.s32 $0x190A00, s19  }
0x21: {  	s19 =	simm.s32 $0xFC00;
	[dreg:$0x15] =	wrdreg s26;
	s26 =	simm.s32 $0xAC00  }
.LBB2_1:
0x22: {  	[dreg:$0x17] =	wrdreg s5  }
0x23: {  	s4 =	rddreg [dreg:$0x15];
	s23 =	simm.s32 $0x3  }
0x24: {  	[tilespmem:s2], [sflag:$0x3] =	stream.linear.gather [hbm4b:s4+s2], $0x6400, $0x38;
	[tilespmem:$0x10400] =	vst v63  }
0x25: {  	_ =	swait.ge [sflag:s23], $0x6400  }
0x26: {  	[sflag:s23] =	ssyncset.done $0x0  }
0x27: {  	[sflag:s23] =	ssyncadd.s32 $0xFFFF9C00  }
0x28: {  	[tilespmem:s9], [sflag:$0x1] =	stream.indirect.gather [hbm4b:s3+s8], $0x10, s2, s8, $0xb8;
	[tilespmem:$0x10400] =	vst v63  }
0x29: {  	_ = 	snop  }
0x2a: {  	[tilespmem:s10], [sflag:$0x1] =	stream.indirect.gather [hbm4b:s3+s8], $0x10, s8, s8, $0xb8;
	[tilespmem:$0x10400] =	vst v63  }
0x2b: {  	s25 =	simm.s32 $0x100  }
0x2c: {  	[tilespmem:s12], [sflag:$0x1] =	stream.indirect.gather [hbm4b:s3+s8], $0x10, s25, s8, $0xb8;
	[tilespmem:$0x10400] =	vst v63  }
0x2d: {  	s5 =	simm.s32 $0x180  }
0x2e: {  	[tilespmem:s14], [sflag:$0x1] =	stream.indirect.gather [hbm4b:s3+s8], $0x10, s5, s8, $0xb8;
	[tilespmem:$0x10400] =	vst v63  }
0x2f: {  	s6 =	simm.s32 $0x200  }
0x30: {  	[tilespmem:s16], [sflag:$0x1] =	stream.indirect.gather [hbm4b:s3+s8], $0x10, s6, s8, $0xb8;
	[tilespmem:$0x10400] =	vst v63  }
0x31: {  	s7 =	simm.s32 $0x280  }
0x32: {  	[tilespmem:s18], [sflag:$0x1] =	stream.indirect.gather [hbm4b:s3+s8], $0x10, s7, s8, $0xb8;
	[tilespmem:$0x10400] =	vst v63  }
0x33: {  	s23 =	simm.s32 $0x300  }
0x34: {  	[tilespmem:s20], [sflag:$0x1] =	stream.indirect.gather [hbm4b:s3+s8], $0x10, s23, s8, $0xb8;
	[tilespmem:$0x10400] =	vst v63  }
0x35: {  	s25 =	simm.s32 $0x380  }
0x36: {  	[tilespmem:s22], [sflag:$0x1] =	stream.indirect.gather [hbm4b:s3+s8], $0x10, s25, s8, $0xb8;
	[tilespmem:$0x10400] =	vst v63  }
0x37: {  	s5 =	simm.s32 $0x400  }
0x38: {  	[tilespmem:s24], [sflag:$0x1] =	stream.indirect.gather [hbm4b:s3+s8], $0x10, s5, s8, $0xb8;
	[tilespmem:$0x10400] =	vst v63  }
0x39: {  	s6 =	simm.s32 $0x480  }
0x3a: {  	[tilespmem:s26], [sflag:$0x1] =	stream.indirect.gather [hbm4b:s3+s8], $0x10, s6, s8, $0xb8;
	[tilespmem:$0x10400] =	vst v63  }
0x3b: {  	_ =	swait.ge [sflag:s28], $0x800  }
0x3c: {  	[sflag:s28] =	ssyncset.done $0x0  }
0x3d: {  	[sflag:s28] =	ssyncadd.s32 $0xFFFFF800  }
0x3e: {  	_ =	swait.ge [sflag:s28], $0x800  }
0x3f: {  	[sflag:s28] =	ssyncset.done $0x0  }
0x40: {  	[sflag:s28] =	ssyncadd.s32 $0xFFFFF800  }
0x41: {  	_ =	swait.ge [sflag:s28], $0x800  }
0x42: {  	[sflag:s28] =	ssyncset.done $0x0  }
0x43: {  	[sflag:s28] =	ssyncadd.s32 $0xFFFFF800  }
0x44: {  	_ =	swait.ge [sflag:s28], $0x800  }
0x45: {  	[sflag:s28] =	ssyncset.done $0x0  }
0x46: {  	[sflag:s28] =	ssyncadd.s32 $0xFFFFF800  }
0x47: {  	_ =	swait.ge [sflag:s28], $0x800  }
0x48: {  	[sflag:s28] =	ssyncset.done $0x0  }
0x49: {  	[sflag:s28] =	ssyncadd.s32 $0xFFFFF800  }
0x4a: {  	_ =	swait.ge [sflag:s28], $0x800  }
0x4b: {  	[sflag:s28] =	ssyncset.done $0x0  }
0x4c: {  	[sflag:s28] =	ssyncadd.s32 $0xFFFFF800  }
0x4d: {  	_ =	swait.ge [sflag:s28], $0x800  }
0x4e: {  	[sflag:s28] =	ssyncset.done $0x0  }
0x4f: {  	[sflag:s28] =	ssyncadd.s32 $0xFFFFF800  }
0x50: {  	_ =	swait.ge [sflag:s28], $0x800  }
0x51: {  	[sflag:s28] =	ssyncset.done $0x0  }
0x52: {  	[sflag:s28] =	ssyncadd.s32 $0xFFFFF800  }
0x53: {  	_ =	swait.ge [sflag:s28], $0x800  }
0x54: {  	[sflag:s28] =	ssyncset.done $0x0  }
0x55: {  	[sflag:s28] =	ssyncadd.s32 $0xFFFFF800  }
0x56: {  	_ =	swait.ge [sflag:s28], $0x800  }
0x57: {  	s7 =	rddreg [dreg:$0x3]  }
0x58: {  	[sflag:s28] =	ssyncset.done $0x0;
	s5 =	rddreg [dreg:$0x14]  }
0x59: {  	s6 =	rddreg [dreg:$0xa];
	[sflag:s28] =	ssyncadd.s32 $0xFFFFF800;
	s4 =	sadd.s32 s5, s7  }
0x5a: {  	[hbm4b:s4+s2] =	stream.linear.scatter [tilespmem:s9], [sflag:$0x2], $0x800, $0x38;
	[tilespmem:$0x10400] =	vst v63  }
0x5b: {  	s7 =	rddreg [dreg:$0x9];
	s6 =	sadd.s32 s5, s6  }
0x5c: {  	[hbm4b:s6+s2] =	stream.linear.scatter [tilespmem:s10], [sflag:$0x2], $0x800, $0x38;
	[tilespmem:$0x10400] =	vst v63  }
0x5d: {  	s25 =	rddreg [dreg:$0x8];
	s23 =	sadd.s32 s5, s7  }
0x5e: {  	[hbm4b:s23+s2] =	stream.linear.scatter [tilespmem:s12], [sflag:$0x2], $0x800, $0x38;
	[tilespmem:$0x10400] =	vst v63  }
0x5f: {  	s7 =	rddreg [dreg:$0x7];
	s23 =	sadd.s32 s5, s25  }
0x60: {  	[hbm4b:s23+s2] =	stream.linear.scatter [tilespmem:s14], [sflag:$0x2], $0x800, $0x38;
	[tilespmem:$0x10400] =	vst v63  }
0x61: {  	s25 =	rddreg [dreg:$0x6];
	s23 =	sadd.s32 s5, s7  }
0x62: {  	[hbm4b:s23+s2] =	stream.linear.scatter [tilespmem:s16], [sflag:$0x2], $0x800, $0x38;
	[tilespmem:$0x10400] =	vst v63  }
0x63: {  	s7 =	rddreg [dreg:$0x5];
	s23 =	sadd.s32 s5, s25  }
0x64: {  	[hbm4b:s23+s2] =	stream.linear.scatter [tilespmem:s18], [sflag:$0x2], $0x800, $0x38;
	[tilespmem:$0x10400] =	vst v63  }
0x65: {  	s25 =	rddreg [dreg:$0x4];
	s23 =	sadd.s32 s5, s7  }
0x66: {  	[hbm4b:s23+s2] =	stream.linear.scatter [tilespmem:s20], [sflag:$0x2], $0x800, $0x38;
	[tilespmem:$0x10400] =	vst v63  }
0x67: {  	s7 =	sadd.s32 s5, s25  }
0x68: {  	[hbm4b:s7+s2] =	stream.linear.scatter [tilespmem:s22], [sflag:$0x2], $0x800, $0x38;
	[tilespmem:$0x10400] =	vst v63  }
0x69: {  	p0 =	por $0x1, $0x1;
	s25 =	sadd.s32 $0x800, s4;
	s23 =	rddreg [dreg:$0x2]  }
0x6a: {  	[hbm4b:s25+s2] =	stream.linear.scatter [tilespmem:s24], [sflag:$0x2], $0x800, $0x38;
	[tilespmem:$0x10400] =	vst v63  }
0x6b: {  	s6 =	simm.s32 @!p0 $0x2;
	s23 =	sadd.s32 s5, s23  }
0x6c: {  	[hbm4b:s23+s2] =	stream.linear.scatter [tilespmem:s26], [sflag:$0x2], $0x800, $0x38;
	[tilespmem:$0x10400] =	vst v63  }
0x6d: {  	_ =	swait.ge @!p0 [sflag:s6], $0x800  }
0x6e: {  	[sflag:s6] =	ssyncset.done @!p0 $0x0  }
0x6f: {  	[sflag:s6] =	ssyncadd.s32 @!p0 $0xFFFFF800  }
0x70: {  	_ =	swait.ge @!p0 [sflag:s6], $0x800  }
0x71: {  	[sflag:s6] =	ssyncset.done @!p0 $0x0  }
0x72: {  	[sflag:s6] =	ssyncadd.s32 @!p0 $0xFFFFF800  }
0x73: {  	_ =	swait.ge @!p0 [sflag:s6], $0x800  }
0x74: {  	[sflag:s6] =	ssyncset.done @!p0 $0x0  }
0x75: {  	[sflag:s6] =	ssyncadd.s32 @!p0 $0xFFFFF800  }
0x76: {  	_ =	swait.ge @!p0 [sflag:s6], $0x800  }
0x77: {  	[sflag:s6] =	ssyncset.done @!p0 $0x0  }
0x78: {  	[sflag:s6] =	ssyncadd.s32 @!p0 $0xFFFFF800  }
0x79: {  	_ =	swait.ge @!p0 [sflag:s6], $0x800  }
0x7a: {  	[sflag:s6] =	ssyncset.done @!p0 $0x0  }
0x7b: {  	[sflag:s6] =	ssyncadd.s32 @!p0 $0xFFFFF800  }
0x7c: {  	_ =	swait.ge @!p0 [sflag:s6], $0x800  }
0x7d: {  	[sflag:s6] =	ssyncset.done @!p0 $0x0  }
0x7e: {  	[sflag:s6] =	ssyncadd.s32 @!p0 $0xFFFFF800  }
0x7f: {  	_ =	swait.ge @!p0 [sflag:s6], $0x800  }
0x80: {  	[sflag:s6] =	ssyncset.done @!p0 $0x0  }
0x81: {  	[sflag:s6] =	ssyncadd.s32 @!p0 $0xFFFFF800  }
0x82: {  	_ =	swait.ge @!p0 [sflag:s6], $0x800  }
0x83: {  	[sflag:s6] =	ssyncset.done @!p0 $0x0  }
0x84: {  	[sflag:s6] =	ssyncadd.s32 @!p0 $0xFFFFF800  }
0x85: {  	_ =	swait.ge @!p0 [sflag:s6], $0x800  }
0x86: {  	[sflag:s6] =	ssyncset.done @!p0 $0x0  }
0x87: {  	[sflag:s6] =	ssyncadd.s32 @!p0 $0xFFFFF800  }
0x88: {  	_ =	swait.ge @!p0 [sflag:s6], $0x800  }
0x89: {  	[sflag:s6] =	ssyncset.done @!p0 $0x0  }
0x8a: {  	s25 =	simm.s32 $0x500;
	[sflag:s6] =	ssyncadd.s32 @!p0 $0xFFFFF800  }
0x8b: {  	[tilespmem:s29], [sflag:$0x1] =	stream.indirect.gather [hbm4b:s3+s8], $0x10, s25, s8, $0xb8;
	[tilespmem:$0x10400] =	vst v63  }
0x8c: {  	s23 =	simm.s32 $0x580  }
0x8d: {  	[tilespmem:s30], [sflag:$0x1] =	stream.indirect.gather [hbm4b:s3+s8], $0x10, s23, s8, $0xb8;
	[tilespmem:$0x10400] =	vst v63  }
0x8e: {  	s25 =	simm.s32 $0x600  }
0x8f: {  	[tilespmem:s31], [sflag:$0x1] =	stream.indirect.gather [hbm4b:s3+s8], $0x10, s25, s8, $0xb8;
	[tilespmem:$0x10400] =	vst v63  }
0x90: {  	s7 =	simm.s32 $0x680  }
0x91: {  	[tilespmem:s1], [sflag:$0x1] =	stream.indirect.gather [hbm4b:s3+s8], $0x10, s7, s8, $0xb8;
	[tilespmem:$0x10400] =	vst v63  }
0x92: {  	s23 =	simm.s32 $0x700  }
0x93: {  	[tilespmem:s0], [sflag:$0x1] =	stream.indirect.gather [hbm4b:s3+s8], $0x10, s23, s8, $0xb8;
	[tilespmem:$0x10400] =	vst v63  }
0x94: {  	s25 =	simm.s32 $0x780  }
0x95: {  	[tilespmem:s11], [sflag:$0x1] =	stream.indirect.gather [hbm4b:s3+s8], $0x10, s25, s8, $0xb8;
	[tilespmem:$0x10400] =	vst v63  }
0x96: {  	s7 =	simm.s32 $0x800  }
0x97: {  	[tilespmem:s13], [sflag:$0x1] =	stream.indirect.gather [hbm4b:s3+s8], $0x10, s7, s8, $0xb8;
	[tilespmem:$0x10400] =	vst v63  }
0x98: {  	s23 =	simm.s32 $0x880  }
0x99: {  	[tilespmem:s15], [sflag:$0x1] =	stream.indirect.gather [hbm4b:s3+s8], $0x10, s23, s8, $0xb8;
	[tilespmem:$0x10400] =	vst v63  }
0x9a: {  	s25 =	simm.s32 $0x900  }
0x9b: {  	[tilespmem:s17], [sflag:$0x1] =	stream.indirect.gather [hbm4b:s3+s8], $0x10, s25, s8, $0xb8;
	[tilespmem:$0x10400] =	vst v63  }
0x9c: {  	s7 =	simm.s32 $0x980  }
0x9d: {  	[tilespmem:s19], [sflag:$0x1] =	stream.indirect.gather [hbm4b:s3+s8], $0x10, s7, s8, $0xb8;
	[tilespmem:$0x10400] =	vst v63  }
0x9e: {  	_ =	swait.ge [sflag:s21], $0x800  }
0x9f: {  	[sflag:s21] =	ssyncset.done $0x0  }
0xa0: {  	[sflag:s21] =	ssyncadd.s32 $0xFFFFF800  }
0xa1: {  	_ =	swait.ge [sflag:s21], $0x800  }
0xa2: {  	[sflag:s21] =	ssyncset.done $0x0  }
0xa3: {  	[sflag:s21] =	ssyncadd.s32 $0xFFFFF800  }
0xa4: {  	_ =	swait.ge [sflag:s21], $0x800  }
0xa5: {  	[sflag:s21] =	ssyncset.done $0x0  }
0xa6: {  	[sflag:s21] =	ssyncadd.s32 $0xFFFFF800  }
0xa7: {  	_ =	swait.ge [sflag:s21], $0x800  }
0xa8: {  	[sflag:s21] =	ssyncset.done $0x0  }
0xa9: {  	[sflag:s21] =	ssyncadd.s32 $0xFFFFF800  }
0xaa: {  	_ =	swait.ge [sflag:s21], $0x800  }
0xab: {  	[sflag:s21] =	ssyncset.done $0x0  }
0xac: {  	[sflag:s21] =	ssyncadd.s32 $0xFFFFF800  }
0xad: {  	_ =	swait.ge [sflag:s21], $0x800  }
0xae: {  	[sflag:s21] =	ssyncset.done $0x0  }
0xaf: {  	[sflag:s21] =	ssyncadd.s32 $0xFFFFF800  }
0xb0: {  	_ =	swait.ge [sflag:s21], $0x800  }
0xb1: {  	[sflag:s21] =	ssyncset.done $0x0  }
0xb2: {  	[sflag:s21] =	ssyncadd.s32 $0xFFFFF800  }
0xb3: {  	_ =	swait.ge [sflag:s21], $0x800  }
0xb4: {  	[sflag:s21] =	ssyncset.done $0x0  }
0xb5: {  	[sflag:s21] =	ssyncadd.s32 $0xFFFFF800  }
0xb6: {  	_ =	swait.ge [sflag:s21], $0x800  }
0xb7: {  	[sflag:s21] =	ssyncset.done $0x0  }
0xb8: {  	[sflag:s21] =	ssyncadd.s32 $0xFFFFF800  }
0xb9: {  	p0 =	por $0x0, $0x0;
	_ =	swait.ge [sflag:s21], $0x800  }
0xba: {  	s6 =	simm.s32 @!p0 $0x6400;
	[sflag:s21] =	ssyncset.done $0x0  }
0xbb: {  	s25 =	simm.s32 @!p0 $0x80;
	s7 =	simm.s32 @!p0 $0xA00;
	[sflag:s21] =	ssyncadd.s32 $0xFFFFF800  }
0xbc: {  	[tilespmem:s6], [sflag:$0x1] =	stream.indirect.gather @!p0 [hbm4b:s3+s25], $0x10, s7, s25, $0xb8;
	[tilespmem:$0x10400] =	vst v63  }
0xbd: {  	s6 =	simm.s32 @!p0 $0xA80;
	s7 =	simm.s32 @!p0 $0x6C00  }
0xbe: {  	[tilespmem:s7], [sflag:$0x1] =	stream.indirect.gather @!p0 [hbm4b:s3+s25], $0x10, s6, s25, $0xb8;
	[tilespmem:$0x10400] =	vst v63  }
0xbf: {  	s6 =	simm.s32 @!p0 $0xB00;
	s7 =	simm.s32 @!p0 $0x7400  }
0xc0: {  	[tilespmem:s7], [sflag:$0x1] =	stream.indirect.gather @!p0 [hbm4b:s3+s25], $0x10, s6, s25, $0xb8;
	[tilespmem:$0x10400] =	vst v63  }
0xc1: {  	s6 =	simm.s32 @!p0 $0xB80;
	s7 =	simm.s32 @!p0 $0x7C00  }
0xc2: {  	[tilespmem:s7], [sflag:$0x1] =	stream.indirect.gather @!p0 [hbm4b:s3+s25], $0x10, s6, s25, $0xb8;
	[tilespmem:$0x10400] =	vst v63  }
0xc3: {  	s6 =	simm.s32 @!p0 $0xC00;
	s7 =	simm.s32 @!p0 $0x8400  }
0xc4: {  	[tilespmem:s7], [sflag:$0x1] =	stream.indirect.gather @!p0 [hbm4b:s3+s25], $0x10, s6, s25, $0xb8;
	[tilespmem:$0x10400] =	vst v63  }
0xc5: {  	s6 =	simm.s32 @!p0 $0xC80;
	s7 =	simm.s32 @!p0 $0x8C00  }
0xc6: {  	[tilespmem:s7], [sflag:$0x1] =	stream.indirect.gather @!p0 [hbm4b:s3+s25], $0x10, s6, s25, $0xb8;
	[tilespmem:$0x10400] =	vst v63  }
0xc7: {  	s6 =	simm.s32 @!p0 $0xD00;
	s7 =	simm.s32 @!p0 $0x9400  }
0xc8: {  	[tilespmem:s7], [sflag:$0x1] =	stream.indirect.gather @!p0 [hbm4b:s3+s25], $0x10, s6, s25, $0xb8;
	[tilespmem:$0x10400] =	vst v63  }
0xc9: {  	s6 =	simm.s32 @!p0 $0xD80;
	s7 =	simm.s32 @!p0 $0x9C00  }
0xca: {  	[tilespmem:s7], [sflag:$0x1] =	stream.indirect.gather @!p0 [hbm4b:s3+s25], $0x10, s6, s25, $0xb8;
	[tilespmem:$0x10400] =	vst v63  }
0xcb: {  	s6 =	simm.s32 @!p0 $0xE00;
	s7 =	simm.s32 @!p0 $0xA400  }
0xcc: {  	[tilespmem:s7], [sflag:$0x1] =	stream.indirect.gather @!p0 [hbm4b:s3+s25], $0x10, s6, s25, $0xb8;
	[tilespmem:$0x10400] =	vst v63  }
0xcd: {  	s6 =	simm.s32 @!p0 $0xE80;
	s7 =	simm.s32 @!p0 $0xAC00  }
0xce: {  	[tilespmem:s7], [sflag:$0x1] =	stream.indirect.gather @!p0 [hbm4b:s3+s25], $0x10, s6, s25, $0xb8;
	[tilespmem:$0x10400] =	vst v63  }
0xcf: {  	_ =	swait.ge [sflag:s28], $0x800  }
0xd0: {  	[sflag:s28] =	ssyncset.done $0x0  }
0xd1: {  	[sflag:s28] =	ssyncadd.s32 $0xFFFFF800  }
0xd2: {  	_ =	swait.ge [sflag:s28], $0x800  }
0xd3: {  	[sflag:s28] =	ssyncset.done $0x0  }
0xd4: {  	[sflag:s28] =	ssyncadd.s32 $0xFFFFF800  }
0xd5: {  	_ =	swait.ge [sflag:s28], $0x800  }
0xd6: {  	[sflag:s28] =	ssyncset.done $0x0  }
0xd7: {  	[sflag:s28] =	ssyncadd.s32 $0xFFFFF800  }
0xd8: {  	_ =	swait.ge [sflag:s28], $0x800  }
0xd9: {  	[sflag:s28] =	ssyncset.done $0x0  }
0xda: {  	[sflag:s28] =	ssyncadd.s32 $0xFFFFF800  }
0xdb: {  	_ =	swait.ge [sflag:s28], $0x800  }
0xdc: {  	[sflag:s28] =	ssyncset.done $0x0  }
0xdd: {  	[sflag:s28] =	ssyncadd.s32 $0xFFFFF800  }
0xde: {  	_ =	swait.ge [sflag:s28], $0x800  }
0xdf: {  	[sflag:s28] =	ssyncset.done $0x0  }
0xe0: {  	[sflag:s28] =	ssyncadd.s32 $0xFFFFF800  }
0xe1: {  	_ =	swait.ge [sflag:s28], $0x800  }
0xe2: {  	[sflag:s28] =	ssyncset.done $0x0  }
0xe3: {  	[sflag:s28] =	ssyncadd.s32 $0xFFFFF800  }
0xe4: {  	_ =	swait.ge [sflag:s28], $0x800  }
0xe5: {  	[sflag:s28] =	ssyncset.done $0x0  }
0xe6: {  	[sflag:s28] =	ssyncadd.s32 $0xFFFFF800  }
0xe7: {  	_ =	swait.ge [sflag:s28], $0x800  }
0xe8: {  	[sflag:s28] =	ssyncset.done $0x0  }
0xe9: {  	[sflag:s28] =	ssyncadd.s32 $0xFFFFF800  }
0xea: {  	_ =	swait.ge [sflag:s28], $0x800  }
0xeb: {  	s23 =	rddreg [dreg:$0xb];
	[sflag:s28] =	ssyncset.done $0x0  }
0xec: {  	s25 =	rddreg [dreg:$0x13];
	[sflag:s28] =	ssyncadd.s32 $0xFFFFF800;
	s6 =	sadd.s32 s5, s23  }
0xed: {  	[hbm4b:s6+s2] =	stream.linear.scatter [tilespmem:s29], [sflag:$0x2], $0x800, $0x38;
	[tilespmem:$0x10400] =	vst v63  }
0xee: {  	s23 =	rddreg [dreg:$0x12];
	s7 =	sadd.s32 s5, s25  }
0xef: {  	[hbm4b:s7+s2] =	stream.linear.scatter [tilespmem:s30], [sflag:$0x2], $0x800, $0x38;
	[tilespmem:$0x10400] =	vst v63  }
0xf0: {  	s25 =	rddreg [dreg:$0x11];
	s6 =	sadd.s32 s5, s23  }
0xf1: {  	[hbm4b:s6+s2] =	stream.linear.scatter [tilespmem:s31], [sflag:$0x2], $0x800, $0x38;
	[tilespmem:$0x10400] =	vst v63  }
0xf2: {  	s23 =	rddreg [dreg:$0x10];
	s7 =	sadd.s32 s5, s25  }
0xf3: {  	[hbm4b:s7+s2] =	stream.linear.scatter [tilespmem:s1], [sflag:$0x2], $0x800, $0x38;
	[tilespmem:$0x10400] =	vst v63  }
0xf4: {  	s25 =	rddreg [dreg:$0xf];
	s6 =	sadd.s32 s5, s23  }
0xf5: {  	[hbm4b:s6+s2] =	stream.linear.scatter [tilespmem:s0], [sflag:$0x2], $0x800, $0x38;
	[tilespmem:$0x10400] =	vst v63  }
0xf6: {  	s7 =	sadd.s32 s5, s25  }
0xf7: {  	[hbm4b:s7+s2] =	stream.linear.scatter [tilespmem:s11], [sflag:$0x2], $0x800, $0x38;
	[tilespmem:$0x10400] =	vst v63  }
0xf8: {  	s4 =	sadd.s32 $0x1000, s4;
	s23 =	rddreg [dreg:$0xe]  }
0xf9: {  	[hbm4b:s4+s2] =	stream.linear.scatter [tilespmem:s13], [sflag:$0x2], $0x800, $0x38;
	[tilespmem:$0x10400] =	vst v63  }
0xfa: {  	s25 =	rddreg [dreg:$0xd];
	s6 =	sadd.s32 s5, s23  }
0xfb: {  	[hbm4b:s6+s2] =	stream.linear.scatter [tilespmem:s15], [sflag:$0x2], $0x800, $0x38;
	[tilespmem:$0x10400] =	vst v63  }
0xfc: {  	s25 =	sadd.s32 s5, s25;
	s23 =	rddreg [dreg:$0xc]  }
0xfd: {  	[hbm4b:s25+s2] =	stream.linear.scatter [tilespmem:s17], [sflag:$0x2], $0x800, $0x38;
	[tilespmem:$0x10400] =	vst v63  }
0xfe: {  	s4 =	smov.u32 s5;
	s6 =	sadd.s32 s5, s23;
	s25 =	simm.s32 $0x2800  }
.LBB2_2:
0xff: {  	[hbm4b:s6+s2] =	stream.linear.scatter [tilespmem:s19], [sflag:$0x2], $0x800, $0x38;
	[tilespmem:$0x10400] =	vst v63  }
0x100: {  	_ =	swait.ge [sflag:s28], $0x800  }
0x101: {  	[sflag:s28] =	ssyncset.done $0x0  }
0x102: {  	[sflag:s28] =	ssyncadd.s32 $0xFFFFF800  }
0x103: {  	_ =	swait.ge [sflag:s28], $0x800  }
0x104: {  	[sflag:s28] =	ssyncset.done $0x0  }
0x105: {  	[sflag:s28] =	ssyncadd.s32 $0xFFFFF800  }
0x106: {  	_ =	swait.ge [sflag:s28], $0x800  }
0x107: {  	[sflag:s28] =	ssyncset.done $0x0  }
0x108: {  	[sflag:s28] =	ssyncadd.s32 $0xFFFFF800  }
0x109: {  	_ =	swait.ge [sflag:s28], $0x800  }
0x10a: {  	[sflag:s28] =	ssyncset.done $0x0  }
0x10b: {  	[sflag:s28] =	ssyncadd.s32 $0xFFFFF800  }
0x10c: {  	_ =	swait.ge [sflag:s28], $0x800  }
0x10d: {  	[sflag:s28] =	ssyncset.done $0x0  }
0x10e: {  	[sflag:s28] =	ssyncadd.s32 $0xFFFFF800  }
0x10f: {  	_ =	swait.ge [sflag:s28], $0x800  }
0x110: {  	[sflag:s28] =	ssyncset.done $0x0  }
0x111: {  	[sflag:s28] =	ssyncadd.s32 $0xFFFFF800  }
0x112: {  	_ =	swait.ge [sflag:s28], $0x800  }
0x113: {  	[sflag:s28] =	ssyncset.done $0x0  }
0x114: {  	[sflag:s28] =	ssyncadd.s32 $0xFFFFF800  }
0x115: {  	_ =	swait.ge [sflag:s28], $0x800  }
0x116: {  	[sflag:s28] =	ssyncset.done $0x0  }
0x117: {  	[sflag:s28] =	ssyncadd.s32 $0xFFFFF800  }
0x118: {  	_ =	swait.ge [sflag:s28], $0x800  }
0x119: {  	[sflag:s28] =	ssyncset.done $0x0  }
0x11a: {  	[sflag:s28] =	ssyncadd.s32 $0xFFFFF800  }
0x11b: {  	_ =	swait.ge [sflag:s28], $0x800  }
0x11c: {  	s4 =	sadd.s32 $0x1400, s4;
	s5 =	rddreg [dreg:$0x3];
	[sflag:s28] =	ssyncset.done $0x0  }
0x11d: {  	s23 =	rddreg [dreg:$0xa];
	[sflag:s28] =	ssyncadd.s32 $0xFFFFF800;
	s6 =	sadd.s32 s4, s5  }
0x11e: {  	[hbm4b:s6+s2] =	stream.linear.scatter [tilespmem:s9], [sflag:$0x2], $0x800, $0x38;
	[tilespmem:$0x10400] =	vst v63  }
0x11f: {  	s5 =	rddreg [dreg:$0x9];
	s23 =	sadd.s32 s4, s23  }
0x120: {  	[hbm4b:s23+s2] =	stream.linear.scatter [tilespmem:s10], [sflag:$0x2], $0x800, $0x38;
	[tilespmem:$0x10400] =	vst v63  }
0x121: {  	s9 =	rddreg [dreg:$0x8];
	s5 =	sadd.s32 s4, s5  }
0x122: {  	[hbm4b:s5+s2] =	stream.linear.scatter [tilespmem:s12], [sflag:$0x2], $0x800, $0x38;
	[tilespmem:$0x10400] =	vst v63  }
0x123: {  	s9 =	sadd.s32 s4, s9;
	s23 =	rddreg [dreg:$0x7]  }
0x124: {  	[hbm4b:s9+s2] =	stream.linear.scatter [tilespmem:s14], [sflag:$0x2], $0x800, $0x38;
	[tilespmem:$0x10400] =	vst v63  }
0x125: {  	s10 =	rddreg [dreg:$0x6];
	s12 =	sadd.s32 s4, s23  }
0x126: {  	[hbm4b:s12+s2] =	stream.linear.scatter [tilespmem:s16], [sflag:$0x2], $0x800, $0x38;
	[tilespmem:$0x10400] =	vst v63  }
0x127: {  	s10 =	sadd.s32 s4, s10;
	s14 =	rddreg [dreg:$0x5]  }
0x128: {  	[hbm4b:s10+s2] =	stream.linear.scatter [tilespmem:s18], [sflag:$0x2], $0x800, $0x38;
	[tilespmem:$0x10400] =	vst v63  }
0x129: {  	s14 =	sadd.s32 s4, s14;
	s12 =	rddreg [dreg:$0x4]  }
0x12a: {  	[hbm4b:s14+s2] =	stream.linear.scatter [tilespmem:s20], [sflag:$0x2], $0x800, $0x38;
	[tilespmem:$0x10400] =	vst v63  }
0x12b: {  	s7 =	smov.u32 s25;
	s16 =	sadd.s32 s4, s12  }
0x12c: {  	[hbm4b:s16+s2] =	stream.linear.scatter [tilespmem:s22], [sflag:$0x2], $0x800, $0x38;
	[tilespmem:$0x10400] =	vst v63  }
0x12d: {  	p1 =	seq.s32 s7, $0x0;
	s23 =	sadd.s32 $0x800, s6;
	s18 =	rddreg [dreg:$0x2]  }
0x12e: {  	[hbm4b:s23+s2] =	stream.linear.scatter [tilespmem:s24], [sflag:$0x2], $0x800, $0x38;
	[tilespmem:$0x10400] =	vst v63  }
0x12f: {  	s5 =	simm.s32 @!p1 $0x2;
	s10 =	sadd.s32 s4, s18  }
0x130: {  	[hbm4b:s10+s2] =	stream.linear.scatter [tilespmem:s26], [sflag:$0x2], $0x800, $0x38;
	[tilespmem:$0x10400] =	vst v63  }
0x131: {  	_ =	swait.ge @!p1 [sflag:s5], $0x800  }
0x132: {  	[sflag:s5] =	ssyncset.done @!p1 $0x0  }
0x133: {  	[sflag:s5] =	ssyncadd.s32 @!p1 $0xFFFFF800  }
0x134: {  	_ =	swait.ge @!p1 [sflag:s5], $0x800  }
0x135: {  	[sflag:s5] =	ssyncset.done @!p1 $0x0  }
0x136: {  	[sflag:s5] =	ssyncadd.s32 @!p1 $0xFFFFF800  }
0x137: {  	_ =	swait.ge @!p1 [sflag:s5], $0x800  }
0x138: {  	[sflag:s5] =	ssyncset.done @!p1 $0x0  }
0x139: {  	[sflag:s5] =	ssyncadd.s32 @!p1 $0xFFFFF800  }
0x13a: {  	_ =	swait.ge @!p1 [sflag:s5], $0x800  }
0x13b: {  	[sflag:s5] =	ssyncset.done @!p1 $0x0  }
0x13c: {  	[sflag:s5] =	ssyncadd.s32 @!p1 $0xFFFFF800  }
0x13d: {  	_ =	swait.ge @!p1 [sflag:s5], $0x800  }
0x13e: {  	[sflag:s5] =	ssyncset.done @!p1 $0x0  }
0x13f: {  	[sflag:s5] =	ssyncadd.s32 @!p1 $0xFFFFF800  }
0x140: {  	_ =	swait.ge @!p1 [sflag:s5], $0x800  }
0x141: {  	[sflag:s5] =	ssyncset.done @!p1 $0x0  }
0x142: {  	[sflag:s5] =	ssyncadd.s32 @!p1 $0xFFFFF800  }
0x143: {  	_ =	swait.ge @!p1 [sflag:s5], $0x800  }
0x144: {  	[sflag:s5] =	ssyncset.done @!p1 $0x0  }
0x145: {  	[sflag:s5] =	ssyncadd.s32 @!p1 $0xFFFFF800  }
0x146: {  	_ =	swait.ge @!p1 [sflag:s5], $0x800  }
0x147: {  	[sflag:s5] =	ssyncset.done @!p1 $0x0  }
0x148: {  	[sflag:s5] =	ssyncadd.s32 @!p1 $0xFFFFF800  }
0x149: {  	_ =	swait.ge @!p1 [sflag:s5], $0x800  }
0x14a: {  	[sflag:s5] =	ssyncset.done @!p1 $0x0  }
0x14b: {  	[sflag:s5] =	ssyncadd.s32 @!p1 $0xFFFFF800  }
0x14c: {  	_ =	swait.ge @!p1 [sflag:s5], $0x800  }
0x14d: {  	s9 =	sshra.s32 s7, $0x2;
	[sflag:s5] =	ssyncset.done @!p1 $0x0  }
0x14e: {  	s12 =	sadd.s32 $0x500, s9;
	[sflag:s5] =	ssyncadd.s32 @!p1 $0xFFFFF800  }
0x14f: {  	[tilespmem:s29], [sflag:$0x1] =	stream.indirect.gather [hbm4b:s3+s8], $0x10, s12, s8, $0xb8;
	[tilespmem:$0x10400] =	vst v63  }
0x150: {  	s14 =	sadd.s32 $0x580, s9  }
0x151: {  	[tilespmem:s30], [sflag:$0x1] =	stream.indirect.gather [hbm4b:s3+s8], $0x10, s14, s8, $0xb8;
	[tilespmem:$0x10400] =	vst v63  }
0x152: {  	s16 =	sadd.s32 $0x600, s9  }
0x153: {  	[tilespmem:s31], [sflag:$0x1] =	stream.indirect.gather [hbm4b:s3+s8], $0x10, s16, s8, $0xb8;
	[tilespmem:$0x10400] =	vst v63  }
0x154: {  	s18 =	sadd.s32 $0x680, s9  }
0x155: {  	[tilespmem:s1], [sflag:$0x1] =	stream.indirect.gather [hbm4b:s3+s8], $0x10, s18, s8, $0xb8;
	[tilespmem:$0x10400] =	vst v63  }
0x156: {  	s10 =	sadd.s32 $0x700, s9  }
0x157: {  	[tilespmem:s0], [sflag:$0x1] =	stream.indirect.gather [hbm4b:s3+s8], $0x10, s10, s8, $0xb8;
	[tilespmem:$0x10400] =	vst v63  }
0x158: {  	s12 =	sadd.s32 $0x780, s9  }
0x159: {  	[tilespmem:s11], [sflag:$0x1] =	stream.indirect.gather [hbm4b:s3+s8], $0x10, s12, s8, $0xb8;
	[tilespmem:$0x10400] =	vst v63  }
0x15a: {  	s14 =	sadd.s32 $0x800, s9  }
0x15b: {  	[tilespmem:s13], [sflag:$0x1] =	stream.indirect.gather [hbm4b:s3+s8], $0x10, s14, s8, $0xb8;
	[tilespmem:$0x10400] =	vst v63  }
0x15c: {  	s16 =	sadd.s32 $0x880, s9  }
0x15d: {  	[tilespmem:s15], [sflag:$0x1] =	stream.indirect.gather [hbm4b:s3+s8], $0x10, s16, s8, $0xb8;
	[tilespmem:$0x10400] =	vst v63  }
0x15e: {  	s18 =	sadd.s32 $0x900, s9  }
0x15f: {  	[tilespmem:s17], [sflag:$0x1] =	stream.indirect.gather [hbm4b:s3+s8], $0x10, s18, s8, $0xb8;
	[tilespmem:$0x10400] =	vst v63  }
0x160: {  	s9 =	sadd.s32 $0x980, s9  }
0x161: {  	[tilespmem:s19], [sflag:$0x1] =	stream.indirect.gather [hbm4b:s3+s8], $0x10, s9, s8, $0xb8;
	[tilespmem:$0x10400] =	vst v63  }
0x162: {  	_ =	swait.ge [sflag:s21], $0x800  }
0x163: {  	[sflag:s21] =	ssyncset.done $0x0  }
0x164: {  	[sflag:s21] =	ssyncadd.s32 $0xFFFFF800  }
0x165: {  	_ =	swait.ge [sflag:s21], $0x800  }
0x166: {  	[sflag:s21] =	ssyncset.done $0x0  }
0x167: {  	[sflag:s21] =	ssyncadd.s32 $0xFFFFF800  }
0x168: {  	_ =	swait.ge [sflag:s21], $0x800  }
0x169: {  	[sflag:s21] =	ssyncset.done $0x0  }
0x16a: {  	[sflag:s21] =	ssyncadd.s32 $0xFFFFF800  }
0x16b: {  	_ =	swait.ge [sflag:s21], $0x800  }
0x16c: {  	[sflag:s21] =	ssyncset.done $0x0  }
0x16d: {  	[sflag:s21] =	ssyncadd.s32 $0xFFFFF800  }
0x16e: {  	_ =	swait.ge [sflag:s21], $0x800  }
0x16f: {  	[sflag:s21] =	ssyncset.done $0x0  }
0x170: {  	[sflag:s21] =	ssyncadd.s32 $0xFFFFF800  }
0x171: {  	_ =	swait.ge [sflag:s21], $0x800  }
0x172: {  	[sflag:s21] =	ssyncset.done $0x0  }
0x173: {  	[sflag:s21] =	ssyncadd.s32 $0xFFFFF800  }
0x174: {  	_ =	swait.ge [sflag:s21], $0x800  }
0x175: {  	[sflag:s21] =	ssyncset.done $0x0  }
0x176: {  	[sflag:s21] =	ssyncadd.s32 $0xFFFFF800  }
0x177: {  	_ =	swait.ge [sflag:s21], $0x800  }
0x178: {  	[sflag:s21] =	ssyncset.done $0x0  }
0x179: {  	[sflag:s21] =	ssyncadd.s32 $0xFFFFF800  }
0x17a: {  	_ =	swait.ge [sflag:s21], $0x800  }
0x17b: {  	[sflag:s21] =	ssyncset.done $0x0  }
0x17c: {  	[sflag:s21] =	ssyncadd.s32 $0xFFFFF800  }
0x17d: {  	p1 =	seq.s32 s7, $0x16800;
	_ =	swait.ge [sflag:s21], $0x800  }
0x17e: {  	s5 =	sshra.s32 @!p1 s7, $0x2;
	s7 =	simm.s32 @!p1 $0x6400;
	[sflag:s21] =	ssyncset.done $0x0  }
0x17f: {  	s23 =	simm.s32 @!p1 $0x80;
	s9 =	sadd.s32 @!p1 $0xA00, s5;
	[sflag:s21] =	ssyncadd.s32 $0xFFFFF800  }
0x180: {  	[tilespmem:s7], [sflag:$0x1] =	stream.indirect.gather @!p1 [hbm4b:s3+s23], $0x10, s9, s23, $0xb8;
	[tilespmem:$0x10400] =	vst v63  }
0x181: {  	s10 =	sadd.s32 @!p1 $0xA80, s5;
	s12 =	simm.s32 @!p1 $0x6C00  }
0x182: {  	[tilespmem:s12], [sflag:$0x1] =	stream.indirect.gather @!p1 [hbm4b:s3+s23], $0x10, s10, s23, $0xb8;
	[tilespmem:$0x10400] =	vst v63  }
0x183: {  	s7 =	sadd.s32 @!p1 $0xB00, s5;
	s9 =	simm.s32 @!p1 $0x7400  }
0x184: {  	[tilespmem:s9], [sflag:$0x1] =	stream.indirect.gather @!p1 [hbm4b:s3+s23], $0x10, s7, s23, $0xb8;
	[tilespmem:$0x10400] =	vst v63  }
0x185: {  	s14 =	sadd.s32 @!p1 $0xB80, s5;
	s10 =	simm.s32 @!p1 $0x7C00  }
0x186: {  	[tilespmem:s10], [sflag:$0x1] =	stream.indirect.gather @!p1 [hbm4b:s3+s23], $0x10, s14, s23, $0xb8;
	[tilespmem:$0x10400] =	vst v63  }
0x187: {  	s12 =	sadd.s32 @!p1 $0xC00, s5;
	s7 =	simm.s32 @!p1 $0x8400  }
0x188: {  	[tilespmem:s7], [sflag:$0x1] =	stream.indirect.gather @!p1 [hbm4b:s3+s23], $0x10, s12, s23, $0xb8;
	[tilespmem:$0x10400] =	vst v63  }
0x189: {  	s16 =	sadd.s32 @!p1 $0xC80, s5;
	s10 =	simm.s32 @!p1 $0x8C00  }
0x18a: {  	[tilespmem:s10], [sflag:$0x1] =	stream.indirect.gather @!p1 [hbm4b:s3+s23], $0x10, s16, s23, $0xb8;
	[tilespmem:$0x10400] =	vst v63  }
0x18b: {  	s9 =	sadd.s32 @!p1 $0xD00, s5;
	s7 =	simm.s32 @!p1 $0x9400  }
0x18c: {  	[tilespmem:s7], [sflag:$0x1] =	stream.indirect.gather @!p1 [hbm4b:s3+s23], $0x10, s9, s23, $0xb8;
	[tilespmem:$0x10400] =	vst v63  }
0x18d: {  	s18 =	sadd.s32 @!p1 $0xD80, s5;
	s10 =	simm.s32 @!p1 $0x9C00  }
0x18e: {  	[tilespmem:s10], [sflag:$0x1] =	stream.indirect.gather @!p1 [hbm4b:s3+s23], $0x10, s18, s23, $0xb8;
	[tilespmem:$0x10400] =	vst v63  }
0x18f: {  	s14 =	sadd.s32 @!p1 $0xE00, s5;
	s7 =	simm.s32 @!p1 $0xA400  }
0x190: {  	[tilespmem:s7], [sflag:$0x1] =	stream.indirect.gather @!p1 [hbm4b:s3+s23], $0x10, s14, s23, $0xb8;
	[tilespmem:$0x10400] =	vst v63  }
0x191: {  	s5 =	sadd.s32 @!p1 $0xE80, s5;
	s9 =	simm.s32 @!p1 $0xAC00  }
0x192: {  	[tilespmem:s9], [sflag:$0x1] =	stream.indirect.gather @!p1 [hbm4b:s3+s23], $0x10, s5, s23, $0xb8;
	[tilespmem:$0x10400] =	vst v63  }
0x193: {  	_ =	swait.ge [sflag:s28], $0x800  }
0x194: {  	[sflag:s28] =	ssyncset.done $0x0  }
0x195: {  	[sflag:s28] =	ssyncadd.s32 $0xFFFFF800  }
0x196: {  	_ =	swait.ge [sflag:s28], $0x800  }
0x197: {  	[sflag:s28] =	ssyncset.done $0x0  }
0x198: {  	[sflag:s28] =	ssyncadd.s32 $0xFFFFF800  }
0x199: {  	_ =	swait.ge [sflag:s28], $0x800  }
0x19a: {  	[sflag:s28] =	ssyncset.done $0x0  }
0x19b: {  	[sflag:s28] =	ssyncadd.s32 $0xFFFFF800  }
0x19c: {  	_ =	swait.ge [sflag:s28], $0x800  }
0x19d: {  	[sflag:s28] =	ssyncset.done $0x0  }
0x19e: {  	[sflag:s28] =	ssyncadd.s32 $0xFFFFF800  }
0x19f: {  	_ =	swait.ge [sflag:s28], $0x800  }
0x1a0: {  	[sflag:s28] =	ssyncset.done $0x0  }
0x1a1: {  	[sflag:s28] =	ssyncadd.s32 $0xFFFFF800  }
0x1a2: {  	_ =	swait.ge [sflag:s28], $0x800  }
0x1a3: {  	[sflag:s28] =	ssyncset.done $0x0  }
0x1a4: {  	[sflag:s28] =	ssyncadd.s32 $0xFFFFF800  }
0x1a5: {  	_ =	swait.ge [sflag:s28], $0x800  }
0x1a6: {  	[sflag:s28] =	ssyncset.done $0x0  }
0x1a7: {  	[sflag:s28] =	ssyncadd.s32 $0xFFFFF800  }
0x1a8: {  	_ =	swait.ge [sflag:s28], $0x800  }
0x1a9: {  	[sflag:s28] =	ssyncset.done $0x0  }
0x1aa: {  	[sflag:s28] =	ssyncadd.s32 $0xFFFFF800  }
0x1ab: {  	_ =	swait.ge [sflag:s28], $0x800  }
0x1ac: {  	[sflag:s28] =	ssyncset.done $0x0  }
0x1ad: {  	[sflag:s28] =	ssyncadd.s32 $0xFFFFF800  }
0x1ae: {  	_ =	swait.ge [sflag:s28], $0x800  }
0x1af: {  	s10 =	rddreg [dreg:$0xb];
	[sflag:s28] =	ssyncset.done $0x0  }
0x1b0: {  	s23 =	rddreg [dreg:$0x13];
	[sflag:s28] =	ssyncadd.s32 $0xFFFFF800;
	s5 =	sadd.s32 s4, s10  }
0x1b1: {  	[hbm4b:s5+s2] =	stream.linear.scatter [tilespmem:s29], [sflag:$0x2], $0x800, $0x38;
	[tilespmem:$0x10400] =	vst v63  }
0x1b2: {  	s9 =	rddreg [dreg:$0x12];
	s23 =	sadd.s32 s4, s23  }
0x1b3: {  	[hbm4b:s23+s2] =	stream.linear.scatter [tilespmem:s30], [sflag:$0x2], $0x800, $0x38;
	[tilespmem:$0x10400] =	vst v63  }
0x1b4: {  	s10 =	rddreg [dreg:$0x11];
	s7 =	sadd.s32 s4, s9  }
0x1b5: {  	[hbm4b:s7+s2] =	stream.linear.scatter [tilespmem:s31], [sflag:$0x2], $0x800, $0x38;
	[tilespmem:$0x10400] =	vst v63  }
0x1b6: {  	s25 =	sadd.s32 $0x2800, s25;
	s9 =	rddreg [dreg:$0x10];
	s10 =	sadd.s32 s4, s10  }
0x1b7: {  	[hbm4b:s10+s2] =	stream.linear.scatter [tilespmem:s1], [sflag:$0x2], $0x800, $0x38;
	[tilespmem:$0x10400] =	vst v63  }
0x1b8: {  	p0 =	sne.s32 s25, $0x19000;
	s23 =	rddreg [dreg:$0xf];
	s7 =	sadd.s32 s4, s9  }
0x1b9: {  	[hbm4b:s7+s2] =	stream.linear.scatter [tilespmem:s0], [sflag:$0x2], $0x800, $0x38;
	[tilespmem:$0x10400] =	vst v63  }
0x1ba: {  	s6 =	sadd.s32 $0x1000, s6;
	s12 =	simm.s32 $0x7400;
	s10 =	sadd.s32 s4, s23  }
0x1bb: {  	[hbm4b:s10+s2] =	stream.linear.scatter [tilespmem:s11], [sflag:$0x2], $0x800, $0x38;
	[tilespmem:$0x10400] =	vst v63  }
0x1bc: {  	s16 =	simm.s32 $0x8400;
	s18 =	simm.s32 $0x8C00;
	s9 =	rddreg [dreg:$0xe]  }
0x1bd: {  	[hbm4b:s6+s2] =	stream.linear.scatter [tilespmem:s13], [sflag:$0x2], $0x800, $0x38;
	[tilespmem:$0x10400] =	vst v63  }
.Ltmp0:
0x1be: {  	s14 =	simm.s32 $0x7C00;
	s23 =	rddreg [dreg:$0xd];
	(pc) =	sbr.rel @p0 .LBB2_2-.Ltmp0, $4  }
0x1bf: {  	s9 =	sadd.s32 s4, s9;
	s23 =	sadd.s32 s4, s23;
	s7 =	rddreg [dreg:$0xc]  }
0x1c0: {  	[hbm4b:s9+s2] =	stream.linear.scatter [tilespmem:s15], [sflag:$0x2], $0x800, $0x38;
	[tilespmem:$0x10400] =	vst v63  }
0x1c1: {  	s10 =	simm.s32 $0x6C00;
	s6 =	sadd.s32 s4, s7;
	s9 =	simm.s32 $0x6400  }
0x1c2: {  	[hbm4b:s23+s2] =	stream.linear.scatter [tilespmem:s17], [sflag:$0x2], $0x800, $0x38;
	[tilespmem:$0x10400] =	vst v63  }
0x1c3: {  	[hbm4b:s6+s2] =	stream.linear.scatter [tilespmem:s19], [sflag:$0x2], $0x800, $0x38;
	[tilespmem:$0x10400] =	vst v63  }
0x1c4: {  	_ =	swait.ge [sflag:s21], $0x800  }
0x1c5: {  	[sflag:s21] =	ssyncset.done $0x0  }
0x1c6: {  	[sflag:s21] =	ssyncadd.s32 $0xFFFFF800  }
0x1c7: {  	_ =	swait.ge [sflag:s21], $0x800  }
0x1c8: {  	[sflag:s21] =	ssyncset.done $0x0  }
0x1c9: {  	[sflag:s21] =	ssyncadd.s32 $0xFFFFF800  }
0x1ca: {  	_ =	swait.ge [sflag:s21], $0x800  }
0x1cb: {  	[sflag:s21] =	ssyncset.done $0x0  }
0x1cc: {  	[sflag:s21] =	ssyncadd.s32 $0xFFFFF800  }
0x1cd: {  	_ =	swait.ge [sflag:s21], $0x800  }
0x1ce: {  	[sflag:s21] =	ssyncset.done $0x0  }
0x1cf: {  	[sflag:s21] =	ssyncadd.s32 $0xFFFFF800  }
0x1d0: {  	_ =	swait.ge [sflag:s21], $0x800  }
0x1d1: {  	[sflag:s21] =	ssyncset.done $0x0  }
0x1d2: {  	[sflag:s21] =	ssyncadd.s32 $0xFFFFF800  }
0x1d3: {  	_ =	swait.ge [sflag:s21], $0x800  }
0x1d4: {  	[sflag:s21] =	ssyncset.done $0x0  }
0x1d5: {  	[sflag:s21] =	ssyncadd.s32 $0xFFFFF800  }
0x1d6: {  	_ =	swait.ge [sflag:s21], $0x800  }
0x1d7: {  	[sflag:s21] =	ssyncset.done $0x0  }
0x1d8: {  	[sflag:s21] =	ssyncadd.s32 $0xFFFFF800  }
0x1d9: {  	_ =	swait.ge [sflag:s21], $0x800  }
0x1da: {  	[sflag:s21] =	ssyncset.done $0x0  }
0x1db: {  	[sflag:s21] =	ssyncadd.s32 $0xFFFFF800  }
0x1dc: {  	_ =	swait.ge [sflag:s21], $0x800  }
0x1dd: {  	[sflag:s21] =	ssyncset.done $0x0  }
0x1de: {  	[sflag:s21] =	ssyncadd.s32 $0xFFFFF800  }
0x1df: {  	_ =	swait.ge [sflag:s21], $0x800  }
0x1e0: {  	s5 =	rddreg [dreg:$0x17]  }
0x1e1: {  	s4 =	rddreg [dreg:$0x16];
	s5 =	sadd.s32 $0x1, s5  }
0x1e2: {  	p0 =	sne.s32 s5, s4  }
.Ltmp1:
0x1e3: {  	_ = 	snop;
	(pc) =	sbr.rel @p0 .LBB2_1-.Ltmp1, $3  }
0x1e4: {  	_ =	sdelay $0x1  }
0x1e5: {  	[sflag:s21] =	ssyncset.done $0x0  }
0x1e6: {  	[sflag:s21] =	ssyncadd.s32 $0xFFFFF800  }
0x1e7: {  	_ =	sfence.sel $0x180000  }
0x1e8: {  	[bflag:$0x0] =	sbarrier.arrive $0xFFFF  }
0x1e9: {  	_ =	strace $0x90000047  }
0x1ea: {  	s0 =	stileid.u32;
	[bflag:$0x2] =	sbarrier.arrive $0xFFFF  }
0x1eb: {  	p0 =	sne.s32 s0, $0x0;
	s0 =	rddreg [dreg:$0x1]  }
0x1ec: {  	s0 =	sadd.s32 @!p0 $0x100000, s0  }
0x1ed: {  	[sflag:s0] =	ssyncadd.tile.s32 @!p0 $0x1;
	_ =	shalt  }
.Lfunc_end2:
_tile_overlayer_lowered:
.L_overlay_start_2:
0x1ee: {  	(tag) =	ssettag $0x2  }
0x1ef: {  	s0 =	rddreg [dreg:$0x0];
	s2 =	stileid.u32  }
0x1f0: {  	s1 =	rddreg [dreg:$0x1];
	p0 =	sne.s32 s2, $0x0  }
0x1f1: {  	s3 =	rddreg [dreg:$0x2];
	[bflag:$0x3] =	sbarrier.arrive $0xFFFF;
	s2 =	simm.s32 @!p0 $0x1C03  }
0x1f2: {  	[timem:s3], [sflag:s2] =	dma.local @!p0 [hbm:s0], s1  }
0x1f3: {  	s0 =	simm.s32 @!p0 $0x3  }
0x1f4: {  	_ =	swait.ge @!p0 [sflag:s0], s1  }
0x1f5: {  	s1 =	ssub.s32 @!p0 $0x0, s1;
	[sflag:s0] =	ssyncset.done @!p0 $0x0  }
0x1f6: {  	[sflag:s0] =	ssyncadd.s32 @!p0 s1  }
0x1f7: {  	[bflag:$0x3] =	sbarrier.arrive $0xFFFF  }
0x1f8: {  	_ =	shalt  }

</sc_bundles>
